<compile_context>
chip_gen: v7x
topology: tpu7x:2x2x1
jax: 0.10.2.dev20260603
libtpu: 0.0.44.dev20260713+nightly
codegen_flags: <defaults>
</compile_context>

<pallas_src>
import functools
import jax
import jax.numpy as jnp
from jax import lax
from jax.experimental import pallas as pl
from jax.experimental.pallas import tpu as pltpu
from jax.experimental.pallas import tpu_sc as plsc

_N_UIDS = 8192
_TOPK = 20
_BATCH = 32
_ROWS = 32 * 128
_D = 512
_UID_BLK = 1024
_ROW_BLK = 128

_NJ = 0
_R_TC = _ROWS - _NJ
_NTILES = 32
_CH = 8
_NRT = _NJ // _NTILES
_USLC = _N_UIDS // _NTILES

_NEG = float("-inf")
_BIGI = 2 ** 30


def _gate_body(qt_ref, w_ref, b_ref, o_ref):
    s = jax.lax.dot_general(w_ref[...], qt_ref[...],
                            (((1,), (0,)), ((), ())),
                            preferred_element_type=jnp.float32)
    mv = jnp.sum(s, axis=1) * (1.0 / _BATCH)
    o_ref[...] = mv[None, None, :] + b_ref[...]


def _gate_stage(query, gate_W, gate_b):
    nblk = _N_UIDS // _UID_BLK
    b3 = gate_b.reshape(nblk, 1, _UID_BLK)
    qt = jnp.swapaxes(query, 0, 1)
    out = pl.pallas_call(
        _gate_body,
        grid=(nblk,),
        in_specs=[
            pl.BlockSpec(qt.shape, lambda i: (0, 0)),
            pl.BlockSpec((_UID_BLK, gate_W.shape[1]), lambda i: (i, 0)),
            pl.BlockSpec((1, 1, _UID_BLK), lambda i: (i, 0, 0)),
        ],
        out_specs=pl.BlockSpec((1, 1, _UID_BLK), lambda i: (i, 0, 0)),
        out_shape=jax.ShapeDtypeStruct((nblk, 1, _UID_BLK), jnp.float32),
    )(qt, gate_W, b3)
    return out.reshape(_N_UIDS // 128, 128)


def _topk_body(mw_ref, tw_ref, ti_ref):
    vals = mw_ref[...]
    ridx = jax.lax.broadcasted_iota(jnp.int32, vals.shape, 0)
    cidx = jax.lax.broadcasted_iota(jnp.int32, vals.shape, 1)
    flat = ridx * 128 + cidx
    tvals, tidxs = [], []
    for _ in range(_TOPK):
        m = jnp.max(vals)
        i = jnp.min(jnp.where(vals == m, flat, _BIGI))
        tvals.append(m)
        tidxs.append(i)
        vals = jnp.where(flat == i, _NEG, vals)

    lane = jax.lax.broadcasted_iota(jnp.int32, (1, 128), 1)
    tw = jnp.zeros((1, 128), jnp.float32)
    ti = jnp.zeros((1, 128), jnp.int32)
    for r in range(_TOPK):
        tw = jnp.where(lane == r, tvals[r], tw)
        ti = jnp.where(lane == r, tidxs[r], ti)
    tw_ref[...] = tw
    ti_ref[...] = ti


def _topk_stage(mw):
    tw, ti = pl.pallas_call(
        _topk_body,
        out_shape=[
            jax.ShapeDtypeStruct((1, 128), jnp.float32),
            jax.ShapeDtypeStruct((1, 128), jnp.int32),
        ],
    )(mw)
    return tw, ti


def _sc_scatter_part(wid, lane, tw_h, ti_h, ow_h, rs_h, sb_v, sb_i, ow_t, rs_t):
    pltpu.sync_copy(tw_h, sb_v)
    pltpu.sync_copy(ti_h, sb_i)
    v0 = sb_v[pl.ds(0, 16)]
    v1 = sb_v[pl.ds(16, 16)]
    i0 = sb_i[pl.ds(0, 16)]
    i1 = sb_i[pl.ds(16, 16)]
    valid1 = lane < (_TOPK - 16)

    mn = jnp.minimum(jnp.min(v0),
                     jnp.min(jnp.where(valid1, v1, jnp.float32(float("inf")))))
    total = jnp.sum(v0 - mn) + jnp.sum(jnp.where(valid1, v1 - mn, 0.0))
    s0 = (v0 - mn) / total
    s1 = jnp.where(valid1, (v1 - mn) / total, 0.0)
    ubase = wid * _USLC
    ik = [jnp.full((16,), i0[k], jnp.int32) for k in range(16)]
    ik += [jnp.full((16,), i1[k - 16], jnp.int32) for k in range(16, _TOPK)]
    sk = [jnp.full((16,), s0[k], jnp.float32) for k in range(16)]
    sk += [jnp.full((16,), s1[k - 16], jnp.float32) for k in range(16, _TOPK)]
    bsz = jnp.full((16,), float(_BATCH), jnp.float32)
    zero16 = jnp.zeros((16,), jnp.float32)
    for j in range(_USLC // 16):
        posg = lane + (ubase + j * 16)
        acc_ow = zero16
        acc_rs = zero16
        for k in range(_TOPK):
            hit = posg == ik[k]
            acc_ow = jnp.where(hit, sk[k], acc_ow)
            acc_rs = jnp.where(hit, bsz, acc_rs)
        ow_t[pl.ds(j * 16, 16)] = acc_ow
        rs_t[pl.ds(j * 16, 16)] = acc_rs
    pltpu.sync_copy(ow_t, ow_h.at[pl.ds(ubase, _USLC)])
    pltpu.sync_copy(rs_t, rs_h.at[pl.ds(ubase, _USLC)])
    return v0, v1


def _sc_body_scatter(tw_h, ti_h, ow_h, rs_h, sb_v, sb_i, ow_t, rs_t):
    cid = lax.axis_index("c")
    sid = lax.axis_index("s")
    wid = sid * 2 + cid
    lane = lax.iota(jnp.int32, 16)
    _sc_scatter_part(wid, lane, tw_h, ti_h, ow_h, rs_h,
                     sb_v, sb_i, ow_t, rs_t)


def _sc_body_join(tw_h, ti_h, resp_h, ow_h, rs_h, wj_h,
                  sb_v, sb_i, ow_t, rs_t, buf, out_t, sem):
    cid = lax.axis_index("c")
    sid = lax.axis_index("s")
    wid = sid * 2 + cid
    lane = lax.iota(jnp.int32, 16)
    v0, v1 = _sc_scatter_part(wid, lane, tw_h, ti_h, ow_h, rs_h,
                              sb_v, sb_i, ow_t, rs_t)

    wk = [jnp.full((16,), v0[k], jnp.float32) for k in range(16)]
    wk += [jnp.full((16,), v1[k - 16], jnp.float32) for k in range(16, _TOPK)]
    rowbase = wid * _NRT
    for c in range(_NRT // _CH if _NRT else 0):
        r0 = rowbase + c * _CH
        descs = [
            pltpu.async_copy(resp_h.at[k, pl.ds(_R_TC + r0, _CH), :],
                             buf.at[k], sem)
            for k in range(_TOPK)
        ]
        for d in descs:
            d.wait()
        for i in range(_CH):
            def jbody(j, carry, i=i):
                acc = buf[0, i, pl.ds(j * 16, 16)] * wk[0]
                for k in range(1, _TOPK):
                    acc = acc + buf[k, i, pl.ds(j * 16, 16)] * wk[k]
                out_t[i, pl.ds(j * 16, 16)] = acc
                return carry
            lax.fori_loop(0, _D // 16, jbody, jnp.int32(0))
        pltpu.sync_copy(out_t, wj_h.at[pl.ds(r0, _CH), :])


def _sc_stage(tw, ti, responses3):
    f32 = jnp.float32
    i32 = jnp.int32
    mesh = plsc.VectorSubcoreMesh(core_axis_name="c", subcore_axis_name="s")
    params = pltpu.CompilerParams(needs_layout_passes=False)
    base_out = [
        jax.ShapeDtypeStruct((_N_UIDS,), f32),
        jax.ShapeDtypeStruct((_N_UIDS,), f32),
    ]
    base_scratch = [
        pltpu.VMEM((32,), f32),
        pltpu.VMEM((32,), i32),
        pltpu.VMEM((_USLC,), f32),
        pltpu.VMEM((_USLC,), f32),
    ]
    if _NJ:
        run = pl.kernel(
            _sc_body_join, mesh=mesh, compiler_params=params,
            out_type=base_out + [jax.ShapeDtypeStruct((_NJ, _D), f32)],
            scratch_types=base_scratch + [
                pltpu.VMEM((_TOPK, _CH, _D), f32),
                pltpu.VMEM((_CH, _D), f32),
                pltpu.SemaphoreType.DMA,
            ],
        )
        return run(tw[0, :32], ti[0, :32], responses3)
    run = pl.kernel(
        _sc_body_scatter, mesh=mesh, compiler_params=params,
        out_type=base_out, scratch_types=base_scratch,
    )
    ow, rs = run(tw[0, :32], ti[0, :32])
    return ow, rs, None


def _join_body(w_ref, r_ref, o_ref):
    acc = r_ref[0] * w_ref[0]
    for i in range(1, _TOPK):
        acc = acc + r_ref[i] * w_ref[i]
    o_ref[...] = acc


def _join_stage(tw20, responses3):
    k = _TOPK
    out = pl.pallas_call(
        _join_body,
        grid=(_R_TC // _ROW_BLK,),
        in_specs=[
            pl.BlockSpec(memory_space=pltpu.SMEM),
            pl.BlockSpec((k, _ROW_BLK, _D), lambda i: (0, i, 0)),
        ],
        out_specs=pl.BlockSpec((_ROW_BLK, _D), lambda i: (i, 0)),
        out_shape=jax.ShapeDtypeStruct((_R_TC, _D), jnp.float32),
    )(tw20, responses3)
    return out


def kernel(query, responses, gate_W, gate_b):
    responses3 = responses.reshape(_TOPK, _ROWS, _D)
    mw = _gate_stage(query, gate_W, gate_b)
    tw, ti = _topk_stage(mw)
    ow, rs, wj_sc = _sc_stage(tw, ti, responses3)
    wj_tc = _join_stage(tw[0, :_TOPK], responses3)
    if _NJ:
        weighted = jnp.concatenate([wj_tc, wj_sc], axis=0)
    else:
        weighted = wj_tc
    return weighted.reshape(_BATCH, _ROWS // _BATCH, _D), ow, rs

# --- scband reference (transcript-rebuilt; emitter-appended) ---
"""Pipeline reference for scband-sgmoerouter-53979148976343 (READ-ONLY COPY).

The authoritative reference and input builder live on the scoring server;
editing this copy changes nothing except your own understanding.
"""

import jax, jax.numpy as jnp
import numpy as np

N_UIDS = 8192
QUERY_DIM = 2048
TOPK = 20
BATCH = 32
SEQ = 128
NET_DIM = 512


def setup_inputs(seed: int = 0) -> dict:
    key = jax.random.key(seed)
    k1, k2, k3, k4 = jax.random.split(key, 4)
    query = jax.random.normal(k1, (BATCH, QUERY_DIM), dtype=jnp.float32)
    # simulated dendrite responses for the topk selected neurons, in topk order
    responses = jax.random.normal(k2, (TOPK, BATCH, SEQ, NET_DIM), dtype=jnp.float32)
    # per-uid gate: Linear(query_dim, 1) stacked over all uids -> [n_uids, query_dim] + bias [n_uids]
    gate_W = jax.random.normal(k3, (N_UIDS, QUERY_DIM), dtype=jnp.float32) * 0.02
    gate_b = jax.random.normal(k4, (N_UIDS,), dtype=jnp.float32) * 0.02
    return {"query": query, "responses": responses, "gate_W": gate_W, "gate_b": gate_b}


def reference(query, responses, gate_W, gate_b):
    # weights = cat([gate_uid(query) for uid in filtered_uids], axis=1) -> [B, n_uids]
    # (all uids are non-stale here: staleness < 10000 for all)
    weights = query @ gate_W.T + gate_b[None, :]
    # mean gate weight per uid over the batch
    filtered_mean_weights = jnp.mean(weights, axis=0)
    real_topk = min(N_UIDS, TOPK)
    topk_weights, topk_indices = jax.lax.top_k(filtered_mean_weights, real_topk)
    # weighted join of responses (responses[i] corresponds to topk neuron i)
    weighted_responses = jnp.sum(responses * topk_weights[:, None, None, None], axis=0)
    # normalized scores scattered back to full uid space
    scores = topk_weights - jnp.min(topk_weights)
    scores = scores / jnp.sum(scores)
    out_weights = jnp.zeros((N_UIDS,), dtype=jnp.float32).at[topk_indices].set(scores)
    request_sizes = jnp.zeros((N_UIDS,), dtype=jnp.float32).at[topk_indices].set(float(BATCH))
    return weighted_responses, out_weights, request_sizes

if __name__ == "__main__":
    import jax
    _d = setup_inputs()
    print(jax.jit(kernel)(*tuple(_d.values())))

</pallas_src>

<mosaic_0001>
#map = affine_map<(d0, d1) -> (0)>
module attributes {stable_mosaic.version = 14 : i64} {
  func.func @_sc_body_scatter(%arg0: i32, %arg1: i32, %arg2: memref<32xf32, #tpu.memory_space<hbm>>, %arg3: memref<32xi32, #tpu.memory_space<hbm>>, %arg4: memref<8192xf32, #tpu.memory_space<hbm>>, %arg5: memref<8192xf32, #tpu.memory_space<hbm>>, %arg6: memref<32xf32, #tpu.memory_space<vmem>>, %arg7: memref<32xi32, #tpu.memory_space<vmem>>, %arg8: memref<256xf32, #tpu.memory_space<vmem>>, %arg9: memref<256xf32, #tpu.memory_space<vmem>>) attributes {dimension_semantics = [#tpu.dimension_semantics<core_parallel>, #tpu.dimension_semantics<subcore_parallel>], iteration_bounds = array<i64: 2, 16>, scalar_prefetch = 0 : i64, scratch_operands = 4 : i64, tpu.core_type = #tpu.core_type<sc_vector_subcore>, window_params = [{transform_indices = #map}, {transform_indices = #map}, {transform_indices = #map}, {transform_indices = #map}]} {
    %mul3A = arith.constant 2 : i32
    %mul3A_0 = arith.muli %arg1, %mul3A : i32
    %add3A = arith.addi %mul3A_0, %arg0 : i32
    %iota3A = tpu.iota {dimensions = array<i32: 0>} : vector<16xi32>
    "tpu.region"() ({
      %run_scoped3A = tpu.sem_alloc : memref<!tpu.dma_semaphore, #tpu.memory_space<semaphore_mem>>
      tpu.enqueue_dma source(%arg2 : memref<32xf32, #tpu.memory_space<hbm>>) target(%arg6 : memref<32xf32, #tpu.memory_space<vmem>>) target_semaphore(%run_scoped3A : memref<!tpu.dma_semaphore, #tpu.memory_space<semaphore_mem>>)
      tpu.wait_dma2 semaphore(%run_scoped3A : memref<!tpu.dma_semaphore, #tpu.memory_space<semaphore_mem>>) src(%arg2 : memref<32xf32, #tpu.memory_space<hbm>>) dst(%arg6 : memref<32xf32, #tpu.memory_space<vmem>>)
      tpu.yield
    }) : () -> ()
    "tpu.region"() ({
      %run_scoped3A = tpu.sem_alloc : memref<!tpu.dma_semaphore, #tpu.memory_space<semaphore_mem>>
      tpu.enqueue_dma source(%arg3 : memref<32xi32, #tpu.memory_space<hbm>>) target(%arg7 : memref<32xi32, #tpu.memory_space<vmem>>) target_semaphore(%run_scoped3A : memref<!tpu.dma_semaphore, #tpu.memory_space<semaphore_mem>>)
      tpu.wait_dma2 semaphore(%run_scoped3A : memref<!tpu.dma_semaphore, #tpu.memory_space<semaphore_mem>>) src(%arg3 : memref<32xi32, #tpu.memory_space<hbm>>) dst(%arg7 : memref<32xi32, #tpu.memory_space<vmem>>)
      tpu.yield
    }) : () -> ()
    %get3A = arith.constant 0 : index
    %get3A_1 = tpu.vector_load %arg6[%get3A] {strides = array<i32>} : memref<32xf32, #tpu.memory_space<vmem>>, vector<16xf32>,
    %get3A_2 = arith.constant 16 : index
    %get3A_3 = tpu.vector_load %arg6[%get3A_2] {strides = array<i32>} : memref<32xf32, #tpu.memory_space<vmem>>, vector<16xf32>,
    %get3A_4 = arith.constant 0 : index
    %get3A_5 = tpu.vector_load %arg7[%get3A_4] {strides = array<i32>} : memref<32xi32, #tpu.memory_space<vmem>>, vector<16xi32>,
    %get3A_6 = arith.constant 16 : index
    %get3A_7 = tpu.vector_load %arg7[%get3A_6] {strides = array<i32>} : memref<32xi32, #tpu.memory_space<vmem>>, vector<16xi32>,
    %lt3A = arith.constant 4 : i32
    %lt3A_8 = vector.broadcast %lt3A : i32 to vector<16xi32>
    %lt3A_9 = arith.cmpi slt, %iota3A, %lt3A_8 : vector<16xi32>
    %reduce_min3A = arith.constant true
    %reduce_min3A_10 = vector.broadcast %reduce_min3A : i1 to vector<16xi1>
    %reduce_min3A_11 = tpu.scan <min>, %get3A_1 masked %reduce_min3A_10 : vector<16xf32>, vector<16xi1> -> vector<16xf32>
    %reduce_min3A_12 = vector.extract %reduce_min3A_11[15] : f32 from vector<16xf32>
    %jit3A = arith.constant 0x7F800000 : f32
    %broadcast_in_dim3A = vector.broadcast %jit3A : f32 to vector<16xf32>
    %select_n3A = arith.select %lt3A_9, %get3A_3, %broadcast_in_dim3A : vector<16xi1>, vector<16xf32>
    %reduce_min3A_13 = arith.constant true
    %reduce_min3A_14 = vector.broadcast %reduce_min3A_13 : i1 to vector<16xi1>
    %reduce_min3A_15 = tpu.scan <min>, %select_n3A masked %reduce_min3A_14 : vector<16xf32>, vector<16xi1> -> vector<16xf32>
    %reduce_min3A_16 = vector.extract %reduce_min3A_15[15] : f32 from vector<16xf32>
    %min3A = arith.minimumf %reduce_min3A_12, %reduce_min3A_16 : f32
    %sub3A = vector.broadcast %min3A : f32 to vector<16xf32>
    %sub3A_17 = arith.subf %get3A_1, %sub3A : vector<16xf32>
    %reduce_sum3A = arith.constant true
    %reduce_sum3A_18 = vector.broadcast %reduce_sum3A : i1 to vector<16xi1>
    %reduce_sum3A_19 = tpu.scan <sum>, %sub3A_17 masked %reduce_sum3A_18 : vector<16xf32>, vector<16xi1> -> vector<16xf32>
    %reduce_sum3A_20 = vector.extract %reduce_sum3A_19[15] : f32 from vector<16xf32>
    %sub3A_21 = vector.broadcast %min3A : f32 to vector<16xf32>
    %sub3A_22 = arith.subf %get3A_3, %sub3A_21 : vector<16xf32>
    %jit3A_23 = arith.constant 0.000000e+00 : f32
    %broadcast_in_dim3A_24 = vector.broadcast %jit3A_23 : f32 to vector<16xf32>
    %select_n3A_25 = arith.select %lt3A_9, %sub3A_22, %broadcast_in_dim3A_24 : vector<16xi1>, vector<16xf32>
    %reduce_sum3A_26 = arith.constant true
    %reduce_sum3A_27 = vector.broadcast %reduce_sum3A_26 : i1 to vector<16xi1>
    %reduce_sum3A_28 = tpu.scan <sum>, %select_n3A_25 masked %reduce_sum3A_27 : vector<16xf32>, vector<16xi1> -> vector<16xf32>
    %reduce_sum3A_29 = vector.extract %reduce_sum3A_28[15] : f32 from vector<16xf32>
    %add3A_30 = arith.addf %reduce_sum3A_20, %reduce_sum3A_29 : f32
    %sub3A_31 = vector.broadcast %min3A : f32 to vector<16xf32>
    %sub3A_32 = arith.subf %get3A_1, %sub3A_31 : vector<16xf32>
    %div3A = vector.broadcast %add3A_30 : f32 to vector<16xf32>
    %div3A_33 = arith.divf %sub3A_32, %div3A : vector<16xf32>
    %sub3A_34 = vector.broadcast %min3A : f32 to vector<16xf32>
    %sub3A_35 = arith.subf %get3A_3, %sub3A_34 : vector<16xf32>
    %div3A_36 = vector.broadcast %add3A_30 : f32 to vector<16xf32>
    %div3A_37 = arith.divf %sub3A_35, %div3A_36 : vector<16xf32>
    %jit3A_38 = arith.constant 0.000000e+00 : f32
    %broadcast_in_dim3A_39 = vector.broadcast %jit3A_38 : f32 to vector<16xf32>
    %select_n3A_40 = arith.select %lt3A_9, %div3A_37, %broadcast_in_dim3A_39 : vector<16xi1>, vector<16xf32>
    %mul3A_41 = arith.constant 256 : i32
    %mul3A_42 = arith.muli %add3A, %mul3A_41 : i32
    %slice3A = vector.extract_strided_slice %get3A_5 {offsets = [0], sizes = [1], strides = [1]} : vector<16xi32> to vector<1xi32>
    %squeeze3A = vector.extract %slice3A[0] : i32 from vector<1xi32>
    %broadcast_in_dim3A_43 = vector.broadcast %squeeze3A : i32 to vector<16xi32>
    %slice3A_44 = vector.extract_strided_slice %get3A_5 {offsets = [1], sizes = [1], strides = [1]} : vector<16xi32> to vector<1xi32>
    %squeeze3A_45 = vector.extract %slice3A_44[0] : i32 from vector<1xi32>
    %broadcast_in_dim3A_46 = vector.broadcast %squeeze3A_45 : i32 to vector<16xi32>
    %slice3A_47 = vector.extract_strided_slice %get3A_5 {offsets = [2], sizes = [1], strides = [1]} : vector<16xi32> to vector<1xi32>
    %squeeze3A_48 = vector.extract %slice3A_47[0] : i32 from vector<1xi32>
    %broadcast_in_dim3A_49 = vector.broadcast %squeeze3A_48 : i32 to vector<16xi32>
    %slice3A_50 = vector.extract_strided_slice %get3A_5 {offsets = [3], sizes = [1], strides = [1]} : vector<16xi32> to vector<1xi32>
    %squeeze3A_51 = vector.extract %slice3A_50[0] : i32 from vector<1xi32>
    %broadcast_in_dim3A_52 = vector.broadcast %squeeze3A_51 : i32 to vector<16xi32>
    %slice3A_53 = vector.extract_strided_slice %get3A_5 {offsets = [4], sizes = [1], strides = [1]} : vector<16xi32> to vector<1xi32>
    %squeeze3A_54 = vector.extract %slice3A_53[0] : i32 from vector<1xi32>
    %broadcast_in_dim3A_55 = vector.broadcast %squeeze3A_54 : i32 to vector<16xi32>
    %slice3A_56 = vector.extract_strided_slice %get3A_5 {offsets = [5], sizes = [1], strides = [1]} : vector<16xi32> to vector<1xi32>
    %squeeze3A_57 = vector.extract %slice3A_56[0] : i32 from vector<1xi32>
    %broadcast_in_dim3A_58 = vector.broadcast %squeeze3A_57 : i32 to vector<16xi32>
    %slice3A_59 = vector.extract_strided_slice %get3A_5 {offsets = [6], sizes = [1], strides = [1]} : vector<16xi32> to vector<1xi32>
    %squeeze3A_60 = vector.extract %slice3A_59[0] : i32 from vector<1xi32>
    %broadcast_in_dim3A_61 = vector.broadcast %squeeze3A_60 : i32 to vector<16xi32>
    %slice3A_62 = vector.extract_strided_slice %get3A_5 {offsets = [7], sizes = [1], strides = [1]} : vector<16xi32> to vector<1xi32>
    %squeeze3A_63 = vector.extract %slice3A_62[0] : i32 from vector<1xi32>
    %broadcast_in_dim3A_64 = vector.broadcast %squeeze3A_63 : i32 to vector<16xi32>
    %slice3A_65 = vector.extract_strided_slice %get3A_5 {offsets = [8], sizes = [1], strides = [1]} : vector<16xi32> to vector<1xi32>
    %squeeze3A_66 = vector.extract %slice3A_65[0] : i32 from vector<1xi32>
    %broadcast_in_dim3A_67 = vector.broadcast %squeeze3A_66 : i32 to vector<16xi32>
    %slice3A_68 = vector.extract_strided_slice %get3A_5 {offsets = [9], sizes = [1], strides = [1]} : vector<16xi32> to vector<1xi32>
    %squeeze3A_69 = vector.extract %slice3A_68[0] : i32 from vector<1xi32>
    %broadcast_in_dim3A_70 = vector.broadcast %squeeze3A_69 : i32 to vector<16xi32>
    %slice3A_71 = vector.extract_strided_slice %get3A_5 {offsets = [10], sizes = [1], strides = [1]} : vector<16xi32> to vector<1xi32>
    %squeeze3A_72 = vector.extract %slice3A_71[0] : i32 from vector<1xi32>
    %broadcast_in_dim3A_73 = vector.broadcast %squeeze3A_72 : i32 to vector<16xi32>
    %slice3A_74 = vector.extract_strided_slice %get3A_5 {offsets = [11], sizes = [1], strides = [1]} : vector<16xi32> to vector<1xi32>
    %squeeze3A_75 = vector.extract %slice3A_74[0] : i32 from vector<1xi32>
    %broadcast_in_dim3A_76 = vector.broadcast %squeeze3A_75 : i32 to vector<16xi32>
    %slice3A_77 = vector.extract_strided_slice %get3A_5 {offsets = [12], sizes = [1], strides = [1]} : vector<16xi32> to vector<1xi32>
    %squeeze3A_78 = vector.extract %slice3A_77[0] : i32 from vector<1xi32>
    %broadcast_in_dim3A_79 = vector.broadcast %squeeze3A_78 : i32 to vector<16xi32>
    %slice3A_80 = vector.extract_strided_slice %get3A_5 {offsets = [13], sizes = [1], strides = [1]} : vector<16xi32> to vector<1xi32>
    %squeeze3A_81 = vector.extract %slice3A_80[0] : i32 from vector<1xi32>
    %broadcast_in_dim3A_82 = vector.broadcast %squeeze3A_81 : i32 to vector<16xi32>
    %slice3A_83 = vector.extract_strided_slice %get3A_5 {offsets = [14], sizes = [1], strides = [1]} : vector<16xi32> to vector<1xi32>
    %squeeze3A_84 = vector.extract %slice3A_83[0] : i32 from vector<1xi32>
    %broadcast_in_dim3A_85 = vector.broadcast %squeeze3A_84 : i32 to vector<16xi32>
    %slice3A_86 = vector.extract_strided_slice %get3A_5 {offsets = [15], sizes = [1], strides = [1]} : vector<16xi32> to vector<1xi32>
    %squeeze3A_87 = vector.extract %slice3A_86[0] : i32 from vector<1xi32>
    %broadcast_in_dim3A_88 = vector.broadcast %squeeze3A_87 : i32 to vector<16xi32>
    %slice3A_89 = vector.extract_strided_slice %get3A_7 {offsets = [0], sizes = [1], strides = [1]} : vector<16xi32> to vector<1xi32>
    %squeeze3A_90 = vector.extract %slice3A_89[0] : i32 from vector<1xi32>
    %broadcast_in_dim3A_91 = vector.broadcast %squeeze3A_90 : i32 to vector<16xi32>
    %slice3A_92 = vector.extract_strided_slice %get3A_7 {offsets = [1], sizes = [1], strides = [1]} : vector<16xi32> to vector<1xi32>
    %squeeze3A_93 = vector.extract %slice3A_92[0] : i32 from vector<1xi32>
    %broadcast_in_dim3A_94 = vector.broadcast %squeeze3A_93 : i32 to vector<16xi32>
    %slice3A_95 = vector.extract_strided_slice %get3A_7 {offsets = [2], sizes = [1], strides = [1]} : vector<16xi32> to vector<1xi32>
    %squeeze3A_96 = vector.extract %slice3A_95[0] : i32 from vector<1xi32>
    %broadcast_in_dim3A_97 = vector.broadcast %squeeze3A_96 : i32 to vector<16xi32>
    %slice3A_98 = vector.extract_strided_slice %get3A_7 {offsets = [3], sizes = [1], strides = [1]} : vector<16xi32> to vector<1xi32>
    %squeeze3A_99 = vector.extract %slice3A_98[0] : i32 from vector<1xi32>
    %broadcast_in_dim3A_100 = vector.broadcast %squeeze3A_99 : i32 to vector<16xi32>
    %slice3A_101 = vector.extract_strided_slice %div3A_33 {offsets = [0], sizes = [1], strides = [1]} : vector<16xf32> to vector<1xf32>
    %squeeze3A_102 = vector.extract %slice3A_101[0] : f32 from vector<1xf32>
    %broadcast_in_dim3A_103 = vector.broadcast %squeeze3A_102 : f32 to vector<16xf32>
    %slice3A_104 = vector.extract_strided_slice %div3A_33 {offsets = [1], sizes = [1], strides = [1]} : vector<16xf32> to vector<1xf32>
    %squeeze3A_105 = vector.extract %slice3A_104[0] : f32 from vector<1xf32>
    %broadcast_in_dim3A_106 = vector.broadcast %squeeze3A_105 : f32 to vector<16xf32>
    %slice3A_107 = vector.extract_strided_slice %div3A_33 {offsets = [2], sizes = [1], strides = [1]} : vector<16xf32> to vector<1xf32>
    %squeeze3A_108 = vector.extract %slice3A_107[0] : f32 from vector<1xf32>
    %broadcast_in_dim3A_109 = vector.broadcast %squeeze3A_108 : f32 to vector<16xf32>
    %slice3A_110 = vector.extract_strided_slice %div3A_33 {offsets = [3], sizes = [1], strides = [1]} : vector<16xf32> to vector<1xf32>
    %squeeze3A_111 = vector.extract %slice3A_110[0] : f32 from vector<1xf32>
    %broadcast_in_dim3A_112 = vector.broadcast %squeeze3A_111 : f32 to vector<16xf32>
    %slice3A_113 = vector.extract_strided_slice %div3A_33 {offsets = [4], sizes = [1], strides = [1]} : vector<16xf32> to vector<1xf32>
    %squeeze3A_114 = vector.extract %slice3A_113[0] : f32 from vector<1xf32>
    %broadcast_in_dim3A_115 = vector.broadcast %squeeze3A_114 : f32 to vector<16xf32>
    %slice3A_116 = vector.extract_strided_slice %div3A_33 {offsets = [5], sizes = [1], strides = [1]} : vector<16xf32> to vector<1xf32>
    %squeeze3A_117 = vector.extract %slice3A_116[0] : f32 from vector<1xf32>
    %broadcast_in_dim3A_118 = vector.broadcast %squeeze3A_117 : f32 to vector<16xf32>
    %slice3A_119 = vector.extract_strided_slice %div3A_33 {offsets = [6], sizes = [1], strides = [1]} : vector<16xf32> to vector<1xf32>
    %squeeze3A_120 = vector.extract %slice3A_119[0] : f32 from vector<1xf32>
    %broadcast_in_dim3A_121 = vector.broadcast %squeeze3A_120 : f32 to vector<16xf32>
    %slice3A_122 = vector.extract_strided_slice %div3A_33 {offsets = [7], sizes = [1], strides = [1]} : vector<16xf32> to vector<1xf32>
    %squeeze3A_123 = vector.extract %slice3A_122[0] : f32 from vector<1xf32>
    %broadcast_in_dim3A_124 = vector.broadcast %squeeze3A_123 : f32 to vector<16xf32>
    %slice3A_125 = vector.extract_strided_slice %div3A_33 {offsets = [8], sizes = [1], strides = [1]} : vector<16xf32> to vector<1xf32>
    %squeeze3A_126 = vector.extract %slice3A_125[0] : f32 from vector<1xf32>
    %broadcast_in_dim3A_127 = vector.broadcast %squeeze3A_126 : f32 to vector<16xf32>
    %slice3A_128 = vector.extract_strided_slice %div3A_33 {offsets = [9], sizes = [1], strides = [1]} : vector<16xf32> to vector<1xf32>
    %squeeze3A_129 = vector.extract %slice3A_128[0] : f32 from vector<1xf32>
    %broadcast_in_dim3A_130 = vector.broadcast %squeeze3A_129 : f32 to vector<16xf32>
    %slice3A_131 = vector.extract_strided_slice %div3A_33 {offsets = [10], sizes = [1], strides = [1]} : vector<16xf32> to vector<1xf32>
    %squeeze3A_132 = vector.extract %slice3A_131[0] : f32 from vector<1xf32>
    %broadcast_in_dim3A_133 = vector.broadcast %squeeze3A_132 : f32 to vector<16xf32>
    %slice3A_134 = vector.extract_strided_slice %div3A_33 {offsets = [11], sizes = [1], strides = [1]} : vector<16xf32> to vector<1xf32>
    %squeeze3A_135 = vector.extract %slice3A_134[0] : f32 from vector<1xf32>
    %broadcast_in_dim3A_136 = vector.broadcast %squeeze3A_135 : f32 to vector<16xf32>
    %slice3A_137 = vector.extract_strided_slice %div3A_33 {offsets = [12], sizes = [1], strides = [1]} : vector<16xf32> to vector<1xf32>
    %squeeze3A_138 = vector.extract %slice3A_137[0] : f32 from vector<1xf32>
    %broadcast_in_dim3A_139 = vector.broadcast %squeeze3A_138 : f32 to vector<16xf32>
    %slice3A_140 = vector.extract_strided_slice %div3A_33 {offsets = [13], sizes = [1], strides = [1]} : vector<16xf32> to vector<1xf32>
    %squeeze3A_141 = vector.extract %slice3A_140[0] : f32 from vector<1xf32>
    %broadcast_in_dim3A_142 = vector.broadcast %squeeze3A_141 : f32 to vector<16xf32>
    %slice3A_143 = vector.extract_strided_slice %div3A_33 {offsets = [14], sizes = [1], strides = [1]} : vector<16xf32> to vector<1xf32>
    %squeeze3A_144 = vector.extract %slice3A_143[0] : f32 from vector<1xf32>
    %broadcast_in_dim3A_145 = vector.broadcast %squeeze3A_144 : f32 to vector<16xf32>
    %slice3A_146 = vector.extract_strided_slice %div3A_33 {offsets = [15], sizes = [1], strides = [1]} : vector<16xf32> to vector<1xf32>
    %squeeze3A_147 = vector.extract %slice3A_146[0] : f32 from vector<1xf32>
    %broadcast_in_dim3A_148 = vector.broadcast %squeeze3A_147 : f32 to vector<16xf32>
    %slice3A_149 = vector.extract_strided_slice %select_n3A_40 {offsets = [0], sizes = [1], strides = [1]} : vector<16xf32> to vector<1xf32>
    %squeeze3A_150 = vector.extract %slice3A_149[0] : f32 from vector<1xf32>
    %broadcast_in_dim3A_151 = vector.broadcast %squeeze3A_150 : f32 to vector<16xf32>
    %slice3A_152 = vector.extract_strided_slice %select_n3A_40 {offsets = [1], sizes = [1], strides = [1]} : vector<16xf32> to vector<1xf32>
    %squeeze3A_153 = vector.extract %slice3A_152[0] : f32 from vector<1xf32>
    %broadcast_in_dim3A_154 = vector.broadcast %squeeze3A_153 : f32 to vector<16xf32>
    %slice3A_155 = vector.extract_strided_slice %select_n3A_40 {offsets = [2], sizes = [1], strides = [1]} : vector<16xf32> to vector<1xf32>
    %squeeze3A_156 = vector.extract %slice3A_155[0] : f32 from vector<1xf32>
    %broadcast_in_dim3A_157 = vector.broadcast %squeeze3A_156 : f32 to vector<16xf32>
    %slice3A_158 = vector.extract_strided_slice %select_n3A_40 {offsets = [3], sizes = [1], strides = [1]} : vector<16xf32> to vector<1xf32>
    %squeeze3A_159 = vector.extract %slice3A_158[0] : f32 from vector<1xf32>
    %broadcast_in_dim3A_160 = vector.broadcast %squeeze3A_159 : f32 to vector<16xf32>
    %broadcast_in_dim3A_161 = arith.constant 3.200000e+01 : f32
    %broadcast_in_dim3A_162 = vector.broadcast %broadcast_in_dim3A_161 : f32 to vector<16xf32>
    %broadcast_in_dim3A_163 = arith.constant 0.000000e+00 : f32
    %broadcast_in_dim3A_164 = vector.broadcast %broadcast_in_dim3A_163 : f32 to vector<16xf32>
    %add3A_165 = arith.constant 0 : i32
    %add3A_166 = arith.addi %mul3A_42, %add3A_165 : i32
    %add3A_167 = vector.broadcast %add3A_166 : i32 to vector<16xi32>
    %add3A_168 = arith.addi %iota3A, %add3A_167 : vector<16xi32>
    %eq3A = arith.cmpi eq, %add3A_168, %broadcast_in_dim3A_43 : vector<16xi32>
    %select_n3A_169 = arith.select %eq3A, %broadcast_in_dim3A_103, %broadcast_in_dim3A_164 : vector<16xi1>, vector<16xf32>
    %select_n3A_170 = arith.select %eq3A, %broadcast_in_dim3A_162, %broadcast_in_dim3A_164 : vector<16xi1>, vector<16xf32>
    %eq3A_171 = arith.cmpi eq, %add3A_168, %broadcast_in_dim3A_46 : vector<16xi32>
    %select_n3A_172 = arith.select %eq3A_171, %broadcast_in_dim3A_106, %select_n3A_169 : vector<16xi1>, vector<16xf32>
    %select_n3A_173 = arith.select %eq3A_171, %broadcast_in_dim3A_162, %select_n3A_170 : vector<16xi1>, vector<16xf32>
    %eq3A_174 = arith.cmpi eq, %add3A_168, %broadcast_in_dim3A_49 : vector<16xi32>
    %select_n3A_175 = arith.select %eq3A_174, %broadcast_in_dim3A_109, %select_n3A_172 : vector<16xi1>, vector<16xf32>
    %select_n3A_176 = arith.select %eq3A_174, %broadcast_in_dim3A_162, %select_n3A_173 : vector<16xi1>, vector<16xf32>
    %eq3A_177 = arith.cmpi eq, %add3A_168, %broadcast_in_dim3A_52 : vector<16xi32>
    %select_n3A_178 = arith.select %eq3A_177, %broadcast_in_dim3A_112, %select_n3A_175 : vector<16xi1>, vector<16xf32>
    %select_n3A_179 = arith.select %eq3A_177, %broadcast_in_dim3A_162, %select_n3A_176 : vector<16xi1>, vector<16xf32>
    %eq3A_180 = arith.cmpi eq, %add3A_168, %broadcast_in_dim3A_55 : vector<16xi32>
    %select_n3A_181 = arith.select %eq3A_180, %broadcast_in_dim3A_115, %select_n3A_178 : vector<16xi1>, vector<16xf32>
    %select_n3A_182 = arith.select %eq3A_180, %broadcast_in_dim3A_162, %select_n3A_179 : vector<16xi1>, vector<16xf32>
    %eq3A_183 = arith.cmpi eq, %add3A_168, %broadcast_in_dim3A_58 : vector<16xi32>
    %select_n3A_184 = arith.select %eq3A_183, %broadcast_in_dim3A_118, %select_n3A_181 : vector<16xi1>, vector<16xf32>
    %select_n3A_185 = arith.select %eq3A_183, %broadcast_in_dim3A_162, %select_n3A_182 : vector<16xi1>, vector<16xf32>
    %eq3A_186 = arith.cmpi eq, %add3A_168, %broadcast_in_dim3A_61 : vector<16xi32>
    %select_n3A_187 = arith.select %eq3A_186, %broadcast_in_dim3A_121, %select_n3A_184 : vector<16xi1>, vector<16xf32>
    %select_n3A_188 = arith.select %eq3A_186, %broadcast_in_dim3A_162, %select_n3A_185 : vector<16xi1>, vector<16xf32>
    %eq3A_189 = arith.cmpi eq, %add3A_168, %broadcast_in_dim3A_64 : vector<16xi32>
    %select_n3A_190 = arith.select %eq3A_189, %broadcast_in_dim3A_124, %select_n3A_187 : vector<16xi1>, vector<16xf32>
    %select_n3A_191 = arith.select %eq3A_189, %broadcast_in_dim3A_162, %select_n3A_188 : vector<16xi1>, vector<16xf32>
    %eq3A_192 = arith.cmpi eq, %add3A_168, %broadcast_in_dim3A_67 : vector<16xi32>
    %select_n3A_193 = arith.select %eq3A_192, %broadcast_in_dim3A_127, %select_n3A_190 : vector<16xi1>, vector<16xf32>
    %select_n3A_194 = arith.select %eq3A_192, %broadcast_in_dim3A_162, %select_n3A_191 : vector<16xi1>, vector<16xf32>
    %eq3A_195 = arith.cmpi eq, %add3A_168, %broadcast_in_dim3A_70 : vector<16xi32>
    %select_n3A_196 = arith.select %eq3A_195, %broadcast_in_dim3A_130, %select_n3A_193 : vector<16xi1>, vector<16xf32>
    %select_n3A_197 = arith.select %eq3A_195, %broadcast_in_dim3A_162, %select_n3A_194 : vector<16xi1>, vector<16xf32>
    %eq3A_198 = arith.cmpi eq, %add3A_168, %broadcast_in_dim3A_73 : vector<16xi32>
    %select_n3A_199 = arith.select %eq3A_198, %broadcast_in_dim3A_133, %select_n3A_196 : vector<16xi1>, vector<16xf32>
    %select_n3A_200 = arith.select %eq3A_198, %broadcast_in_dim3A_162, %select_n3A_197 : vector<16xi1>, vector<16xf32>
    %eq3A_201 = arith.cmpi eq, %add3A_168, %broadcast_in_dim3A_76 : vector<16xi32>
    %select_n3A_202 = arith.select %eq3A_201, %broadcast_in_dim3A_136, %select_n3A_199 : vector<16xi1>, vector<16xf32>
    %select_n3A_203 = arith.select %eq3A_201, %broadcast_in_dim3A_162, %select_n3A_200 : vector<16xi1>, vector<16xf32>
    %eq3A_204 = arith.cmpi eq, %add3A_168, %broadcast_in_dim3A_79 : vector<16xi32>
    %select_n3A_205 = arith.select %eq3A_204, %broadcast_in_dim3A_139, %select_n3A_202 : vector<16xi1>, vector<16xf32>
    %select_n3A_206 = arith.select %eq3A_204, %broadcast_in_dim3A_162, %select_n3A_203 : vector<16xi1>, vector<16xf32>
    %eq3A_207 = arith.cmpi eq, %add3A_168, %broadcast_in_dim3A_82 : vector<16xi32>
    %select_n3A_208 = arith.select %eq3A_207, %broadcast_in_dim3A_142, %select_n3A_205 : vector<16xi1>, vector<16xf32>
    %select_n3A_209 = arith.select %eq3A_207, %broadcast_in_dim3A_162, %select_n3A_206 : vector<16xi1>, vector<16xf32>
    %eq3A_210 = arith.cmpi eq, %add3A_168, %broadcast_in_dim3A_85 : vector<16xi32>
    %select_n3A_211 = arith.select %eq3A_210, %broadcast_in_dim3A_145, %select_n3A_208 : vector<16xi1>, vector<16xf32>
    %select_n3A_212 = arith.select %eq3A_210, %broadcast_in_dim3A_162, %select_n3A_209 : vector<16xi1>, vector<16xf32>
    %eq3A_213 = arith.cmpi eq, %add3A_168, %broadcast_in_dim3A_88 : vector<16xi32>
    %select_n3A_214 = arith.select %eq3A_213, %broadcast_in_dim3A_148, %select_n3A_211 : vector<16xi1>, vector<16xf32>
    %select_n3A_215 = arith.select %eq3A_213, %broadcast_in_dim3A_162, %select_n3A_212 : vector<16xi1>, vector<16xf32>
    %eq3A_216 = arith.cmpi eq, %add3A_168, %broadcast_in_dim3A_91 : vector<16xi32>
    %select_n3A_217 = arith.select %eq3A_216, %broadcast_in_dim3A_151, %select_n3A_214 : vector<16xi1>, vector<16xf32>
    %select_n3A_218 = arith.select %eq3A_216, %broadcast_in_dim3A_162, %select_n3A_215 : vector<16xi1>, vector<16xf32>
    %eq3A_219 = arith.cmpi eq, %add3A_168, %broadcast_in_dim3A_94 : vector<16xi32>
    %select_n3A_220 = arith.select %eq3A_219, %broadcast_in_dim3A_154, %select_n3A_217 : vector<16xi1>, vector<16xf32>
    %select_n3A_221 = arith.select %eq3A_219, %broadcast_in_dim3A_162, %select_n3A_218 : vector<16xi1>, vector<16xf32>
    %eq3A_222 = arith.cmpi eq, %add3A_168, %broadcast_in_dim3A_97 : vector<16xi32>
    %select_n3A_223 = arith.select %eq3A_222, %broadcast_in_dim3A_157, %select_n3A_220 : vector<16xi1>, vector<16xf32>
    %select_n3A_224 = arith.select %eq3A_222, %broadcast_in_dim3A_162, %select_n3A_221 : vector<16xi1>, vector<16xf32>
    %eq3A_225 = arith.cmpi eq, %add3A_168, %broadcast_in_dim3A_100 : vector<16xi32>
    %select_n3A_226 = arith.select %eq3A_225, %broadcast_in_dim3A_160, %select_n3A_223 : vector<16xi1>, vector<16xf32>
    %select_n3A_227 = arith.select %eq3A_225, %broadcast_in_dim3A_162, %select_n3A_224 : vector<16xi1>, vector<16xf32>
    %swap3A = arith.constant 0 : index
    %swap3A_228 = tpu.vector_load %arg8[%swap3A] {strides = array<i32>} : memref<256xf32, #tpu.memory_space<vmem>>, vector<16xf32>,
    tpu.vector_store %arg8[%swap3A], %select_n3A_226 {strides = array<i32>} : memref<256xf32, #tpu.memory_space<vmem>>, vector<16xf32>,
    %swap3A_229 = arith.constant 0 : index
    %swap3A_230 = tpu.vector_load %arg9[%swap3A_229] {strides = array<i32>} : memref<256xf32, #tpu.memory_space<vmem>>, vector<16xf32>,
    tpu.vector_store %arg9[%swap3A_229], %select_n3A_227 {strides = array<i32>} : memref<256xf32, #tpu.memory_space<vmem>>, vector<16xf32>,
    %add3A_231 = arith.constant 16 : i32
    %add3A_232 = arith.addi %mul3A_42, %add3A_231 : i32
    %add3A_233 = vector.broadcast %add3A_232 : i32 to vector<16xi32>
    %add3A_234 = arith.addi %iota3A, %add3A_233 : vector<16xi32>
    %eq3A_235 = arith.cmpi eq, %add3A_234, %broadcast_in_dim3A_43 : vector<16xi32>
    %select_n3A_236 = arith.select %eq3A_235, %broadcast_in_dim3A_103, %broadcast_in_dim3A_164 : vector<16xi1>, vector<16xf32>
    %select_n3A_237 = arith.select %eq3A_235, %broadcast_in_dim3A_162, %broadcast_in_dim3A_164 : vector<16xi1>, vector<16xf32>
    %eq3A_238 = arith.cmpi eq, %add3A_234, %broadcast_in_dim3A_46 : vector<16xi32>
    %select_n3A_239 = arith.select %eq3A_238, %broadcast_in_dim3A_106, %select_n3A_236 : vector<16xi1>, vector<16xf32>
    %select_n3A_240 = arith.select %eq3A_238, %broadcast_in_dim3A_162, %select_n3A_237 : vector<16xi1>, vector<16xf32>
    %eq3A_241 = arith.cmpi eq, %add3A_234, %broadcast_in_dim3A_49 : vector<16xi32>
    %select_n3A_242 = arith.select %eq3A_241, %broadcast_in_dim3A_109, %select_n3A_239 : vector<16xi1>, vector<16xf32>
    %select_n3A_243 = arith.select %eq3A_241, %broadcast_in_dim3A_162, %select_n3A_240 : vector<16xi1>, vector<16xf32>
    %eq3A_244 = arith.cmpi eq, %add3A_234, %broadcast_in_dim3A_52 : vector<16xi32>
    %select_n3A_245 = arith.select %eq3A_244, %broadcast_in_dim3A_112, %select_n3A_242 : vector<16xi1>, vector<16xf32>
    %select_n3A_246 = arith.select %eq3A_244, %broadcast_in_dim3A_162, %select_n3A_243 : vector<16xi1>, vector<16xf32>
    %eq3A_247 = arith.cmpi eq, %add3A_234, %broadcast_in_dim3A_55 : vector<16xi32>
    %select_n3A_248 = arith.select %eq3A_247, %broadcast_in_dim3A_115, %select_n3A_245 : vector<16xi1>, vector<16xf32>
    %select_n3A_249 = arith.select %eq3A_247, %broadcast_in_dim3A_162, %select_n3A_246 : vector<16xi1>, vector<16xf32>
    %eq3A_250 = arith.cmpi eq, %add3A_234, %broadcast_in_dim3A_58 : vector<16xi32>
    %select_n3A_251 = arith.select %eq3A_250, %broadcast_in_dim3A_118, %select_n3A_248 : vector<16xi1>, vector<16xf32>
    %select_n3A_252 = arith.select %eq3A_250, %broadcast_in_dim3A_162, %select_n3A_249 : vector<16xi1>, vector<16xf32>
    %eq3A_253 = arith.cmpi eq, %add3A_234, %broadcast_in_dim3A_61 : vector<16xi32>
    %select_n3A_254 = arith.select %eq3A_253, %broadcast_in_dim3A_121, %select_n3A_251 : vector<16xi1>, vector<16xf32>
    %select_n3A_255 = arith.select %eq3A_253, %broadcast_in_dim3A_162, %select_n3A_252 : vector<16xi1>, vector<16xf32>
    %eq3A_256 = arith.cmpi eq, %add3A_234, %broadcast_in_dim3A_64 : vector<16xi32>
    %select_n3A_257 = arith.select %eq3A_256, %broadcast_in_dim3A_124, %select_n3A_254 : vector<16xi1>, vector<16xf32>
    %select_n3A_258 = arith.select %eq3A_256, %broadcast_in_dim3A_162, %select_n3A_255 : vector<16xi1>, vector<16xf32>
    %eq3A_259 = arith.cmpi eq, %add3A_234, %broadcast_in_dim3A_67 : vector<16xi32>
    %select_n3A_260 = arith.select %eq3A_259, %broadcast_in_dim3A_127, %select_n3A_257 : vector<16xi1>, vector<16xf32>
    %select_n3A_261 = arith.select %eq3A_259, %broadcast_in_dim3A_162, %select_n3A_258 : vector<16xi1>, vector<16xf32>
    %eq3A_262 = arith.cmpi eq, %add3A_234, %broadcast_in_dim3A_70 : vector<16xi32>
    %select_n3A_263 = arith.select %eq3A_262, %broadcast_in_dim3A_130, %select_n3A_260 : vector<16xi1>, vector<16xf32>
    %select_n3A_264 = arith.select %eq3A_262, %broadcast_in_dim3A_162, %select_n3A_261 : vector<16xi1>, vector<16xf32>
    %eq3A_265 = arith.cmpi eq, %add3A_234, %broadcast_in_dim3A_73 : vector<16xi32>
    %select_n3A_266 = arith.select %eq3A_265, %broadcast_in_dim3A_133, %select_n3A_263 : vector<16xi1>, vector<16xf32>
    %select_n3A_267 = arith.select %eq3A_265, %broadcast_in_dim3A_162, %select_n3A_264 : vector<16xi1>, vector<16xf32>
    %eq3A_268 = arith.cmpi eq, %add3A_234, %broadcast_in_dim3A_76 : vector<16xi32>
    %select_n3A_269 = arith.select %eq3A_268, %broadcast_in_dim3A_136, %select_n3A_266 : vector<16xi1>, vector<16xf32>
    %select_n3A_270 = arith.select %eq3A_268, %broadcast_in_dim3A_162, %select_n3A_267 : vector<16xi1>, vector<16xf32>
    %eq3A_271 = arith.cmpi eq, %add3A_234, %broadcast_in_dim3A_79 : vector<16xi32>
    %select_n3A_272 = arith.select %eq3A_271, %broadcast_in_dim3A_139, %select_n3A_269 : vector<16xi1>, vector<16xf32>
    %select_n3A_273 = arith.select %eq3A_271, %broadcast_in_dim3A_162, %select_n3A_270 : vector<16xi1>, vector<16xf32>
    %eq3A_274 = arith.cmpi eq, %add3A_234, %broadcast_in_dim3A_82 : vector<16xi32>
    %select_n3A_275 = arith.select %eq3A_274, %broadcast_in_dim3A_142, %select_n3A_272 : vector<16xi1>, vector<16xf32>
    %select_n3A_276 = arith.select %eq3A_274, %broadcast_in_dim3A_162, %select_n3A_273 : vector<16xi1>, vector<16xf32>
    %eq3A_277 = arith.cmpi eq, %add3A_234, %broadcast_in_dim3A_85 : vector<16xi32>
    %select_n3A_278 = arith.select %eq3A_277, %broadcast_in_dim3A_145, %select_n3A_275 : vector<16xi1>, vector<16xf32>
    %select_n3A_279 = arith.select %eq3A_277, %broadcast_in_dim3A_162, %select_n3A_276 : vector<16xi1>, vector<16xf32>
    %eq3A_280 = arith.cmpi eq, %add3A_234, %broadcast_in_dim3A_88 : vector<16xi32>
    %select_n3A_281 = arith.select %eq3A_280, %broadcast_in_dim3A_148, %select_n3A_278 : vector<16xi1>, vector<16xf32>
    %select_n3A_282 = arith.select %eq3A_280, %broadcast_in_dim3A_162, %select_n3A_279 : vector<16xi1>, vector<16xf32>
    %eq3A_283 = arith.cmpi eq, %add3A_234, %broadcast_in_dim3A_91 : vector<16xi32>
    %select_n3A_284 = arith.select %eq3A_283, %broadcast_in_dim3A_151, %select_n3A_281 : vector<16xi1>, vector<16xf32>
    %select_n3A_285 = arith.select %eq3A_283, %broadcast_in_dim3A_162, %select_n3A_282 : vector<16xi1>, vector<16xf32>
    %eq3A_286 = arith.cmpi eq, %add3A_234, %broadcast_in_dim3A_94 : vector<16xi32>
    %select_n3A_287 = arith.select %eq3A_286, %broadcast_in_dim3A_154, %select_n3A_284 : vector<16xi1>, vector<16xf32>
    %select_n3A_288 = arith.select %eq3A_286, %broadcast_in_dim3A_162, %select_n3A_285 : vector<16xi1>, vector<16xf32>
    %eq3A_289 = arith.cmpi eq, %add3A_234, %broadcast_in_dim3A_97 : vector<16xi32>
    %select_n3A_290 = arith.select %eq3A_289, %broadcast_in_dim3A_157, %select_n3A_287 : vector<16xi1>, vector<16xf32>
    %select_n3A_291 = arith.select %eq3A_289, %broadcast_in_dim3A_162, %select_n3A_288 : vector<16xi1>, vector<16xf32>
    %eq3A_292 = arith.cmpi eq, %add3A_234, %broadcast_in_dim3A_100 : vector<16xi32>
    %select_n3A_293 = arith.select %eq3A_292, %broadcast_in_dim3A_160, %select_n3A_290 : vector<16xi1>, vector<16xf32>
    %select_n3A_294 = arith.select %eq3A_292, %broadcast_in_dim3A_162, %select_n3A_291 : vector<16xi1>, vector<16xf32>
    %swap3A_295 = arith.constant 16 : index
    %swap3A_296 = tpu.vector_load %arg8[%swap3A_295] {strides = array<i32>} : memref<256xf32, #tpu.memory_space<vmem>>, vector<16xf32>,
    tpu.vector_store %arg8[%swap3A_295], %select_n3A_293 {strides = array<i32>} : memref<256xf32, #tpu.memory_space<vmem>>, vector<16xf32>,
    %swap3A_297 = arith.constant 16 : index
    %swap3A_298 = tpu.vector_load %arg9[%swap3A_297] {strides = array<i32>} : memref<256xf32, #tpu.memory_space<vmem>>, vector<16xf32>,
    tpu.vector_store %arg9[%swap3A_297], %select_n3A_294 {strides = array<i32>} : memref<256xf32, #tpu.memory_space<vmem>>, vector<16xf32>,
    %add3A_299 = arith.constant 32 : i32
    %add3A_300 = arith.addi %mul3A_42, %add3A_299 : i32
    %add3A_301 = vector.broadcast %add3A_300 : i32 to vector<16xi32>
    %add3A_302 = arith.addi %iota3A, %add3A_301 : vector<16xi32>
    %eq3A_303 = arith.cmpi eq, %add3A_302, %broadcast_in_dim3A_43 : vector<16xi32>
    %select_n3A_304 = arith.select %eq3A_303, %broadcast_in_dim3A_103, %broadcast_in_dim3A_164 : vector<16xi1>, vector<16xf32>
    %select_n3A_305 = arith.select %eq3A_303, %broadcast_in_dim3A_162, %broadcast_in_dim3A_164 : vector<16xi1>, vector<16xf32>
    %eq3A_306 = arith.cmpi eq, %add3A_302, %broadcast_in_dim3A_46 : vector<16xi32>
    %select_n3A_307 = arith.select %eq3A_306, %broadcast_in_dim3A_106, %select_n3A_304 : vector<16xi1>, vector<16xf32>
    %select_n3A_308 = arith.select %eq3A_306, %broadcast_in_dim3A_162, %select_n3A_305 : vector<16xi1>, vector<16xf32>
    %eq3A_309 = arith.cmpi eq, %add3A_302, %broadcast_in_dim3A_49 : vector<16xi32>
    %select_n3A_310 = arith.select %eq3A_309, %broadcast_in_dim3A_109, %select_n3A_307 : vector<16xi1>, vector<16xf32>
    %select_n3A_311 = arith.select %eq3A_309, %broadcast_in_dim3A_162, %select_n3A_308 : vector<16xi1>, vector<16xf32>
    %eq3A_312 = arith.cmpi eq, %add3A_302, %broadcast_in_dim3A_52 : vector<16xi32>
    %select_n3A_313 = arith.select %eq3A_312, %broadcast_in_dim3A_112, %select_n3A_310 : vector<16xi1>, vector<16xf32>
    %select_n3A_314 = arith.select %eq3A_312, %broadcast_in_dim3A_162, %select_n3A_311 : vector<16xi1>, vector<16xf32>
    %eq3A_315 = arith.cmpi eq, %add3A_302, %broadcast_in_dim3A_55 : vector<16xi32>
    %select_n3A_316 = arith.select %eq3A_315, %broadcast_in_dim3A_115, %select_n3A_313 : vector<16xi1>, vector<16xf32>
    %select_n3A_317 = arith.select %eq3A_315, %broadcast_in_dim3A_162, %select_n3A_314 : vector<16xi1>, vector<16xf32>
    %eq3A_318 = arith.cmpi eq, %add3A_302, %broadcast_in_dim3A_58 : vector<16xi32>
    %select_n3A_319 = arith.select %eq3A_318, %broadcast_in_dim3A_118, %select_n3A_316 : vector<16xi1>, vector<16xf32>
    %select_n3A_320 = arith.select %eq3A_318, %broadcast_in_dim3A_162, %select_n3A_317 : vector<16xi1>, vector<16xf32>
    %eq3A_321 = arith.cmpi eq, %add3A_302, %broadcast_in_dim3A_61 : vector<16xi32>
    %select_n3A_322 = arith.select %eq3A_321, %broadcast_in_dim3A_121, %select_n3A_319 : vector<16xi1>, vector<16xf32>
    %select_n3A_323 = arith.select %eq3A_321, %broadcast_in_dim3A_162, %select_n3A_320 : vector<16xi1>, vector<16xf32>
    %eq3A_324 = arith.cmpi eq, %add3A_302, %broadcast_in_dim3A_64 : vector<16xi32>
    %select_n3A_325 = arith.select %eq3A_324, %broadcast_in_dim3A_124, %select_n3A_322 : vector<16xi1>, vector<16xf32>
    %select_n3A_326 = arith.select %eq3A_324, %broadcast_in_dim3A_162, %select_n3A_323 : vector<16xi1>, vector<16xf32>
    %eq3A_327 = arith.cmpi eq, %add3A_302, %broadcast_in_dim3A_67 : vector<16xi32>
    %select_n3A_328 = arith.select %eq3A_327, %broadcast_in_dim3A_127, %select_n3A_325 : vector<16xi1>, vector<16xf32>
    %select_n3A_329 = arith.select %eq3A_327, %broadcast_in_dim3A_162, %select_n3A_326 : vector<16xi1>, vector<16xf32>
    %eq3A_330 = arith.cmpi eq, %add3A_302, %broadcast_in_dim3A_70 : vector<16xi32>
    %select_n3A_331 = arith.select %eq3A_330, %broadcast_in_dim3A_130, %select_n3A_328 : vector<16xi1>, vector<16xf32>
    %select_n3A_332 = arith.select %eq3A_330, %broadcast_in_dim3A_162, %select_n3A_329 : vector<16xi1>, vector<16xf32>
    %eq3A_333 = arith.cmpi eq, %add3A_302, %broadcast_in_dim3A_73 : vector<16xi32>
    %select_n3A_334 = arith.select %eq3A_333, %broadcast_in_dim3A_133, %select_n3A_331 : vector<16xi1>, vector<16xf32>
    %select_n3A_335 = arith.select %eq3A_333, %broadcast_in_dim3A_162, %select_n3A_332 : vector<16xi1>, vector<16xf32>
    %eq3A_336 = arith.cmpi eq, %add3A_302, %broadcast_in_dim3A_76 : vector<16xi32>
    %select_n3A_337 = arith.select %eq3A_336, %broadcast_in_dim3A_136, %select_n3A_334 : vector<16xi1>, vector<16xf32>
    %select_n3A_338 = arith.select %eq3A_336, %broadcast_in_dim3A_162, %select_n3A_335 : vector<16xi1>, vector<16xf32>
    %eq3A_339 = arith.cmpi eq, %add3A_302, %broadcast_in_dim3A_79 : vector<16xi32>
    %select_n3A_340 = arith.select %eq3A_339, %broadcast_in_dim3A_139, %select_n3A_337 : vector<16xi1>, vector<16xf32>
    %select_n3A_341 = arith.select %eq3A_339, %broadcast_in_dim3A_162, %select_n3A_338 : vector<16xi1>, vector<16xf32>
    %eq3A_342 = arith.cmpi eq, %add3A_302, %broadcast_in_dim3A_82 : vector<16xi32>
    %select_n3A_343 = arith.select %eq3A_342, %broadcast_in_dim3A_142, %select_n3A_340 : vector<16xi1>, vector<16xf32>
    %select_n3A_344 = arith.select %eq3A_342, %broadcast_in_dim3A_162, %select_n3A_341 : vector<16xi1>, vector<16xf32>
    %eq3A_345 = arith.cmpi eq, %add3A_302, %broadcast_in_dim3A_85 : vector<16xi32>
    %select_n3A_346 = arith.select %eq3A_345, %broadcast_in_dim3A_145, %select_n3A_343 : vector<16xi1>, vector<16xf32>
    %select_n3A_347 = arith.select %eq3A_345, %broadcast_in_dim3A_162, %select_n3A_344 : vector<16xi1>, vector<16xf32>
    %eq3A_348 = arith.cmpi eq, %add3A_302, %broadcast_in_dim3A_88 : vector<16xi32>
    %select_n3A_349 = arith.select %eq3A_348, %broadcast_in_dim3A_148, %select_n3A_346 : vector<16xi1>, vector<16xf32>
    %select_n3A_350 = arith.select %eq3A_348, %broadcast_in_dim3A_162, %select_n3A_347 : vector<16xi1>, vector<16xf32>
    %eq3A_351 = arith.cmpi eq, %add3A_302, %broadcast_in_dim3A_91 : vector<16xi32>
    %select_n3A_352 = arith.select %eq3A_351, %broadcast_in_dim3A_151, %select_n3A_349 : vector<16xi1>, vector<16xf32>
    %select_n3A_353 = arith.select %eq3A_351, %broadcast_in_dim3A_162, %select_n3A_350 : vector<16xi1>, vector<16xf32>
    %eq3A_354 = arith.cmpi eq, %add3A_302, %broadcast_in_dim3A_94 : vector<16xi32>
    %select_n3A_355 = arith.select %eq3A_354, %broadcast_in_dim3A_154, %select_n3A_352 : vector<16xi1>, vector<16xf32>
    %select_n3A_356 = arith.select %eq3A_354, %broadcast_in_dim3A_162, %select_n3A_353 : vector<16xi1>, vector<16xf32>
    %eq3A_357 = arith.cmpi eq, %add3A_302, %broadcast_in_dim3A_97 : vector<16xi32>
    %select_n3A_358 = arith.select %eq3A_357, %broadcast_in_dim3A_157, %select_n3A_355 : vector<16xi1>, vector<16xf32>
    %select_n3A_359 = arith.select %eq3A_357, %broadcast_in_dim3A_162, %select_n3A_356 : vector<16xi1>, vector<16xf32>
    %eq3A_360 = arith.cmpi eq, %add3A_302, %broadcast_in_dim3A_100 : vector<16xi32>
    %select_n3A_361 = arith.select %eq3A_360, %broadcast_in_dim3A_160, %select_n3A_358 : vector<16xi1>, vector<16xf32>
    %select_n3A_362 = arith.select %eq3A_360, %broadcast_in_dim3A_162, %select_n3A_359 : vector<16xi1>, vector<16xf32>
    %swap3A_363 = arith.constant 32 : index
    %swap3A_364 = tpu.vector_load %arg8[%swap3A_363] {strides = array<i32>} : memref<256xf32, #tpu.memory_space<vmem>>, vector<16xf32>,
    tpu.vector_store %arg8[%swap3A_363], %select_n3A_361 {strides = array<i32>} : memref<256xf32, #tpu.memory_space<vmem>>, vector<16xf32>,
    %swap3A_365 = arith.constant 32 : index
    %swap3A_366 = tpu.vector_load %arg9[%swap3A_365] {strides = array<i32>} : memref<256xf32, #tpu.memory_space<vmem>>, vector<16xf32>,
    tpu.vector_store %arg9[%swap3A_365], %select_n3A_362 {strides = array<i32>} : memref<256xf32, #tpu.memory_space<vmem>>, vector<16xf32>,
    %add3A_367 = arith.constant 48 : i32
    %add3A_368 = arith.addi %mul3A_42, %add3A_367 : i32
    %add3A_369 = vector.broadcast %add3A_368 : i32 to vector<16xi32>
    %add3A_370 = arith.addi %iota3A, %add3A_369 : vector<16xi32>
    %eq3A_371 = arith.cmpi eq, %add3A_370, %broadcast_in_dim3A_43 : vector<16xi32>
    %select_n3A_372 = arith.select %eq3A_371, %broadcast_in_dim3A_103, %broadcast_in_dim3A_164 : vector<16xi1>, vector<16xf32>
    %select_n3A_373 = arith.select %eq3A_371, %broadcast_in_dim3A_162, %broadcast_in_dim3A_164 : vector<16xi1>, vector<16xf32>
    %eq3A_374 = arith.cmpi eq, %add3A_370, %broadcast_in_dim3A_46 : vector<16xi32>
    %select_n3A_375 = arith.select %eq3A_374, %broadcast_in_dim3A_106, %select_n3A_372 : vector<16xi1>, vector<16xf32>
    %select_n3A_376 = arith.select %eq3A_374, %broadcast_in_dim3A_162, %select_n3A_373 : vector<16xi1>, vector<16xf32>
    %eq3A_377 = arith.cmpi eq, %add3A_370, %broadcast_in_dim3A_49 : vector<16xi32>
    %select_n3A_378 = arith.select %eq3A_377, %broadcast_in_dim3A_109, %select_n3A_375 : vector<16xi1>, vector<16xf32>
    %select_n3A_379 = arith.select %eq3A_377, %broadcast_in_dim3A_162, %select_n3A_376 : vector<16xi1>, vector<16xf32>
    %eq3A_380 = arith.cmpi eq, %add3A_370, %broadcast_in_dim3A_52 : vector<16xi32>
    %select_n3A_381 = arith.select %eq3A_380, %broadcast_in_dim3A_112, %select_n3A_378 : vector<16xi1>, vector<16xf32>
    %select_n3A_382 = arith.select %eq3A_380, %broadcast_in_dim3A_162, %select_n3A_379 : vector<16xi1>, vector<16xf32>
    %eq3A_383 = arith.cmpi eq, %add3A_370, %broadcast_in_dim3A_55 : vector<16xi32>
    %select_n3A_384 = arith.select %eq3A_383, %broadcast_in_dim3A_115, %select_n3A_381 : vector<16xi1>, vector<16xf32>
    %select_n3A_385 = arith.select %eq3A_383, %broadcast_in_dim3A_162, %select_n3A_382 : vector<16xi1>, vector<16xf32>
    %eq3A_386 = arith.cmpi eq, %add3A_370, %broadcast_in_dim3A_58 : vector<16xi32>
    %select_n3A_387 = arith.select %eq3A_386, %broadcast_in_dim3A_118, %select_n3A_384 : vector<16xi1>, vector<16xf32>
    %select_n3A_388 = arith.select %eq3A_386, %broadcast_in_dim3A_162, %select_n3A_385 : vector<16xi1>, vector<16xf32>
    %eq3A_389 = arith.cmpi eq, %add3A_370, %broadcast_in_dim3A_61 : vector<16xi32>
    %select_n3A_390 = arith.select %eq3A_389, %broadcast_in_dim3A_121, %select_n3A_387 : vector<16xi1>, vector<16xf32>
    %select_n3A_391 = arith.select %eq3A_389, %broadcast_in_dim3A_162, %select_n3A_388 : vector<16xi1>, vector<16xf32>
    %eq3A_392 = arith.cmpi eq, %add3A_370, %broadcast_in_dim3A_64 : vector<16xi32>
    %select_n3A_393 = arith.select %eq3A_392, %broadcast_in_dim3A_124, %select_n3A_390 : vector<16xi1>, vector<16xf32>
    %select_n3A_394 = arith.select %eq3A_392, %broadcast_in_dim3A_162, %select_n3A_391 : vector<16xi1>, vector<16xf32>
    %eq3A_395 = arith.cmpi eq, %add3A_370, %broadcast_in_dim3A_67 : vector<16xi32>
    %select_n3A_396 = arith.select %eq3A_395, %broadcast_in_dim3A_127, %select_n3A_393 : vector<16xi1>, vector<16xf32>
    %select_n3A_397 = arith.select %eq3A_395, %broadcast_in_dim3A_162, %select_n3A_394 : vector<16xi1>, vector<16xf32>
    %eq3A_398 = arith.cmpi eq, %add3A_370, %broadcast_in_dim3A_70 : vector<16xi32>
    %select_n3A_399 = arith.select %eq3A_398, %broadcast_in_dim3A_130, %select_n3A_396 : vector<16xi1>, vector<16xf32>
    %select_n3A_400 = arith.select %eq3A_398, %broadcast_in_dim3A_162, %select_n3A_397 : vector<16xi1>, vector<16xf32>
    %eq3A_401 = arith.cmpi eq, %add3A_370, %broadcast_in_dim3A_73 : vector<16xi32>
    %select_n3A_402 = arith.select %eq3A_401, %broadcast_in_dim3A_133, %select_n3A_399 : vector<16xi1>, vector<16xf32>
    %select_n3A_403 = arith.select %eq3A_401, %broadcast_in_dim3A_162, %select_n3A_400 : vector<16xi1>, vector<16xf32>
    %eq3A_404 = arith.cmpi eq, %add3A_370, %broadcast_in_dim3A_76 : vector<16xi32>
    %select_n3A_405 = arith.select %eq3A_404, %broadcast_in_dim3A_136, %select_n3A_402 : vector<16xi1>, vector<16xf32>
    %select_n3A_406 = arith.select %eq3A_404, %broadcast_in_dim3A_162, %select_n3A_403 : vector<16xi1>, vector<16xf32>
    %eq3A_407 = arith.cmpi eq, %add3A_370, %broadcast_in_dim3A_79 : vector<16xi32>
    %select_n3A_408 = arith.select %eq3A_407, %broadcast_in_dim3A_139, %select_n3A_405 : vector<16xi1>, vector<16xf32>
    %select_n3A_409 = arith.select %eq3A_407, %broadcast_in_dim3A_162, %select_n3A_406 : vector<16xi1>, vector<16xf32>
    %eq3A_410 = arith.cmpi eq, %add3A_370, %broadcast_in_dim3A_82 : vector<16xi32>
    %select_n3A_411 = arith.select %eq3A_410, %broadcast_in_dim3A_142, %select_n3A_408 : vector<16xi1>, vector<16xf32>
    %select_n3A_412 = arith.select %eq3A_410, %broadcast_in_dim3A_162, %select_n3A_409 : vector<16xi1>, vector<16xf32>
    %eq3A_413 = arith.cmpi eq, %add3A_370, %broadcast_in_dim3A_85 : vector<16xi32>
    %select_n3A_414 = arith.select %eq3A_413, %broadcast_in_dim3A_145, %select_n3A_411 : vector<16xi1>, vector<16xf32>
    %select_n3A_415 = arith.select %eq3A_413, %broadcast_in_dim3A_162, %select_n3A_412 : vector<16xi1>, vector<16xf32>
    %eq3A_416 = arith.cmpi eq, %add3A_370, %broadcast_in_dim3A_88 : vector<16xi32>
    %select_n3A_417 = arith.select %eq3A_416, %broadcast_in_dim3A_148, %select_n3A_414 : vector<16xi1>, vector<16xf32>
    %select_n3A_418 = arith.select %eq3A_416, %broadcast_in_dim3A_162, %select_n3A_415 : vector<16xi1>, vector<16xf32>
    %eq3A_419 = arith.cmpi eq, %add3A_370, %broadcast_in_dim3A_91 : vector<16xi32>
    %select_n3A_420 = arith.select %eq3A_419, %broadcast_in_dim3A_151, %select_n3A_417 : vector<16xi1>, vector<16xf32>
    %select_n3A_421 = arith.select %eq3A_419, %broadcast_in_dim3A_162, %select_n3A_418 : vector<16xi1>, vector<16xf32>
    %eq3A_422 = arith.cmpi eq, %add3A_370, %broadcast_in_dim3A_94 : vector<16xi32>
    %select_n3A_423 = arith.select %eq3A_422, %broadcast_in_dim3A_154, %select_n3A_420 : vector<16xi1>, vector<16xf32>
    %select_n3A_424 = arith.select %eq3A_422, %broadcast_in_dim3A_162, %select_n3A_421 : vector<16xi1>, vector<16xf32>
    %eq3A_425 = arith.cmpi eq, %add3A_370, %broadcast_in_dim3A_97 : vector<16xi32>
    %select_n3A_426 = arith.select %eq3A_425, %broadcast_in_dim3A_157, %select_n3A_423 : vector<16xi1>, vector<16xf32>
    %select_n3A_427 = arith.select %eq3A_425, %broadcast_in_dim3A_162, %select_n3A_424 : vector<16xi1>, vector<16xf32>
    %eq3A_428 = arith.cmpi eq, %add3A_370, %broadcast_in_dim3A_100 : vector<16xi32>
    %select_n3A_429 = arith.select %eq3A_428, %broadcast_in_dim3A_160, %select_n3A_426 : vector<16xi1>, vector<16xf32>
    %select_n3A_430 = arith.select %eq3A_428, %broadcast_in_dim3A_162, %select_n3A_427 : vector<16xi1>, vector<16xf32>
    %swap3A_431 = arith.constant 48 : index
    %swap3A_432 = tpu.vector_load %arg8[%swap3A_431] {strides = array<i32>} : memref<256xf32, #tpu.memory_space<vmem>>, vector<16xf32>,
    tpu.vector_store %arg8[%swap3A_431], %select_n3A_429 {strides = array<i32>} : memref<256xf32, #tpu.memory_space<vmem>>, vector<16xf32>,
    %swap3A_433 = arith.constant 48 : index
    %swap3A_434 = tpu.vector_load %arg9[%swap3A_433] {strides = array<i32>} : memref<256xf32, #tpu.memory_space<vmem>>, vector<16xf32>,
    tpu.vector_store %arg9[%swap3A_433], %select_n3A_430 {strides = array<i32>} : memref<256xf32, #tpu.memory_space<vmem>>, vector<16xf32>,
    %add3A_435 = arith.constant 64 : i32
    %add3A_436 = arith.addi %mul3A_42, %add3A_435 : i32
    %add3A_437 = vector.broadcast %add3A_436 : i32 to vector<16xi32>
    %add3A_438 = arith.addi %iota3A, %add3A_437 : vector<16xi32>
    %eq3A_439 = arith.cmpi eq, %add3A_438, %broadcast_in_dim3A_43 : vector<16xi32>
    %select_n3A_440 = arith.select %eq3A_439, %broadcast_in_dim3A_103, %broadcast_in_dim3A_164 : vector<16xi1>, vector<16xf32>
    %select_n3A_441 = arith.select %eq3A_439, %broadcast_in_dim3A_162, %broadcast_in_dim3A_164 : vector<16xi1>, vector<16xf32>
    %eq3A_442 = arith.cmpi eq, %add3A_438, %broadcast_in_dim3A_46 : vector<16xi32>
    %select_n3A_443 = arith.select %eq3A_442, %broadcast_in_dim3A_106, %select_n3A_440 : vector<16xi1>, vector<16xf32>
    %select_n3A_444 = arith.select %eq3A_442, %broadcast_in_dim3A_162, %select_n3A_441 : vector<16xi1>, vector<16xf32>
    %eq3A_445 = arith.cmpi eq, %add3A_438, %broadcast_in_dim3A_49 : vector<16xi32>
    %select_n3A_446 = arith.select %eq3A_445, %broadcast_in_dim3A_109, %select_n3A_443 : vector<16xi1>, vector<16xf32>
    %select_n3A_447 = arith.select %eq3A_445, %broadcast_in_dim3A_162, %select_n3A_444 : vector<16xi1>, vector<16xf32>
    %eq3A_448 = arith.cmpi eq, %add3A_438, %broadcast_in_dim3A_52 : vector<16xi32>
    %select_n3A_449 = arith.select %eq3A_448, %broadcast_in_dim3A_112, %select_n3A_446 : vector<16xi1>, vector<16xf32>
    %select_n3A_450 = arith.select %eq3A_448, %broadcast_in_dim3A_162, %select_n3A_447 : vector<16xi1>, vector<16xf32>
    %eq3A_451 = arith.cmpi eq, %add3A_438, %broadcast_in_dim3A_55 : vector<16xi32>
    %select_n3A_452 = arith.select %eq3A_451, %broadcast_in_dim3A_115, %select_n3A_449 : vector<16xi1>, vector<16xf32>
    %select_n3A_453 = arith.select %eq3A_451, %broadcast_in_dim3A_162, %select_n3A_450 : vector<16xi1>, vector<16xf32>
    %eq3A_454 = arith.cmpi eq, %add3A_438, %broadcast_in_dim3A_58 : vector<16xi32>
    %select_n3A_455 = arith.select %eq3A_454, %broadcast_in_dim3A_118, %select_n3A_452 : vector<16xi1>, vector<16xf32>
    %select_n3A_456 = arith.select %eq3A_454, %broadcast_in_dim3A_162, %select_n3A_453 : vector<16xi1>, vector<16xf32>
    %eq3A_457 = arith.cmpi eq, %add3A_438, %broadcast_in_dim3A_61 : vector<16xi32>
    %select_n3A_458 = arith.select %eq3A_457, %broadcast_in_dim3A_121, %select_n3A_455 : vector<16xi1>, vector<16xf32>
    %select_n3A_459 = arith.select %eq3A_457, %broadcast_in_dim3A_162, %select_n3A_456 : vector<16xi1>, vector<16xf32>
    %eq3A_460 = arith.cmpi eq, %add3A_438, %broadcast_in_dim3A_64 : vector<16xi32>
    %select_n3A_461 = arith.select %eq3A_460, %broadcast_in_dim3A_124, %select_n3A_458 : vector<16xi1>, vector<16xf32>
    %select_n3A_462 = arith.select %eq3A_460, %broadcast_in_dim3A_162, %select_n3A_459 : vector<16xi1>, vector<16xf32>
    %eq3A_463 = arith.cmpi eq, %add3A_438, %broadcast_in_dim3A_67 : vector<16xi32>
    %select_n3A_464 = arith.select %eq3A_463, %broadcast_in_dim3A_127, %select_n3A_461 : vector<16xi1>, vector<16xf32>
    %select_n3A_465 = arith.select %eq3A_463, %broadcast_in_dim3A_162, %select_n3A_462 : vector<16xi1>, vector<16xf32>
    %eq3A_466 = arith.cmpi eq, %add3A_438, %broadcast_in_dim3A_70 : vector<16xi32>
    %select_n3A_467 = arith.select %eq3A_466, %broadcast_in_dim3A_130, %select_n3A_464 : vector<16xi1>, vector<16xf32>
    %select_n3A_468 = arith.select %eq3A_466, %broadcast_in_dim3A_162, %select_n3A_465 : vector<16xi1>, vector<16xf32>
    %eq3A_469 = arith.cmpi eq, %add3A_438, %broadcast_in_dim3A_73 : vector<16xi32>
    %select_n3A_470 = arith.select %eq3A_469, %broadcast_in_dim3A_133, %select_n3A_467 : vector<16xi1>, vector<16xf32>
    %select_n3A_471 = arith.select %eq3A_469, %broadcast_in_dim3A_162, %select_n3A_468 : vector<16xi1>, vector<16xf32>
    %eq3A_472 = arith.cmpi eq, %add3A_438, %broadcast_in_dim3A_76 : vector<16xi32>
    %select_n3A_473 = arith.select %eq3A_472, %broadcast_in_dim3A_136, %select_n3A_470 : vector<16xi1>, vector<16xf32>
    %select_n3A_474 = arith.select %eq3A_472, %broadcast_in_dim3A_162, %select_n3A_471 : vector<16xi1>, vector<16xf32>
    %eq3A_475 = arith.cmpi eq, %add3A_438, %broadcast_in_dim3A_79 : vector<16xi32>
    %select_n3A_476 = arith.select %eq3A_475, %broadcast_in_dim3A_139, %select_n3A_473 : vector<16xi1>, vector<16xf32>
    %select_n3A_477 = arith.select %eq3A_475, %broadcast_in_dim3A_162, %select_n3A_474 : vector<16xi1>, vector<16xf32>
    %eq3A_478 = arith.cmpi eq, %add3A_438, %broadcast_in_dim3A_82 : vector<16xi32>
    %select_n3A_479 = arith.select %eq3A_478, %broadcast_in_dim3A_142, %select_n3A_476 : vector<16xi1>, vector<16xf32>
    %select_n3A_480 = arith.select %eq3A_478, %broadcast_in_dim3A_162, %select_n3A_477 : vector<16xi1>, vector<16xf32>
    %eq3A_481 = arith.cmpi eq, %add3A_438, %broadcast_in_dim3A_85 : vector<16xi32>
    %select_n3A_482 = arith.select %eq3A_481, %broadcast_in_dim3A_145, %select_n3A_479 : vector<16xi1>, vector<16xf32>
    %select_n3A_483 = arith.select %eq3A_481, %broadcast_in_dim3A_162, %select_n3A_480 : vector<16xi1>, vector<16xf32>
    %eq3A_484 = arith.cmpi eq, %add3A_438, %broadcast_in_dim3A_88 : vector<16xi32>
    %select_n3A_485 = arith.select %eq3A_484, %broadcast_in_dim3A_148, %select_n3A_482 : vector<16xi1>, vector<16xf32>
    %select_n3A_486 = arith.select %eq3A_484, %broadcast_in_dim3A_162, %select_n3A_483 : vector<16xi1>, vector<16xf32>
    %eq3A_487 = arith.cmpi eq, %add3A_438, %broadcast_in_dim3A_91 : vector<16xi32>
    %select_n3A_488 = arith.select %eq3A_487, %broadcast_in_dim3A_151, %select_n3A_485 : vector<16xi1>, vector<16xf32>
    %select_n3A_489 = arith.select %eq3A_487, %broadcast_in_dim3A_162, %select_n3A_486 : vector<16xi1>, vector<16xf32>
    %eq3A_490 = arith.cmpi eq, %add3A_438, %broadcast_in_dim3A_94 : vector<16xi32>
    %select_n3A_491 = arith.select %eq3A_490, %broadcast_in_dim3A_154, %select_n3A_488 : vector<16xi1>, vector<16xf32>
    %select_n3A_492 = arith.select %eq3A_490, %broadcast_in_dim3A_162, %select_n3A_489 : vector<16xi1>, vector<16xf32>
    %eq3A_493 = arith.cmpi eq, %add3A_438, %broadcast_in_dim3A_97 : vector<16xi32>
    %select_n3A_494 = arith.select %eq3A_493, %broadcast_in_dim3A_157, %select_n3A_491 : vector<16xi1>, vector<16xf32>
    %select_n3A_495 = arith.select %eq3A_493, %broadcast_in_dim3A_162, %select_n3A_492 : vector<16xi1>, vector<16xf32>
    %eq3A_496 = arith.cmpi eq, %add3A_438, %broadcast_in_dim3A_100 : vector<16xi32>
    %select_n3A_497 = arith.select %eq3A_496, %broadcast_in_dim3A_160, %select_n3A_494 : vector<16xi1>, vector<16xf32>
    %select_n3A_498 = arith.select %eq3A_496, %broadcast_in_dim3A_162, %select_n3A_495 : vector<16xi1>, vector<16xf32>
    %swap3A_499 = arith.constant 64 : index
    %swap3A_500 = tpu.vector_load %arg8[%swap3A_499] {strides = array<i32>} : memref<256xf32, #tpu.memory_space<vmem>>, vector<16xf32>,
    tpu.vector_store %arg8[%swap3A_499], %select_n3A_497 {strides = array<i32>} : memref<256xf32, #tpu.memory_space<vmem>>, vector<16xf32>,
    %swap3A_501 = arith.constant 64 : index
    %swap3A_502 = tpu.vector_load %arg9[%swap3A_501] {strides = array<i32>} : memref<256xf32, #tpu.memory_space<vmem>>, vector<16xf32>,
    tpu.vector_store %arg9[%swap3A_501], %select_n3A_498 {strides = array<i32>} : memref<256xf32, #tpu.memory_space<vmem>>, vector<16xf32>,
    %add3A_503 = arith.constant 80 : i32
    %add3A_504 = arith.addi %mul3A_42, %add3A_503 : i32
    %add3A_505 = vector.broadcast %add3A_504 : i32 to vector<16xi32>
    %add3A_506 = arith.addi %iota3A, %add3A_505 : vector<16xi32>
    %eq3A_507 = arith.cmpi eq, %add3A_506, %broadcast_in_dim3A_43 : vector<16xi32>
    %select_n3A_508 = arith.select %eq3A_507, %broadcast_in_dim3A_103, %broadcast_in_dim3A_164 : vector<16xi1>, vector<16xf32>
    %select_n3A_509 = arith.select %eq3A_507, %broadcast_in_dim3A_162, %broadcast_in_dim3A_164 : vector<16xi1>, vector<16xf32>
    %eq3A_510 = arith.cmpi eq, %add3A_506, %broadcast_in_dim3A_46 : vector<16xi32>
    %select_n3A_511 = arith.select %eq3A_510, %broadcast_in_dim3A_106, %select_n3A_508 : vector<16xi1>, vector<16xf32>
    %select_n3A_512 = arith.select %eq3A_510, %broadcast_in_dim3A_162, %select_n3A_509 : vector<16xi1>, vector<16xf32>
    %eq3A_513 = arith.cmpi eq, %add3A_506, %broadcast_in_dim3A_49 : vector<16xi32>
    %select_n3A_514 = arith.select %eq3A_513, %broadcast_in_dim3A_109, %select_n3A_511 : vector<16xi1>, vector<16xf32>
    %select_n3A_515 = arith.select %eq3A_513, %broadcast_in_dim3A_162, %select_n3A_512 : vector<16xi1>, vector<16xf32>
    %eq3A_516 = arith.cmpi eq, %add3A_506, %broadcast_in_dim3A_52 : vector<16xi32>
    %select_n3A_517 = arith.select %eq3A_516, %broadcast_in_dim3A_112, %select_n3A_514 : vector<16xi1>, vector<16xf32>
    %select_n3A_518 = arith.select %eq3A_516, %broadcast_in_dim3A_162, %select_n3A_515 : vector<16xi1>, vector<16xf32>
    %eq3A_519 = arith.cmpi eq, %add3A_506, %broadcast_in_dim3A_55 : vector<16xi32>
    %select_n3A_520 = arith.select %eq3A_519, %broadcast_in_dim3A_115, %select_n3A_517 : vector<16xi1>, vector<16xf32>
    %select_n3A_521 = arith.select %eq3A_519, %broadcast_in_dim3A_162, %select_n3A_518 : vector<16xi1>, vector<16xf32>
    %eq3A_522 = arith.cmpi eq, %add3A_506, %broadcast_in_dim3A_58 : vector<16xi32>
    %select_n3A_523 = arith.select %eq3A_522, %broadcast_in_dim3A_118, %select_n3A_520 : vector<16xi1>, vector<16xf32>
    %select_n3A_524 = arith.select %eq3A_522, %broadcast_in_dim3A_162, %select_n3A_521 : vector<16xi1>, vector<16xf32>
    %eq3A_525 = arith.cmpi eq, %add3A_506, %broadcast_in_dim3A_61 : vector<16xi32>
    %select_n3A_526 = arith.select %eq3A_525, %broadcast_in_dim3A_121, %select_n3A_523 : vector<16xi1>, vector<16xf32>
    %select_n3A_527 = arith.select %eq3A_525, %broadcast_in_dim3A_162, %select_n3A_524 : vector<16xi1>, vector<16xf32>
    %eq3A_528 = arith.cmpi eq, %add3A_506, %broadcast_in_dim3A_64 : vector<16xi32>
    %select_n3A_529 = arith.select %eq3A_528, %broadcast_in_dim3A_124, %select_n3A_526 : vector<16xi1>, vector<16xf32>
    %select_n3A_530 = arith.select %eq3A_528, %broadcast_in_dim3A_162, %select_n3A_527 : vector<16xi1>, vector<16xf32>
    %eq3A_531 = arith.cmpi eq, %add3A_506, %broadcast_in_dim3A_67 : vector<16xi32>
    %select_n3A_532 = arith.select %eq3A_531, %broadcast_in_dim3A_127, %select_n3A_529 : vector<16xi1>, vector<16xf32>
    %select_n3A_533 = arith.select %eq3A_531, %broadcast_in_dim3A_162, %select_n3A_530 : vector<16xi1>, vector<16xf32>
    %eq3A_534 = arith.cmpi eq, %add3A_506, %broadcast_in_dim3A_70 : vector<16xi32>
    %select_n3A_535 = arith.select %eq3A_534, %broadcast_in_dim3A_130, %select_n3A_532 : vector<16xi1>, vector<16xf32>
    %select_n3A_536 = arith.select %eq3A_534, %broadcast_in_dim3A_162, %select_n3A_533 : vector<16xi1>, vector<16xf32>
    %eq3A_537 = arith.cmpi eq, %add3A_506, %broadcast_in_dim3A_73 : vector<16xi32>
    %select_n3A_538 = arith.select %eq3A_537, %broadcast_in_dim3A_133, %select_n3A_535 : vector<16xi1>, vector<16xf32>
    %select_n3A_539 = arith.select %eq3A_537, %broadcast_in_dim3A_162, %select_n3A_536 : vector<16xi1>, vector<16xf32>
    %eq3A_540 = arith.cmpi eq, %add3A_506, %broadcast_in_dim3A_76 : vector<16xi32>
    %select_n3A_541 = arith.select %eq3A_540, %broadcast_in_dim3A_136, %select_n3A_538 : vector<16xi1>, vector<16xf32>
    %select_n3A_542 = arith.select %eq3A_540, %broadcast_in_dim3A_162, %select_n3A_539 : vector<16xi1>, vector<16xf32>
    %eq3A_543 = arith.cmpi eq, %add3A_506, %broadcast_in_dim3A_79 : vector<16xi32>
    %select_n3A_544 = arith.select %eq3A_543, %broadcast_in_dim3A_139, %select_n3A_541 : vector<16xi1>, vector<16xf32>
    %select_n3A_545 = arith.select %eq3A_543, %broadcast_in_dim3A_162, %select_n3A_542 : vector<16xi1>, vector<16xf32>
    %eq3A_546 = arith.cmpi eq, %add3A_506, %broadcast_in_dim3A_82 : vector<16xi32>
    %select_n3A_547 = arith.select %eq3A_546, %broadcast_in_dim3A_142, %select_n3A_544 : vector<16xi1>, vector<16xf32>
    %select_n3A_548 = arith.select %eq3A_546, %broadcast_in_dim3A_162, %select_n3A_545 : vector<16xi1>, vector<16xf32>
    %eq3A_549 = arith.cmpi eq, %add3A_506, %broadcast_in_dim3A_85 : vector<16xi32>
    %select_n3A_550 = arith.select %eq3A_549, %broadcast_in_dim3A_145, %select_n3A_547 : vector<16xi1>, vector<16xf32>
    %select_n3A_551 = arith.select %eq3A_549, %broadcast_in_dim3A_162, %select_n3A_548 : vector<16xi1>, vector<16xf32>
    %eq3A_552 = arith.cmpi eq, %add3A_506, %broadcast_in_dim3A_88 : vector<16xi32>
    %select_n3A_553 = arith.select %eq3A_552, %broadcast_in_dim3A_148, %select_n3A_550 : vector<16xi1>, vector<16xf32>
    %select_n3A_554 = arith.select %eq3A_552, %broadcast_in_dim3A_162, %select_n3A_551 : vector<16xi1>, vector<16xf32>
    %eq3A_555 = arith.cmpi eq, %add3A_506, %broadcast_in_dim3A_91 : vector<16xi32>
    %select_n3A_556 = arith.select %eq3A_555, %broadcast_in_dim3A_151, %select_n3A_553 : vector<16xi1>, vector<16xf32>
    %select_n3A_557 = arith.select %eq3A_555, %broadcast_in_dim3A_162, %select_n3A_554 : vector<16xi1>, vector<16xf32>
    %eq3A_558 = arith.cmpi eq, %add3A_506, %broadcast_in_dim3A_94 : vector<16xi32>
    %select_n3A_559 = arith.select %eq3A_558, %broadcast_in_dim3A_154, %select_n3A_556 : vector<16xi1>, vector<16xf32>
    %select_n3A_560 = arith.select %eq3A_558, %broadcast_in_dim3A_162, %select_n3A_557 : vector<16xi1>, vector<16xf32>
    %eq3A_561 = arith.cmpi eq, %add3A_506, %broadcast_in_dim3A_97 : vector<16xi32>
    %select_n3A_562 = arith.select %eq3A_561, %broadcast_in_dim3A_157, %select_n3A_559 : vector<16xi1>, vector<16xf32>
    %select_n3A_563 = arith.select %eq3A_561, %broadcast_in_dim3A_162, %select_n3A_560 : vector<16xi1>, vector<16xf32>
    %eq3A_564 = arith.cmpi eq, %add3A_506, %broadcast_in_dim3A_100 : vector<16xi32>
    %select_n3A_565 = arith.select %eq3A_564, %broadcast_in_dim3A_160, %select_n3A_562 : vector<16xi1>, vector<16xf32>
    %select_n3A_566 = arith.select %eq3A_564, %broadcast_in_dim3A_162, %select_n3A_563 : vector<16xi1>, vector<16xf32>
    %swap3A_567 = arith.constant 80 : index
    %swap3A_568 = tpu.vector_load %arg8[%swap3A_567] {strides = array<i32>} : memref<256xf32, #tpu.memory_space<vmem>>, vector<16xf32>,
    tpu.vector_store %arg8[%swap3A_567], %select_n3A_565 {strides = array<i32>} : memref<256xf32, #tpu.memory_space<vmem>>, vector<16xf32>,
    %swap3A_569 = arith.constant 80 : index
    %swap3A_570 = tpu.vector_load %arg9[%swap3A_569] {strides = array<i32>} : memref<256xf32, #tpu.memory_space<vmem>>, vector<16xf32>,
    tpu.vector_store %arg9[%swap3A_569], %select_n3A_566 {strides = array<i32>} : memref<256xf32, #tpu.memory_space<vmem>>, vector<16xf32>,
    %add3A_571 = arith.constant 96 : i32
    %add3A_572 = arith.addi %mul3A_42, %add3A_571 : i32
    %add3A_573 = vector.broadcast %add3A_572 : i32 to vector<16xi32>
    %add3A_574 = arith.addi %iota3A, %add3A_573 : vector<16xi32>
    %eq3A_575 = arith.cmpi eq, %add3A_574, %broadcast_in_dim3A_43 : vector<16xi32>
    %select_n3A_576 = arith.select %eq3A_575, %broadcast_in_dim3A_103, %broadcast_in_dim3A_164 : vector<16xi1>, vector<16xf32>
    %select_n3A_577 = arith.select %eq3A_575, %broadcast_in_dim3A_162, %broadcast_in_dim3A_164 : vector<16xi1>, vector<16xf32>
    %eq3A_578 = arith.cmpi eq, %add3A_574, %broadcast_in_dim3A_46 : vector<16xi32>
    %select_n3A_579 = arith.select %eq3A_578, %broadcast_in_dim3A_106, %select_n3A_576 : vector<16xi1>, vector<16xf32>
    %select_n3A_580 = arith.select %eq3A_578, %broadcast_in_dim3A_162, %select_n3A_577 : vector<16xi1>, vector<16xf32>
    %eq3A_581 = arith.cmpi eq, %add3A_574, %broadcast_in_dim3A_49 : vector<16xi32>
    %select_n3A_582 = arith.select %eq3A_581, %broadcast_in_dim3A_109, %select_n3A_579 : vector<16xi1>, vector<16xf32>
    %select_n3A_583 = arith.select %eq3A_581, %broadcast_in_dim3A_162, %select_n3A_580 : vector<16xi1>, vector<16xf32>
    %eq3A_584 = arith.cmpi eq, %add3A_574, %broadcast_in_dim3A_52 : vector<16xi32>
    %select_n3A_585 = arith.select %eq3A_584, %broadcast_in_dim3A_112, %select_n3A_582 : vector<16xi1>, vector<16xf32>
    %select_n3A_586 = arith.select %eq3A_584, %broadcast_in_dim3A_162, %select_n3A_583 : vector<16xi1>, vector<16xf32>
    %eq3A_587 = arith.cmpi eq, %add3A_574, %broadcast_in_dim3A_55 : vector<16xi32>
    %select_n3A_588 = arith.select %eq3A_587, %broadcast_in_dim3A_115, %select_n3A_585 : vector<16xi1>, vector<16xf32>
    %select_n3A_589 = arith.select %eq3A_587, %broadcast_in_dim3A_162, %select_n3A_586 : vector<16xi1>, vector<16xf32>
    %eq3A_590 = arith.cmpi eq, %add3A_574, %broadcast_in_dim3A_58 : vector<16xi32>
    %select_n3A_591 = arith.select %eq3A_590, %broadcast_in_dim3A_118, %select_n3A_588 : vector<16xi1>, vector<16xf32>
    %select_n3A_592 = arith.select %eq3A_590, %broadcast_in_dim3A_162, %select_n3A_589 : vector<16xi1>, vector<16xf32>
    %eq3A_593 = arith.cmpi eq, %add3A_574, %broadcast_in_dim3A_61 : vector<16xi32>
    %select_n3A_594 = arith.select %eq3A_593, %broadcast_in_dim3A_121, %select_n3A_591 : vector<16xi1>, vector<16xf32>
    %select_n3A_595 = arith.select %eq3A_593, %broadcast_in_dim3A_162, %select_n3A_592 : vector<16xi1>, vector<16xf32>
    %eq3A_596 = arith.cmpi eq, %add3A_574, %broadcast_in_dim3A_64 : vector<16xi32>
    %select_n3A_597 = arith.select %eq3A_596, %broadcast_in_dim3A_124, %select_n3A_594 : vector<16xi1>, vector<16xf32>
    %select_n3A_598 = arith.select %eq3A_596, %broadcast_in_dim3A_162, %select_n3A_595 : vector<16xi1>, vector<16xf32>
    %eq3A_599 = arith.cmpi eq, %add3A_574, %broadcast_in_dim3A_67 : vector<16xi32>
    %select_n3A_600 = arith.select %eq3A_599, %broadcast_in_dim3A_127, %select_n3A_597 : vector<16xi1>, vector<16xf32>
    %select_n3A_601 = arith.select %eq3A_599, %broadcast_in_dim3A_162, %select_n3A_598 : vector<16xi1>, vector<16xf32>
    %eq3A_602 = arith.cmpi eq, %add3A_574, %broadcast_in_dim3A_70 : vector<16xi32>
    %select_n3A_603 = arith.select %eq3A_602, %broadcast_in_dim3A_130, %select_n3A_600 : vector<16xi1>, vector<16xf32>
    %select_n3A_604 = arith.select %eq3A_602, %broadcast_in_dim3A_162, %select_n3A_601 : vector<16xi1>, vector<16xf32>
    %eq3A_605 = arith.cmpi eq, %add3A_574, %broadcast_in_dim3A_73 : vector<16xi32>
    %select_n3A_606 = arith.select %eq3A_605, %broadcast_in_dim3A_133, %select_n3A_603 : vector<16xi1>, vector<16xf32>
    %select_n3A_607 = arith.select %eq3A_605, %broadcast_in_dim3A_162, %select_n3A_604 : vector<16xi1>, vector<16xf32>
    %eq3A_608 = arith.cmpi eq, %add3A_574, %broadcast_in_dim3A_76 : vector<16xi32>
    %select_n3A_609 = arith.select %eq3A_608, %broadcast_in_dim3A_136, %select_n3A_606 : vector<16xi1>, vector<16xf32>
    %select_n3A_610 = arith.select %eq3A_608, %broadcast_in_dim3A_162, %select_n3A_607 : vector<16xi1>, vector<16xf32>
    %eq3A_611 = arith.cmpi eq, %add3A_574, %broadcast_in_dim3A_79 : vector<16xi32>
    %select_n3A_612 = arith.select %eq3A_611, %broadcast_in_dim3A_139, %select_n3A_609 : vector<16xi1>, vector<16xf32>
    %select_n3A_613 = arith.select %eq3A_611, %broadcast_in_dim3A_162, %select_n3A_610 : vector<16xi1>, vector<16xf32>
    %eq3A_614 = arith.cmpi eq, %add3A_574, %broadcast_in_dim3A_82 : vector<16xi32>
    %select_n3A_615 = arith.select %eq3A_614, %broadcast_in_dim3A_142, %select_n3A_612 : vector<16xi1>, vector<16xf32>
    %select_n3A_616 = arith.select %eq3A_614, %broadcast_in_dim3A_162, %select_n3A_613 : vector<16xi1>, vector<16xf32>
    %eq3A_617 = arith.cmpi eq, %add3A_574, %broadcast_in_dim3A_85 : vector<16xi32>
    %select_n3A_618 = arith.select %eq3A_617, %broadcast_in_dim3A_145, %select_n3A_615 : vector<16xi1>, vector<16xf32>
    %select_n3A_619 = arith.select %eq3A_617, %broadcast_in_dim3A_162, %select_n3A_616 : vector<16xi1>, vector<16xf32>
    %eq3A_620 = arith.cmpi eq, %add3A_574, %broadcast_in_dim3A_88 : vector<16xi32>
    %select_n3A_621 = arith.select %eq3A_620, %broadcast_in_dim3A_148, %select_n3A_618 : vector<16xi1>, vector<16xf32>
    %select_n3A_622 = arith.select %eq3A_620, %broadcast_in_dim3A_162, %select_n3A_619 : vector<16xi1>, vector<16xf32>
    %eq3A_623 = arith.cmpi eq, %add3A_574, %broadcast_in_dim3A_91 : vector<16xi32>
    %select_n3A_624 = arith.select %eq3A_623, %broadcast_in_dim3A_151, %select_n3A_621 : vector<16xi1>, vector<16xf32>
    %select_n3A_625 = arith.select %eq3A_623, %broadcast_in_dim3A_162, %select_n3A_622 : vector<16xi1>, vector<16xf32>
    %eq3A_626 = arith.cmpi eq, %add3A_574, %broadcast_in_dim3A_94 : vector<16xi32>
    %select_n3A_627 = arith.select %eq3A_626, %broadcast_in_dim3A_154, %select_n3A_624 : vector<16xi1>, vector<16xf32>
    %select_n3A_628 = arith.select %eq3A_626, %broadcast_in_dim3A_162, %select_n3A_625 : vector<16xi1>, vector<16xf32>
    %eq3A_629 = arith.cmpi eq, %add3A_574, %broadcast_in_dim3A_97 : vector<16xi32>
    %select_n3A_630 = arith.select %eq3A_629, %broadcast_in_dim3A_157, %select_n3A_627 : vector<16xi1>, vector<16xf32>
    %select_n3A_631 = arith.select %eq3A_629, %broadcast_in_dim3A_162, %select_n3A_628 : vector<16xi1>, vector<16xf32>
    %eq3A_632 = arith.cmpi eq, %add3A_574, %broadcast_in_dim3A_100 : vector<16xi32>
    %select_n3A_633 = arith.select %eq3A_632, %broadcast_in_dim3A_160, %select_n3A_630 : vector<16xi1>, vector<16xf32>
    %select_n3A_634 = arith.select %eq3A_632, %broadcast_in_dim3A_162, %select_n3A_631 : vector<16xi1>, vector<16xf32>
    %swap3A_635 = arith.constant 96 : index
    %swap3A_636 = tpu.vector_load %arg8[%swap3A_635] {strides = array<i32>} : memref<256xf32, #tpu.memory_space<vmem>>, vector<16xf32>,
    tpu.vector_store %arg8[%swap3A_635], %select_n3A_633 {strides = array<i32>} : memref<256xf32, #tpu.memory_space<vmem>>, vector<16xf32>,
    %swap3A_637 = arith.constant 96 : index
    %swap3A_638 = tpu.vector_load %arg9[%swap3A_637] {strides = array<i32>} : memref<256xf32, #tpu.memory_space<vmem>>, vector<16xf32>,
    tpu.vector_store %arg9[%swap3A_637], %select_n3A_634 {strides = array<i32>} : memref<256xf32, #tpu.memory_space<vmem>>, vector<16xf32>,
    %add3A_639 = arith.constant 112 : i32
    %add3A_640 = arith.addi %mul3A_42, %add3A_639 : i32
    %add3A_641 = vector.broadcast %add3A_640 : i32 to vector<16xi32>
    %add3A_642 = arith.addi %iota3A, %add3A_641 : vector<16xi32>
    %eq3A_643 = arith.cmpi eq, %add3A_642, %broadcast_in_dim3A_43 : vector<16xi32>
    %select_n3A_644 = arith.select %eq3A_643, %broadcast_in_dim3A_103, %broadcast_in_dim3A_164 : vector<16xi1>, vector<16xf32>
    %select_n3A_645 = arith.select %eq3A_643, %broadcast_in_dim3A_162, %broadcast_in_dim3A_164 : vector<16xi1>, vector<16xf32>
    %eq3A_646 = arith.cmpi eq, %add3A_642, %broadcast_in_dim3A_46 : vector<16xi32>
    %select_n3A_647 = arith.select %eq3A_646, %broadcast_in_dim3A_106, %select_n3A_644 : vector<16xi1>, vector<16xf32>
    %select_n3A_648 = arith.select %eq3A_646, %broadcast_in_dim3A_162, %select_n3A_645 : vector<16xi1>, vector<16xf32>
    %eq3A_649 = arith.cmpi eq, %add3A_642, %broadcast_in_dim3A_49 : vector<16xi32>
    %select_n3A_650 = arith.select %eq3A_649, %broadcast_in_dim3A_109, %select_n3A_647 : vector<16xi1>, vector<16xf32>
    %select_n3A_651 = arith.select %eq3A_649, %broadcast_in_dim3A_162, %select_n3A_648 : vector<16xi1>, vector<16xf32>
    %eq3A_652 = arith.cmpi eq, %add3A_642, %broadcast_in_dim3A_52 : vector<16xi32>
    %select_n3A_653 = arith.select %eq3A_652, %broadcast_in_dim3A_112, %select_n3A_650 : vector<16xi1>, vector<16xf32>
    %select_n3A_654 = arith.select %eq3A_652, %broadcast_in_dim3A_162, %select_n3A_651 : vector<16xi1>, vector<16xf32>
    %eq3A_655 = arith.cmpi eq, %add3A_642, %broadcast_in_dim3A_55 : vector<16xi32>
    %select_n3A_656 = arith.select %eq3A_655, %broadcast_in_dim3A_115, %select_n3A_653 : vector<16xi1>, vector<16xf32>
    %select_n3A_657 = arith.select %eq3A_655, %broadcast_in_dim3A_162, %select_n3A_654 : vector<16xi1>, vector<16xf32>
    %eq3A_658 = arith.cmpi eq, %add3A_642, %broadcast_in_dim3A_58 : vector<16xi32>
    %select_n3A_659 = arith.select %eq3A_658, %broadcast_in_dim3A_118, %select_n3A_656 : vector<16xi1>, vector<16xf32>
    %select_n3A_660 = arith.select %eq3A_658, %broadcast_in_dim3A_162, %select_n3A_657 : vector<16xi1>, vector<16xf32>
    %eq3A_661 = arith.cmpi eq, %add3A_642, %broadcast_in_dim3A_61 : vector<16xi32>
    %select_n3A_662 = arith.select %eq3A_661, %broadcast_in_dim3A_121, %select_n3A_659 : vector<16xi1>, vector<16xf32>
    %select_n3A_663 = arith.select %eq3A_661, %broadcast_in_dim3A_162, %select_n3A_660 : vector<16xi1>, vector<16xf32>
    %eq3A_664 = arith.cmpi eq, %add3A_642, %broadcast_in_dim3A_64 : vector<16xi32>
    %select_n3A_665 = arith.select %eq3A_664, %broadcast_in_dim3A_124, %select_n3A_662 : vector<16xi1>, vector<16xf32>
    %select_n3A_666 = arith.select %eq3A_664, %broadcast_in_dim3A_162, %select_n3A_663 : vector<16xi1>, vector<16xf32>
    %eq3A_667 = arith.cmpi eq, %add3A_642, %broadcast_in_dim3A_67 : vector<16xi32>
    %select_n3A_668 = arith.select %eq3A_667, %broadcast_in_dim3A_127, %select_n3A_665 : vector<16xi1>, vector<16xf32>
    %select_n3A_669 = arith.select %eq3A_667, %broadcast_in_dim3A_162, %select_n3A_666 : vector<16xi1>, vector<16xf32>
    %eq3A_670 = arith.cmpi eq, %add3A_642, %broadcast_in_dim3A_70 : vector<16xi32>
    %select_n3A_671 = arith.select %eq3A_670, %broadcast_in_dim3A_130, %select_n3A_668 : vector<16xi1>, vector<16xf32>
    %select_n3A_672 = arith.select %eq3A_670, %broadcast_in_dim3A_162, %select_n3A_669 : vector<16xi1>, vector<16xf32>
    %eq3A_673 = arith.cmpi eq, %add3A_642, %broadcast_in_dim3A_73 : vector<16xi32>
    %select_n3A_674 = arith.select %eq3A_673, %broadcast_in_dim3A_133, %select_n3A_671 : vector<16xi1>, vector<16xf32>
    %select_n3A_675 = arith.select %eq3A_673, %broadcast_in_dim3A_162, %select_n3A_672 : vector<16xi1>, vector<16xf32>
    %eq3A_676 = arith.cmpi eq, %add3A_642, %broadcast_in_dim3A_76 : vector<16xi32>
    %select_n3A_677 = arith.select %eq3A_676, %broadcast_in_dim3A_136, %select_n3A_674 : vector<16xi1>, vector<16xf32>
    %select_n3A_678 = arith.select %eq3A_676, %broadcast_in_dim3A_162, %select_n3A_675 : vector<16xi1>, vector<16xf32>
    %eq3A_679 = arith.cmpi eq, %add3A_642, %broadcast_in_dim3A_79 : vector<16xi32>
    %select_n3A_680 = arith.select %eq3A_679, %broadcast_in_dim3A_139, %select_n3A_677 : vector<16xi1>, vector<16xf32>
    %select_n3A_681 = arith.select %eq3A_679, %broadcast_in_dim3A_162, %select_n3A_678 : vector<16xi1>, vector<16xf32>
    %eq3A_682 = arith.cmpi eq, %add3A_642, %broadcast_in_dim3A_82 : vector<16xi32>
    %select_n3A_683 = arith.select %eq3A_682, %broadcast_in_dim3A_142, %select_n3A_680 : vector<16xi1>, vector<16xf32>
    %select_n3A_684 = arith.select %eq3A_682, %broadcast_in_dim3A_162, %select_n3A_681 : vector<16xi1>, vector<16xf32>
    %eq3A_685 = arith.cmpi eq, %add3A_642, %broadcast_in_dim3A_85 : vector<16xi32>
    %select_n3A_686 = arith.select %eq3A_685, %broadcast_in_dim3A_145, %select_n3A_683 : vector<16xi1>, vector<16xf32>
    %select_n3A_687 = arith.select %eq3A_685, %broadcast_in_dim3A_162, %select_n3A_684 : vector<16xi1>, vector<16xf32>
    %eq3A_688 = arith.cmpi eq, %add3A_642, %broadcast_in_dim3A_88 : vector<16xi32>
    %select_n3A_689 = arith.select %eq3A_688, %broadcast_in_dim3A_148, %select_n3A_686 : vector<16xi1>, vector<16xf32>
    %select_n3A_690 = arith.select %eq3A_688, %broadcast_in_dim3A_162, %select_n3A_687 : vector<16xi1>, vector<16xf32>
    %eq3A_691 = arith.cmpi eq, %add3A_642, %broadcast_in_dim3A_91 : vector<16xi32>
    %select_n3A_692 = arith.select %eq3A_691, %broadcast_in_dim3A_151, %select_n3A_689 : vector<16xi1>, vector<16xf32>
    %select_n3A_693 = arith.select %eq3A_691, %broadcast_in_dim3A_162, %select_n3A_690 : vector<16xi1>, vector<16xf32>
    %eq3A_694 = arith.cmpi eq, %add3A_642, %broadcast_in_dim3A_94 : vector<16xi32>
    %select_n3A_695 = arith.select %eq3A_694, %broadcast_in_dim3A_154, %select_n3A_692 : vector<16xi1>, vector<16xf32>
    %select_n3A_696 = arith.select %eq3A_694, %broadcast_in_dim3A_162, %select_n3A_693 : vector<16xi1>, vector<16xf32>
    %eq3A_697 = arith.cmpi eq, %add3A_642, %broadcast_in_dim3A_97 : vector<16xi32>
    %select_n3A_698 = arith.select %eq3A_697, %broadcast_in_dim3A_157, %select_n3A_695 : vector<16xi1>, vector<16xf32>
    %select_n3A_699 = arith.select %eq3A_697, %broadcast_in_dim3A_162, %select_n3A_696 : vector<16xi1>, vector<16xf32>
    %eq3A_700 = arith.cmpi eq, %add3A_642, %broadcast_in_dim3A_100 : vector<16xi32>
    %select_n3A_701 = arith.select %eq3A_700, %broadcast_in_dim3A_160, %select_n3A_698 : vector<16xi1>, vector<16xf32>
    %select_n3A_702 = arith.select %eq3A_700, %broadcast_in_dim3A_162, %select_n3A_699 : vector<16xi1>, vector<16xf32>
    %swap3A_703 = arith.constant 112 : index
    %swap3A_704 = tpu.vector_load %arg8[%swap3A_703] {strides = array<i32>} : memref<256xf32, #tpu.memory_space<vmem>>, vector<16xf32>,
    tpu.vector_store %arg8[%swap3A_703], %select_n3A_701 {strides = array<i32>} : memref<256xf32, #tpu.memory_space<vmem>>, vector<16xf32>,
    %swap3A_705 = arith.constant 112 : index
    %swap3A_706 = tpu.vector_load %arg9[%swap3A_705] {strides = array<i32>} : memref<256xf32, #tpu.memory_space<vmem>>, vector<16xf32>,
    tpu.vector_store %arg9[%swap3A_705], %select_n3A_702 {strides = array<i32>} : memref<256xf32, #tpu.memory_space<vmem>>, vector<16xf32>,
    %add3A_707 = arith.constant 128 : i32
    %add3A_708 = arith.addi %mul3A_42, %add3A_707 : i32
    %add3A_709 = vector.broadcast %add3A_708 : i32 to vector<16xi32>
    %add3A_710 = arith.addi %iota3A, %add3A_709 : vector<16xi32>
    %eq3A_711 = arith.cmpi eq, %add3A_710, %broadcast_in_dim3A_43 : vector<16xi32>
    %select_n3A_712 = arith.select %eq3A_711, %broadcast_in_dim3A_103, %broadcast_in_dim3A_164 : vector<16xi1>, vector<16xf32>
    %select_n3A_713 = arith.select %eq3A_711, %broadcast_in_dim3A_162, %broadcast_in_dim3A_164 : vector<16xi1>, vector<16xf32>
    %eq3A_714 = arith.cmpi eq, %add3A_710, %broadcast_in_dim3A_46 : vector<16xi32>
    %select_n3A_715 = arith.select %eq3A_714, %broadcast_in_dim3A_106, %select_n3A_712 : vector<16xi1>, vector<16xf32>
    %select_n3A_716 = arith.select %eq3A_714, %broadcast_in_dim3A_162, %select_n3A_713 : vector<16xi1>, vector<16xf32>
    %eq3A_717 = arith.cmpi eq, %add3A_710, %broadcast_in_dim3A_49 : vector<16xi32>
    %select_n3A_718 = arith.select %eq3A_717, %broadcast_in_dim3A_109, %select_n3A_715 : vector<16xi1>, vector<16xf32>
    %select_n3A_719 = arith.select %eq3A_717, %broadcast_in_dim3A_162, %select_n3A_716 : vector<16xi1>, vector<16xf32>
    %eq3A_720 = arith.cmpi eq, %add3A_710, %broadcast_in_dim3A_52 : vector<16xi32>
    %select_n3A_721 = arith.select %eq3A_720, %broadcast_in_dim3A_112, %select_n3A_718 : vector<16xi1>, vector<16xf32>
    %select_n3A_722 = arith.select %eq3A_720, %broadcast_in_dim3A_162, %select_n3A_719 : vector<16xi1>, vector<16xf32>
    %eq3A_723 = arith.cmpi eq, %add3A_710, %broadcast_in_dim3A_55 : vector<16xi32>
    %select_n3A_724 = arith.select %eq3A_723, %broadcast_in_dim3A_115, %select_n3A_721 : vector<16xi1>, vector<16xf32>
    %select_n3A_725 = arith.select %eq3A_723, %broadcast_in_dim3A_162, %select_n3A_722 : vector<16xi1>, vector<16xf32>
    %eq3A_726 = arith.cmpi eq, %add3A_710, %broadcast_in_dim3A_58 : vector<16xi32>
    %select_n3A_727 = arith.select %eq3A_726, %broadcast_in_dim3A_118, %select_n3A_724 : vector<16xi1>, vector<16xf32>
    %select_n3A_728 = arith.select %eq3A_726, %broadcast_in_dim3A_162, %select_n3A_725 : vector<16xi1>, vector<16xf32>
    %eq3A_729 = arith.cmpi eq, %add3A_710, %broadcast_in_dim3A_61 : vector<16xi32>
    %select_n3A_730 = arith.select %eq3A_729, %broadcast_in_dim3A_121, %select_n3A_727 : vector<16xi1>, vector<16xf32>
    %select_n3A_731 = arith.select %eq3A_729, %broadcast_in_dim3A_162, %select_n3A_728 : vector<16xi1>, vector<16xf32>
    %eq3A_732 = arith.cmpi eq, %add3A_710, %broadcast_in_dim3A_64 : vector<16xi32>
    %select_n3A_733 = arith.select %eq3A_732, %broadcast_in_dim3A_124, %select_n3A_730 : vector<16xi1>, vector<16xf32>
    %select_n3A_734 = arith.select %eq3A_732, %broadcast_in_dim3A_162, %select_n3A_731 : vector<16xi1>, vector<16xf32>
    %eq3A_735 = arith.cmpi eq, %add3A_710, %broadcast_in_dim3A_67 : vector<16xi32>
    %select_n3A_736 = arith.select %eq3A_735, %broadcast_in_dim3A_127, %select_n3A_733 : vector<16xi1>, vector<16xf32>
    %select_n3A_737 = arith.select %eq3A_735, %broadcast_in_dim3A_162, %select_n3A_734 : vector<16xi1>, vector<16xf32>
    %eq3A_738 = arith.cmpi eq, %add3A_710, %broadcast_in_dim3A_70 : vector<16xi32>
    %select_n3A_739 = arith.select %eq3A_738, %broadcast_in_dim3A_130, %select_n3A_736 : vector<16xi1>, vector<16xf32>
    %select_n3A_740 = arith.select %eq3A_738, %broadcast_in_dim3A_162, %select_n3A_737 : vector<16xi1>, vector<16xf32>
    %eq3A_741 = arith.cmpi eq, %add3A_710, %broadcast_in_dim3A_73 : vector<16xi32>
    %select_n3A_742 = arith.select %eq3A_741, %broadcast_in_dim3A_133, %select_n3A_739 : vector<16xi1>, vector<16xf32>
    %select_n3A_743 = arith.select %eq3A_741, %broadcast_in_dim3A_162, %select_n3A_740 : vector<16xi1>, vector<16xf32>
    %eq3A_744 = arith.cmpi eq, %add3A_710, %broadcast_in_dim3A_76 : vector<16xi32>
    %select_n3A_745 = arith.select %eq3A_744, %broadcast_in_dim3A_136, %select_n3A_742 : vector<16xi1>, vector<16xf32>
    %select_n3A_746 = arith.select %eq3A_744, %broadcast_in_dim3A_162, %select_n3A_743 : vector<16xi1>, vector<16xf32>
    %eq3A_747 = arith.cmpi eq, %add3A_710, %broadcast_in_dim3A_79 : vector<16xi32>
    %select_n3A_748 = arith.select %eq3A_747, %broadcast_in_dim3A_139, %select_n3A_745 : vector<16xi1>, vector<16xf32>
    %select_n3A_749 = arith.select %eq3A_747, %broadcast_in_dim3A_162, %select_n3A_746 : vector<16xi1>, vector<16xf32>
    %eq3A_750 = arith.cmpi eq, %add3A_710, %broadcast_in_dim3A_82 : vector<16xi32>
    %select_n3A_751 = arith.select %eq3A_750, %broadcast_in_dim3A_142, %select_n3A_748 : vector<16xi1>, vector<16xf32>
    %select_n3A_752 = arith.select %eq3A_750, %broadcast_in_dim3A_162, %select_n3A_749 : vector<16xi1>, vector<16xf32>
    %eq3A_753 = arith.cmpi eq, %add3A_710, %broadcast_in_dim3A_85 : vector<16xi32>
    %select_n3A_754 = arith.select %eq3A_753, %broadcast_in_dim3A_145, %select_n3A_751 : vector<16xi1>, vector<16xf32>
    %select_n3A_755 = arith.select %eq3A_753, %broadcast_in_dim3A_162, %select_n3A_752 : vector<16xi1>, vector<16xf32>
    %eq3A_756 = arith.cmpi eq, %add3A_710, %broadcast_in_dim3A_88 : vector<16xi32>
    %select_n3A_757 = arith.select %eq3A_756, %broadcast_in_dim3A_148, %select_n3A_754 : vector<16xi1>, vector<16xf32>
    %select_n3A_758 = arith.select %eq3A_756, %broadcast_in_dim3A_162, %select_n3A_755 : vector<16xi1>, vector<16xf32>
    %eq3A_759 = arith.cmpi eq, %add3A_710, %broadcast_in_dim3A_91 : vector<16xi32>
    %select_n3A_760 = arith.select %eq3A_759, %broadcast_in_dim3A_151, %select_n3A_757 : vector<16xi1>, vector<16xf32>
    %select_n3A_761 = arith.select %eq3A_759, %broadcast_in_dim3A_162, %select_n3A_758 : vector<16xi1>, vector<16xf32>
    %eq3A_762 = arith.cmpi eq, %add3A_710, %broadcast_in_dim3A_94 : vector<16xi32>
    %select_n3A_763 = arith.select %eq3A_762, %broadcast_in_dim3A_154, %select_n3A_760 : vector<16xi1>, vector<16xf32>
    %select_n3A_764 = arith.select %eq3A_762, %broadcast_in_dim3A_162, %select_n3A_761 : vector<16xi1>, vector<16xf32>
    %eq3A_765 = arith.cmpi eq, %add3A_710, %broadcast_in_dim3A_97 : vector<16xi32>
    %select_n3A_766 = arith.select %eq3A_765, %broadcast_in_dim3A_157, %select_n3A_763 : vector<16xi1>, vector<16xf32>
    %select_n3A_767 = arith.select %eq3A_765, %broadcast_in_dim3A_162, %select_n3A_764 : vector<16xi1>, vector<16xf32>
    %eq3A_768 = arith.cmpi eq, %add3A_710, %broadcast_in_dim3A_100 : vector<16xi32>
    %select_n3A_769 = arith.select %eq3A_768, %broadcast_in_dim3A_160, %select_n3A_766 : vector<16xi1>, vector<16xf32>
    %select_n3A_770 = arith.select %eq3A_768, %broadcast_in_dim3A_162, %select_n3A_767 : vector<16xi1>, vector<16xf32>
    %swap3A_771 = arith.constant 128 : index
    %swap3A_772 = tpu.vector_load %arg8[%swap3A_771] {strides = array<i32>} : memref<256xf32, #tpu.memory_space<vmem>>, vector<16xf32>,
    tpu.vector_store %arg8[%swap3A_771], %select_n3A_769 {strides = array<i32>} : memref<256xf32, #tpu.memory_space<vmem>>, vector<16xf32>,
    %swap3A_773 = arith.constant 128 : index
    %swap3A_774 = tpu.vector_load %arg9[%swap3A_773] {strides = array<i32>} : memref<256xf32, #tpu.memory_space<vmem>>, vector<16xf32>,
    tpu.vector_store %arg9[%swap3A_773], %select_n3A_770 {strides = array<i32>} : memref<256xf32, #tpu.memory_space<vmem>>, vector<16xf32>,
    %add3A_775 = arith.constant 144 : i32
    %add3A_776 = arith.addi %mul3A_42, %add3A_775 : i32
    %add3A_777 = vector.broadcast %add3A_776 : i32 to vector<16xi32>
    %add3A_778 = arith.addi %iota3A, %add3A_777 : vector<16xi32>
    %eq3A_779 = arith.cmpi eq, %add3A_778, %broadcast_in_dim3A_43 : vector<16xi32>
    %select_n3A_780 = arith.select %eq3A_779, %broadcast_in_dim3A_103, %broadcast_in_dim3A_164 : vector<16xi1>, vector<16xf32>
    %select_n3A_781 = arith.select %eq3A_779, %broadcast_in_dim3A_162, %broadcast_in_dim3A_164 : vector<16xi1>, vector<16xf32>
    %eq3A_782 = arith.cmpi eq, %add3A_778, %broadcast_in_dim3A_46 : vector<16xi32>
    %select_n3A_783 = arith.select %eq3A_782, %broadcast_in_dim3A_106, %select_n3A_780 : vector<16xi1>, vector<16xf32>
    %select_n3A_784 = arith.select %eq3A_782, %broadcast_in_dim3A_162, %select_n3A_781 : vector<16xi1>, vector<16xf32>
    %eq3A_785 = arith.cmpi eq, %add3A_778, %broadcast_in_dim3A_49 : vector<16xi32>
    %select_n3A_786 = arith.select %eq3A_785, %broadcast_in_dim3A_109, %select_n3A_783 : vector<16xi1>, vector<16xf32>
    %select_n3A_787 = arith.select %eq3A_785, %broadcast_in_dim3A_162, %select_n3A_784 : vector<16xi1>, vector<16xf32>
    %eq3A_788 = arith.cmpi eq, %add3A_778, %broadcast_in_dim3A_52 : vector<16xi32>
    %select_n3A_789 = arith.select %eq3A_788, %broadcast_in_dim3A_112, %select_n3A_786 : vector<16xi1>, vector<16xf32>
    %select_n3A_790 = arith.select %eq3A_788, %broadcast_in_dim3A_162, %select_n3A_787 : vector<16xi1>, vector<16xf32>
    %eq3A_791 = arith.cmpi eq, %add3A_778, %broadcast_in_dim3A_55 : vector<16xi32>
    %select_n3A_792 = arith.select %eq3A_791, %broadcast_in_dim3A_115, %select_n3A_789 : vector<16xi1>, vector<16xf32>
    %select_n3A_793 = arith.select %eq3A_791, %broadcast_in_dim3A_162, %select_n3A_790 : vector<16xi1>, vector<16xf32>
    %eq3A_794 = arith.cmpi eq, %add3A_778, %broadcast_in_dim3A_58 : vector<16xi32>
    %select_n3A_795 = arith.select %eq3A_794, %broadcast_in_dim3A_118, %select_n3A_792 : vector<16xi1>, vector<16xf32>
    %select_n3A_796 = arith.select %eq3A_794, %broadcast_in_dim3A_162, %select_n3A_793 : vector<16xi1>, vector<16xf32>
    %eq3A_797 = arith.cmpi eq, %add3A_778, %broadcast_in_dim3A_61 : vector<16xi32>
    %select_n3A_798 = arith.select %eq3A_797, %broadcast_in_dim3A_121, %select_n3A_795 : vector<16xi1>, vector<16xf32>
    %select_n3A_799 = arith.select %eq3A_797, %broadcast_in_dim3A_162, %select_n3A_796 : vector<16xi1>, vector<16xf32>
    %eq3A_800 = arith.cmpi eq, %add3A_778, %broadcast_in_dim3A_64 : vector<16xi32>
    %select_n3A_801 = arith.select %eq3A_800, %broadcast_in_dim3A_124, %select_n3A_798 : vector<16xi1>, vector<16xf32>
    %select_n3A_802 = arith.select %eq3A_800, %broadcast_in_dim3A_162, %select_n3A_799 : vector<16xi1>, vector<16xf32>
    %eq3A_803 = arith.cmpi eq, %add3A_778, %broadcast_in_dim3A_67 : vector<16xi32>
    %select_n3A_804 = arith.select %eq3A_803, %broadcast_in_dim3A_127, %select_n3A_801 : vector<16xi1>, vector<16xf32>
    %select_n3A_805 = arith.select %eq3A_803, %broadcast_in_dim3A_162, %select_n3A_802 : vector<16xi1>, vector<16xf32>
    %eq3A_806 = arith.cmpi eq, %add3A_778, %broadcast_in_dim3A_70 : vector<16xi32>
    %select_n3A_807 = arith.select %eq3A_806, %broadcast_in_dim3A_130, %select_n3A_804 : vector<16xi1>, vector<16xf32>
    %select_n3A_808 = arith.select %eq3A_806, %broadcast_in_dim3A_162, %select_n3A_805 : vector<16xi1>, vector<16xf32>
    %eq3A_809 = arith.cmpi eq, %add3A_778, %broadcast_in_dim3A_73 : vector<16xi32>
    %select_n3A_810 = arith.select %eq3A_809, %broadcast_in_dim3A_133, %select_n3A_807 : vector<16xi1>, vector<16xf32>
    %select_n3A_811 = arith.select %eq3A_809, %broadcast_in_dim3A_162, %select_n3A_808 : vector<16xi1>, vector<16xf32>
    %eq3A_812 = arith.cmpi eq, %add3A_778, %broadcast_in_dim3A_76 : vector<16xi32>
    %select_n3A_813 = arith.select %eq3A_812, %broadcast_in_dim3A_136, %select_n3A_810 : vector<16xi1>, vector<16xf32>
    %select_n3A_814 = arith.select %eq3A_812, %broadcast_in_dim3A_162, %select_n3A_811 : vector<16xi1>, vector<16xf32>
    %eq3A_815 = arith.cmpi eq, %add3A_778, %broadcast_in_dim3A_79 : vector<16xi32>
    %select_n3A_816 = arith.select %eq3A_815, %broadcast_in_dim3A_139, %select_n3A_813 : vector<16xi1>, vector<16xf32>
    %select_n3A_817 = arith.select %eq3A_815, %broadcast_in_dim3A_162, %select_n3A_814 : vector<16xi1>, vector<16xf32>
    %eq3A_818 = arith.cmpi eq, %add3A_778, %broadcast_in_dim3A_82 : vector<16xi32>
    %select_n3A_819 = arith.select %eq3A_818, %broadcast_in_dim3A_142, %select_n3A_816 : vector<16xi1>, vector<16xf32>
    %select_n3A_820 = arith.select %eq3A_818, %broadcast_in_dim3A_162, %select_n3A_817 : vector<16xi1>, vector<16xf32>
    %eq3A_821 = arith.cmpi eq, %add3A_778, %broadcast_in_dim3A_85 : vector<16xi32>
    %select_n3A_822 = arith.select %eq3A_821, %broadcast_in_dim3A_145, %select_n3A_819 : vector<16xi1>, vector<16xf32>
    %select_n3A_823 = arith.select %eq3A_821, %broadcast_in_dim3A_162, %select_n3A_820 : vector<16xi1>, vector<16xf32>
    %eq3A_824 = arith.cmpi eq, %add3A_778, %broadcast_in_dim3A_88 : vector<16xi32>
    %select_n3A_825 = arith.select %eq3A_824, %broadcast_in_dim3A_148, %select_n3A_822 : vector<16xi1>, vector<16xf32>
    %select_n3A_826 = arith.select %eq3A_824, %broadcast_in_dim3A_162, %select_n3A_823 : vector<16xi1>, vector<16xf32>
    %eq3A_827 = arith.cmpi eq, %add3A_778, %broadcast_in_dim3A_91 : vector<16xi32>
    %select_n3A_828 = arith.select %eq3A_827, %broadcast_in_dim3A_151, %select_n3A_825 : vector<16xi1>, vector<16xf32>
    %select_n3A_829 = arith.select %eq3A_827, %broadcast_in_dim3A_162, %select_n3A_826 : vector<16xi1>, vector<16xf32>
    %eq3A_830 = arith.cmpi eq, %add3A_778, %broadcast_in_dim3A_94 : vector<16xi32>
    %select_n3A_831 = arith.select %eq3A_830, %broadcast_in_dim3A_154, %select_n3A_828 : vector<16xi1>, vector<16xf32>
    %select_n3A_832 = arith.select %eq3A_830, %broadcast_in_dim3A_162, %select_n3A_829 : vector<16xi1>, vector<16xf32>
    %eq3A_833 = arith.cmpi eq, %add3A_778, %broadcast_in_dim3A_97 : vector<16xi32>
    %select_n3A_834 = arith.select %eq3A_833, %broadcast_in_dim3A_157, %select_n3A_831 : vector<16xi1>, vector<16xf32>
    %select_n3A_835 = arith.select %eq3A_833, %broadcast_in_dim3A_162, %select_n3A_832 : vector<16xi1>, vector<16xf32>
    %eq3A_836 = arith.cmpi eq, %add3A_778, %broadcast_in_dim3A_100 : vector<16xi32>
    %select_n3A_837 = arith.select %eq3A_836, %broadcast_in_dim3A_160, %select_n3A_834 : vector<16xi1>, vector<16xf32>
    %select_n3A_838 = arith.select %eq3A_836, %broadcast_in_dim3A_162, %select_n3A_835 : vector<16xi1>, vector<16xf32>
    %swap3A_839 = arith.constant 144 : index
    %swap3A_840 = tpu.vector_load %arg8[%swap3A_839] {strides = array<i32>} : memref<256xf32, #tpu.memory_space<vmem>>, vector<16xf32>,
    tpu.vector_store %arg8[%swap3A_839], %select_n3A_837 {strides = array<i32>} : memref<256xf32, #tpu.memory_space<vmem>>, vector<16xf32>,
    %swap3A_841 = arith.constant 144 : index
    %swap3A_842 = tpu.vector_load %arg9[%swap3A_841] {strides = array<i32>} : memref<256xf32, #tpu.memory_space<vmem>>, vector<16xf32>,
    tpu.vector_store %arg9[%swap3A_841], %select_n3A_838 {strides = array<i32>} : memref<256xf32, #tpu.memory_space<vmem>>, vector<16xf32>,
    %add3A_843 = arith.constant 160 : i32
    %add3A_844 = arith.addi %mul3A_42, %add3A_843 : i32
    %add3A_845 = vector.broadcast %add3A_844 : i32 to vector<16xi32>
    %add3A_846 = arith.addi %iota3A, %add3A_845 : vector<16xi32>
    %eq3A_847 = arith.cmpi eq, %add3A_846, %broadcast_in_dim3A_43 : vector<16xi32>
    %select_n3A_848 = arith.select %eq3A_847, %broadcast_in_dim3A_103, %broadcast_in_dim3A_164 : vector<16xi1>, vector<16xf32>
    %select_n3A_849 = arith.select %eq3A_847, %broadcast_in_dim3A_162, %broadcast_in_dim3A_164 : vector<16xi1>, vector<16xf32>
    %eq3A_850 = arith.cmpi eq, %add3A_846, %broadcast_in_dim3A_46 : vector<16xi32>
    %select_n3A_851 = arith.select %eq3A_850, %broadcast_in_dim3A_106, %select_n3A_848 : vector<16xi1>, vector<16xf32>
    %select_n3A_852 = arith.select %eq3A_850, %broadcast_in_dim3A_162, %select_n3A_849 : vector<16xi1>, vector<16xf32>
    %eq3A_853 = arith.cmpi eq, %add3A_846, %broadcast_in_dim3A_49 : vector<16xi32>
    %select_n3A_854 = arith.select %eq3A_853, %broadcast_in_dim3A_109, %select_n3A_851 : vector<16xi1>, vector<16xf32>
    %select_n3A_855 = arith.select %eq3A_853, %broadcast_in_dim3A_162, %select_n3A_852 : vector<16xi1>, vector<16xf32>
    %eq3A_856 = arith.cmpi eq, %add3A_846, %broadcast_in_dim3A_52 : vector<16xi32>
    %select_n3A_857 = arith.select %eq3A_856, %broadcast_in_dim3A_112, %select_n3A_854 : vector<16xi1>, vector<16xf32>
    %select_n3A_858 = arith.select %eq3A_856, %broadcast_in_dim3A_162, %select_n3A_855 : vector<16xi1>, vector<16xf32>
    %eq3A_859 = arith.cmpi eq, %add3A_846, %broadcast_in_dim3A_55 : vector<16xi32>
    %select_n3A_860 = arith.select %eq3A_859, %broadcast_in_dim3A_115, %select_n3A_857 : vector<16xi1>, vector<16xf32>
    %select_n3A_861 = arith.select %eq3A_859, %broadcast_in_dim3A_162, %select_n3A_858 : vector<16xi1>, vector<16xf32>
    %eq3A_862 = arith.cmpi eq, %add3A_846, %broadcast_in_dim3A_58 : vector<16xi32>
    %select_n3A_863 = arith.select %eq3A_862, %broadcast_in_dim3A_118, %select_n3A_860 : vector<16xi1>, vector<16xf32>
    %select_n3A_864 = arith.select %eq3A_862, %broadcast_in_dim3A_162, %select_n3A_861 : vector<16xi1>, vector<16xf32>
    %eq3A_865 = arith.cmpi eq, %add3A_846, %broadcast_in_dim3A_61 : vector<16xi32>
    %select_n3A_866 = arith.select %eq3A_865, %broadcast_in_dim3A_121, %select_n3A_863 : vector<16xi1>, vector<16xf32>
    %select_n3A_867 = arith.select %eq3A_865, %broadcast_in_dim3A_162, %select_n3A_864 : vector<16xi1>, vector<16xf32>
    %eq3A_868 = arith.cmpi eq, %add3A_846, %broadcast_in_dim3A_64 : vector<16xi32>
    %select_n3A_869 = arith.select %eq3A_868, %broadcast_in_dim3A_124, %select_n3A_866 : vector<16xi1>, vector<16xf32>
    %select_n3A_870 = arith.select %eq3A_868, %broadcast_in_dim3A_162, %select_n3A_867 : vector<16xi1>, vector<16xf32>
    %eq3A_871 = arith.cmpi eq, %add3A_846, %broadcast_in_dim3A_67 : vector<16xi32>
    %select_n3A_872 = arith.select %eq3A_871, %broadcast_in_dim3A_127, %select_n3A_869 : vector<16xi1>, vector<16xf32>
    %select_n3A_873 = arith.select %eq3A_871, %broadcast_in_dim3A_162, %select_n3A_870 : vector<16xi1>, vector<16xf32>
    %eq3A_874 = arith.cmpi eq, %add3A_846, %broadcast_in_dim3A_70 : vector<16xi32>
    %select_n3A_875 = arith.select %eq3A_874, %broadcast_in_dim3A_130, %select_n3A_872 : vector<16xi1>, vector<16xf32>
    %select_n3A_876 = arith.select %eq3A_874, %broadcast_in_dim3A_162, %select_n3A_873 : vector<16xi1>, vector<16xf32>
    %eq3A_877 = arith.cmpi eq, %add3A_846, %broadcast_in_dim3A_73 : vector<16xi32>
    %select_n3A_878 = arith.select %eq3A_877, %broadcast_in_dim3A_133, %select_n3A_875 : vector<16xi1>, vector<16xf32>
    %select_n3A_879 = arith.select %eq3A_877, %broadcast_in_dim3A_162, %select_n3A_876 : vector<16xi1>, vector<16xf32>
    %eq3A_880 = arith.cmpi eq, %add3A_846, %broadcast_in_dim3A_76 : vector<16xi32>
    %select_n3A_881 = arith.select %eq3A_880, %broadcast_in_dim3A_136, %select_n3A_878 : vector<16xi1>, vector<16xf32>
    %select_n3A_882 = arith.select %eq3A_880, %broadcast_in_dim3A_162, %select_n3A_879 : vector<16xi1>, vector<16xf32>
    %eq3A_883 = arith.cmpi eq, %add3A_846, %broadcast_in_dim3A_79 : vector<16xi32>
    %select_n3A_884 = arith.select %eq3A_883, %broadcast_in_dim3A_139, %select_n3A_881 : vector<16xi1>, vector<16xf32>
    %select_n3A_885 = arith.select %eq3A_883, %broadcast_in_dim3A_162, %select_n3A_882 : vector<16xi1>, vector<16xf32>
    %eq3A_886 = arith.cmpi eq, %add3A_846, %broadcast_in_dim3A_82 : vector<16xi32>
    %select_n3A_887 = arith.select %eq3A_886, %broadcast_in_dim3A_142, %select_n3A_884 : vector<16xi1>, vector<16xf32>
    %select_n3A_888 = arith.select %eq3A_886, %broadcast_in_dim3A_162, %select_n3A_885 : vector<16xi1>, vector<16xf32>
    %eq3A_889 = arith.cmpi eq, %add3A_846, %broadcast_in_dim3A_85 : vector<16xi32>
    %select_n3A_890 = arith.select %eq3A_889, %broadcast_in_dim3A_145, %select_n3A_887 : vector<16xi1>, vector<16xf32>
    %select_n3A_891 = arith.select %eq3A_889, %broadcast_in_dim3A_162, %select_n3A_888 : vector<16xi1>, vector<16xf32>
    %eq3A_892 = arith.cmpi eq, %add3A_846, %broadcast_in_dim3A_88 : vector<16xi32>
    %select_n3A_893 = arith.select %eq3A_892, %broadcast_in_dim3A_148, %select_n3A_890 : vector<16xi1>, vector<16xf32>
    %select_n3A_894 = arith.select %eq3A_892, %broadcast_in_dim3A_162, %select_n3A_891 : vector<16xi1>, vector<16xf32>
    %eq3A_895 = arith.cmpi eq, %add3A_846, %broadcast_in_dim3A_91 : vector<16xi32>
    %select_n3A_896 = arith.select %eq3A_895, %broadcast_in_dim3A_151, %select_n3A_893 : vector<16xi1>, vector<16xf32>
    %select_n3A_897 = arith.select %eq3A_895, %broadcast_in_dim3A_162, %select_n3A_894 : vector<16xi1>, vector<16xf32>
    %eq3A_898 = arith.cmpi eq, %add3A_846, %broadcast_in_dim3A_94 : vector<16xi32>
    %select_n3A_899 = arith.select %eq3A_898, %broadcast_in_dim3A_154, %select_n3A_896 : vector<16xi1>, vector<16xf32>
    %select_n3A_900 = arith.select %eq3A_898, %broadcast_in_dim3A_162, %select_n3A_897 : vector<16xi1>, vector<16xf32>
    %eq3A_901 = arith.cmpi eq, %add3A_846, %broadcast_in_dim3A_97 : vector<16xi32>
    %select_n3A_902 = arith.select %eq3A_901, %broadcast_in_dim3A_157, %select_n3A_899 : vector<16xi1>, vector<16xf32>
    %select_n3A_903 = arith.select %eq3A_901, %broadcast_in_dim3A_162, %select_n3A_900 : vector<16xi1>, vector<16xf32>
    %eq3A_904 = arith.cmpi eq, %add3A_846, %broadcast_in_dim3A_100 : vector<16xi32>
    %select_n3A_905 = arith.select %eq3A_904, %broadcast_in_dim3A_160, %select_n3A_902 : vector<16xi1>, vector<16xf32>
    %select_n3A_906 = arith.select %eq3A_904, %broadcast_in_dim3A_162, %select_n3A_903 : vector<16xi1>, vector<16xf32>
    %swap3A_907 = arith.constant 160 : index
    %swap3A_908 = tpu.vector_load %arg8[%swap3A_907] {strides = array<i32>} : memref<256xf32, #tpu.memory_space<vmem>>, vector<16xf32>,
    tpu.vector_store %arg8[%swap3A_907], %select_n3A_905 {strides = array<i32>} : memref<256xf32, #tpu.memory_space<vmem>>, vector<16xf32>,
    %swap3A_909 = arith.constant 160 : index
    %swap3A_910 = tpu.vector_load %arg9[%swap3A_909] {strides = array<i32>} : memref<256xf32, #tpu.memory_space<vmem>>, vector<16xf32>,
    tpu.vector_store %arg9[%swap3A_909], %select_n3A_906 {strides = array<i32>} : memref<256xf32, #tpu.memory_space<vmem>>, vector<16xf32>,
    %add3A_911 = arith.constant 176 : i32
    %add3A_912 = arith.addi %mul3A_42, %add3A_911 : i32
    %add3A_913 = vector.broadcast %add3A_912 : i32 to vector<16xi32>
    %add3A_914 = arith.addi %iota3A, %add3A_913 : vector<16xi32>
    %eq3A_915 = arith.cmpi eq, %add3A_914, %broadcast_in_dim3A_43 : vector<16xi32>
    %select_n3A_916 = arith.select %eq3A_915, %broadcast_in_dim3A_103, %broadcast_in_dim3A_164 : vector<16xi1>, vector<16xf32>
    %select_n3A_917 = arith.select %eq3A_915, %broadcast_in_dim3A_162, %broadcast_in_dim3A_164 : vector<16xi1>, vector<16xf32>
    %eq3A_918 = arith.cmpi eq, %add3A_914, %broadcast_in_dim3A_46 : vector<16xi32>
    %select_n3A_919 = arith.select %eq3A_918, %broadcast_in_dim3A_106, %select_n3A_916 : vector<16xi1>, vector<16xf32>
    %select_n3A_920 = arith.select %eq3A_918, %broadcast_in_dim3A_162, %select_n3A_917 : vector<16xi1>, vector<16xf32>
    %eq3A_921 = arith.cmpi eq, %add3A_914, %broadcast_in_dim3A_49 : vector<16xi32>
    %select_n3A_922 = arith.select %eq3A_921, %broadcast_in_dim3A_109, %select_n3A_919 : vector<16xi1>, vector<16xf32>
    %select_n3A_923 = arith.select %eq3A_921, %broadcast_in_dim3A_162, %select_n3A_920 : vector<16xi1>, vector<16xf32>
    %eq3A_924 = arith.cmpi eq, %add3A_914, %broadcast_in_dim3A_52 : vector<16xi32>
    %select_n3A_925 = arith.select %eq3A_924, %broadcast_in_dim3A_112, %select_n3A_922 : vector<16xi1>, vector<16xf32>
    %select_n3A_926 = arith.select %eq3A_924, %broadcast_in_dim3A_162, %select_n3A_923 : vector<16xi1>, vector<16xf32>
    %eq3A_927 = arith.cmpi eq, %add3A_914, %broadcast_in_dim3A_55 : vector<16xi32>
    %select_n3A_928 = arith.select %eq3A_927, %broadcast_in_dim3A_115, %select_n3A_925 : vector<16xi1>, vector<16xf32>
    %select_n3A_929 = arith.select %eq3A_927, %broadcast_in_dim3A_162, %select_n3A_926 : vector<16xi1>, vector<16xf32>
    %eq3A_930 = arith.cmpi eq, %add3A_914, %broadcast_in_dim3A_58 : vector<16xi32>
    %select_n3A_931 = arith.select %eq3A_930, %broadcast_in_dim3A_118, %select_n3A_928 : vector<16xi1>, vector<16xf32>
    %select_n3A_932 = arith.select %eq3A_930, %broadcast_in_dim3A_162, %select_n3A_929 : vector<16xi1>, vector<16xf32>
    %eq3A_933 = arith.cmpi eq, %add3A_914, %broadcast_in_dim3A_61 : vector<16xi32>
    %select_n3A_934 = arith.select %eq3A_933, %broadcast_in_dim3A_121, %select_n3A_931 : vector<16xi1>, vector<16xf32>
    %select_n3A_935 = arith.select %eq3A_933, %broadcast_in_dim3A_162, %select_n3A_932 : vector<16xi1>, vector<16xf32>
    %eq3A_936 = arith.cmpi eq, %add3A_914, %broadcast_in_dim3A_64 : vector<16xi32>
    %select_n3A_937 = arith.select %eq3A_936, %broadcast_in_dim3A_124, %select_n3A_934 : vector<16xi1>, vector<16xf32>
    %select_n3A_938 = arith.select %eq3A_936, %broadcast_in_dim3A_162, %select_n3A_935 : vector<16xi1>, vector<16xf32>
    %eq3A_939 = arith.cmpi eq, %add3A_914, %broadcast_in_dim3A_67 : vector<16xi32>
    %select_n3A_940 = arith.select %eq3A_939, %broadcast_in_dim3A_127, %select_n3A_937 : vector<16xi1>, vector<16xf32>
    %select_n3A_941 = arith.select %eq3A_939, %broadcast_in_dim3A_162, %select_n3A_938 : vector<16xi1>, vector<16xf32>
    %eq3A_942 = arith.cmpi eq, %add3A_914, %broadcast_in_dim3A_70 : vector<16xi32>
    %select_n3A_943 = arith.select %eq3A_942, %broadcast_in_dim3A_130, %select_n3A_940 : vector<16xi1>, vector<16xf32>
    %select_n3A_944 = arith.select %eq3A_942, %broadcast_in_dim3A_162, %select_n3A_941 : vector<16xi1>, vector<16xf32>
    %eq3A_945 = arith.cmpi eq, %add3A_914, %broadcast_in_dim3A_73 : vector<16xi32>
    %select_n3A_946 = arith.select %eq3A_945, %broadcast_in_dim3A_133, %select_n3A_943 : vector<16xi1>, vector<16xf32>
    %select_n3A_947 = arith.select %eq3A_945, %broadcast_in_dim3A_162, %select_n3A_944 : vector<16xi1>, vector<16xf32>
    %eq3A_948 = arith.cmpi eq, %add3A_914, %broadcast_in_dim3A_76 : vector<16xi32>
    %select_n3A_949 = arith.select %eq3A_948, %broadcast_in_dim3A_136, %select_n3A_946 : vector<16xi1>, vector<16xf32>
    %select_n3A_950 = arith.select %eq3A_948, %broadcast_in_dim3A_162, %select_n3A_947 : vector<16xi1>, vector<16xf32>
    %eq3A_951 = arith.cmpi eq, %add3A_914, %broadcast_in_dim3A_79 : vector<16xi32>
    %select_n3A_952 = arith.select %eq3A_951, %broadcast_in_dim3A_139, %select_n3A_949 : vector<16xi1>, vector<16xf32>
    %select_n3A_953 = arith.select %eq3A_951, %broadcast_in_dim3A_162, %select_n3A_950 : vector<16xi1>, vector<16xf32>
    %eq3A_954 = arith.cmpi eq, %add3A_914, %broadcast_in_dim3A_82 : vector<16xi32>
    %select_n3A_955 = arith.select %eq3A_954, %broadcast_in_dim3A_142, %select_n3A_952 : vector<16xi1>, vector<16xf32>
    %select_n3A_956 = arith.select %eq3A_954, %broadcast_in_dim3A_162, %select_n3A_953 : vector<16xi1>, vector<16xf32>
    %eq3A_957 = arith.cmpi eq, %add3A_914, %broadcast_in_dim3A_85 : vector<16xi32>
    %select_n3A_958 = arith.select %eq3A_957, %broadcast_in_dim3A_145, %select_n3A_955 : vector<16xi1>, vector<16xf32>
    %select_n3A_959 = arith.select %eq3A_957, %broadcast_in_dim3A_162, %select_n3A_956 : vector<16xi1>, vector<16xf32>
    %eq3A_960 = arith.cmpi eq, %add3A_914, %broadcast_in_dim3A_88 : vector<16xi32>
    %select_n3A_961 = arith.select %eq3A_960, %broadcast_in_dim3A_148, %select_n3A_958 : vector<16xi1>, vector<16xf32>
    %select_n3A_962 = arith.select %eq3A_960, %broadcast_in_dim3A_162, %select_n3A_959 : vector<16xi1>, vector<16xf32>
    %eq3A_963 = arith.cmpi eq, %add3A_914, %broadcast_in_dim3A_91 : vector<16xi32>
    %select_n3A_964 = arith.select %eq3A_963, %broadcast_in_dim3A_151, %select_n3A_961 : vector<16xi1>, vector<16xf32>
    %select_n3A_965 = arith.select %eq3A_963, %broadcast_in_dim3A_162, %select_n3A_962 : vector<16xi1>, vector<16xf32>
    %eq3A_966 = arith.cmpi eq, %add3A_914, %broadcast_in_dim3A_94 : vector<16xi32>
    %select_n3A_967 = arith.select %eq3A_966, %broadcast_in_dim3A_154, %select_n3A_964 : vector<16xi1>, vector<16xf32>
    %select_n3A_968 = arith.select %eq3A_966, %broadcast_in_dim3A_162, %select_n3A_965 : vector<16xi1>, vector<16xf32>
    %eq3A_969 = arith.cmpi eq, %add3A_914, %broadcast_in_dim3A_97 : vector<16xi32>
    %select_n3A_970 = arith.select %eq3A_969, %broadcast_in_dim3A_157, %select_n3A_967 : vector<16xi1>, vector<16xf32>
    %select_n3A_971 = arith.select %eq3A_969, %broadcast_in_dim3A_162, %select_n3A_968 : vector<16xi1>, vector<16xf32>
    %eq3A_972 = arith.cmpi eq, %add3A_914, %broadcast_in_dim3A_100 : vector<16xi32>
    %select_n3A_973 = arith.select %eq3A_972, %broadcast_in_dim3A_160, %select_n3A_970 : vector<16xi1>, vector<16xf32>
    %select_n3A_974 = arith.select %eq3A_972, %broadcast_in_dim3A_162, %select_n3A_971 : vector<16xi1>, vector<16xf32>
    %swap3A_975 = arith.constant 176 : index
    %swap3A_976 = tpu.vector_load %arg8[%swap3A_975] {strides = array<i32>} : memref<256xf32, #tpu.memory_space<vmem>>, vector<16xf32>,
    tpu.vector_store %arg8[%swap3A_975], %select_n3A_973 {strides = array<i32>} : memref<256xf32, #tpu.memory_space<vmem>>, vector<16xf32>,
    %swap3A_977 = arith.constant 176 : index
    %swap3A_978 = tpu.vector_load %arg9[%swap3A_977] {strides = array<i32>} : memref<256xf32, #tpu.memory_space<vmem>>, vector<16xf32>,
    tpu.vector_store %arg9[%swap3A_977], %select_n3A_974 {strides = array<i32>} : memref<256xf32, #tpu.memory_space<vmem>>, vector<16xf32>,
    %add3A_979 = arith.constant 192 : i32
    %add3A_980 = arith.addi %mul3A_42, %add3A_979 : i32
    %add3A_981 = vector.broadcast %add3A_980 : i32 to vector<16xi32>
    %add3A_982 = arith.addi %iota3A, %add3A_981 : vector<16xi32>
    %eq3A_983 = arith.cmpi eq, %add3A_982, %broadcast_in_dim3A_43 : vector<16xi32>
    %select_n3A_984 = arith.select %eq3A_983, %broadcast_in_dim3A_103, %broadcast_in_dim3A_164 : vector<16xi1>, vector<16xf32>
    %select_n3A_985 = arith.select %eq3A_983, %broadcast_in_dim3A_162, %broadcast_in_dim3A_164 : vector<16xi1>, vector<16xf32>
    %eq3A_986 = arith.cmpi eq, %add3A_982, %broadcast_in_dim3A_46 : vector<16xi32>
    %select_n3A_987 = arith.select %eq3A_986, %broadcast_in_dim3A_106, %select_n3A_984 : vector<16xi1>, vector<16xf32>
    %select_n3A_988 = arith.select %eq3A_986, %broadcast_in_dim3A_162, %select_n3A_985 : vector<16xi1>, vector<16xf32>
    %eq3A_989 = arith.cmpi eq, %add3A_982, %broadcast_in_dim3A_49 : vector<16xi32>
    %select_n3A_990 = arith.select %eq3A_989, %broadcast_in_dim3A_109, %select_n3A_987 : vector<16xi1>, vector<16xf32>
    %select_n3A_991 = arith.select %eq3A_989, %broadcast_in_dim3A_162, %select_n3A_988 : vector<16xi1>, vector<16xf32>
    %eq3A_992 = arith.cmpi eq, %add3A_982, %broadcast_in_dim3A_52 : vector<16xi32>
    %select_n3A_993 = arith.select %eq3A_992, %broadcast_in_dim3A_112, %select_n3A_990 : vector<16xi1>, vector<16xf32>
    %select_n3A_994 = arith.select %eq3A_992, %broadcast_in_dim3A_162, %select_n3A_991 : vector<16xi1>, vector<16xf32>
    %eq3A_995 = arith.cmpi eq, %add3A_982, %broadcast_in_dim3A_55 : vector<16xi32>
    %select_n3A_996 = arith.select %eq3A_995, %broadcast_in_dim3A_115, %select_n3A_993 : vector<16xi1>, vector<16xf32>
    %select_n3A_997 = arith.select %eq3A_995, %broadcast_in_dim3A_162, %select_n3A_994 : vector<16xi1>, vector<16xf32>
    %eq3A_998 = arith.cmpi eq, %add3A_982, %broadcast_in_dim3A_58 : vector<16xi32>
    %select_n3A_999 = arith.select %eq3A_998, %broadcast_in_dim3A_118, %select_n3A_996 : vector<16xi1>, vector<16xf32>
    %select_n3A_1000 = arith.select %eq3A_998, %broadcast_in_dim3A_162, %select_n3A_997 : vector<16xi1>, vector<16xf32>
    %eq3A_1001 = arith.cmpi eq, %add3A_982, %broadcast_in_dim3A_61 : vector<16xi32>
    %select_n3A_1002 = arith.select %eq3A_1001, %broadcast_in_dim3A_121, %select_n3A_999 : vector<16xi1>, vector<16xf32>
    %select_n3A_1003 = arith.select %eq3A_1001, %broadcast_in_dim3A_162, %select_n3A_1000 : vector<16xi1>, vector<16xf32>
    %eq3A_1004 = arith.cmpi eq, %add3A_982, %broadcast_in_dim3A_64 : vector<16xi32>
    %select_n3A_1005 = arith.select %eq3A_1004, %broadcast_in_dim3A_124, %select_n3A_1002 : vector<16xi1>, vector<16xf32>
    %select_n3A_1006 = arith.select %eq3A_1004, %broadcast_in_dim3A_162, %select_n3A_1003 : vector<16xi1>, vector<16xf32>
    %eq3A_1007 = arith.cmpi eq, %add3A_982, %broadcast_in_dim3A_67 : vector<16xi32>
    %select_n3A_1008 = arith.select %eq3A_1007, %broadcast_in_dim3A_127, %select_n3A_1005 : vector<16xi1>, vector<16xf32>
    %select_n3A_1009 = arith.select %eq3A_1007, %broadcast_in_dim3A_162, %select_n3A_1006 : vector<16xi1>, vector<16xf32>
    %eq3A_1010 = arith.cmpi eq, %add3A_982, %broadcast_in_dim3A_70 : vector<16xi32>
    %select_n3A_1011 = arith.select %eq3A_1010, %broadcast_in_dim3A_130, %select_n3A_1008 : vector<16xi1>, vector<16xf32>
    %select_n3A_1012 = arith.select %eq3A_1010, %broadcast_in_dim3A_162, %select_n3A_1009 : vector<16xi1>, vector<16xf32>
    %eq3A_1013 = arith.cmpi eq, %add3A_982, %broadcast_in_dim3A_73 : vector<16xi32>
    %select_n3A_1014 = arith.select %eq3A_1013, %broadcast_in_dim3A_133, %select_n3A_1011 : vector<16xi1>, vector<16xf32>
    %select_n3A_1015 = arith.select %eq3A_1013, %broadcast_in_dim3A_162, %select_n3A_1012 : vector<16xi1>, vector<16xf32>
    %eq3A_1016 = arith.cmpi eq, %add3A_982, %broadcast_in_dim3A_76 : vector<16xi32>
    %select_n3A_1017 = arith.select %eq3A_1016, %broadcast_in_dim3A_136, %select_n3A_1014 : vector<16xi1>, vector<16xf32>
    %select_n3A_1018 = arith.select %eq3A_1016, %broadcast_in_dim3A_162, %select_n3A_1015 : vector<16xi1>, vector<16xf32>
    %eq3A_1019 = arith.cmpi eq, %add3A_982, %broadcast_in_dim3A_79 : vector<16xi32>
    %select_n3A_1020 = arith.select %eq3A_1019, %broadcast_in_dim3A_139, %select_n3A_1017 : vector<16xi1>, vector<16xf32>
    %select_n3A_1021 = arith.select %eq3A_1019, %broadcast_in_dim3A_162, %select_n3A_1018 : vector<16xi1>, vector<16xf32>
    %eq3A_1022 = arith.cmpi eq, %add3A_982, %broadcast_in_dim3A_82 : vector<16xi32>
    %select_n3A_1023 = arith.select %eq3A_1022, %broadcast_in_dim3A_142, %select_n3A_1020 : vector<16xi1>, vector<16xf32>
    %select_n3A_1024 = arith.select %eq3A_1022, %broadcast_in_dim3A_162, %select_n3A_1021 : vector<16xi1>, vector<16xf32>
    %eq3A_1025 = arith.cmpi eq, %add3A_982, %broadcast_in_dim3A_85 : vector<16xi32>
    %select_n3A_1026 = arith.select %eq3A_1025, %broadcast_in_dim3A_145, %select_n3A_1023 : vector<16xi1>, vector<16xf32>
    %select_n3A_1027 = arith.select %eq3A_1025, %broadcast_in_dim3A_162, %select_n3A_1024 : vector<16xi1>, vector<16xf32>
    %eq3A_1028 = arith.cmpi eq, %add3A_982, %broadcast_in_dim3A_88 : vector<16xi32>
    %select_n3A_1029 = arith.select %eq3A_1028, %broadcast_in_dim3A_148, %select_n3A_1026 : vector<16xi1>, vector<16xf32>
    %select_n3A_1030 = arith.select %eq3A_1028, %broadcast_in_dim3A_162, %select_n3A_1027 : vector<16xi1>, vector<16xf32>
    %eq3A_1031 = arith.cmpi eq, %add3A_982, %broadcast_in_dim3A_91 : vector<16xi32>
    %select_n3A_1032 = arith.select %eq3A_1031, %broadcast_in_dim3A_151, %select_n3A_1029 : vector<16xi1>, vector<16xf32>
    %select_n3A_1033 = arith.select %eq3A_1031, %broadcast_in_dim3A_162, %select_n3A_1030 : vector<16xi1>, vector<16xf32>
    %eq3A_1034 = arith.cmpi eq, %add3A_982, %broadcast_in_dim3A_94 : vector<16xi32>
    %select_n3A_1035 = arith.select %eq3A_1034, %broadcast_in_dim3A_154, %select_n3A_1032 : vector<16xi1>, vector<16xf32>
    %select_n3A_1036 = arith.select %eq3A_1034, %broadcast_in_dim3A_162, %select_n3A_1033 : vector<16xi1>, vector<16xf32>
    %eq3A_1037 = arith.cmpi eq, %add3A_982, %broadcast_in_dim3A_97 : vector<16xi32>
    %select_n3A_1038 = arith.select %eq3A_1037, %broadcast_in_dim3A_157, %select_n3A_1035 : vector<16xi1>, vector<16xf32>
    %select_n3A_1039 = arith.select %eq3A_1037, %broadcast_in_dim3A_162, %select_n3A_1036 : vector<16xi1>, vector<16xf32>
    %eq3A_1040 = arith.cmpi eq, %add3A_982, %broadcast_in_dim3A_100 : vector<16xi32>
    %select_n3A_1041 = arith.select %eq3A_1040, %broadcast_in_dim3A_160, %select_n3A_1038 : vector<16xi1>, vector<16xf32>
    %select_n3A_1042 = arith.select %eq3A_1040, %broadcast_in_dim3A_162, %select_n3A_1039 : vector<16xi1>, vector<16xf32>
    %swap3A_1043 = arith.constant 192 : index
    %swap3A_1044 = tpu.vector_load %arg8[%swap3A_1043] {strides = array<i32>} : memref<256xf32, #tpu.memory_space<vmem>>, vector<16xf32>,
    tpu.vector_store %arg8[%swap3A_1043], %select_n3A_1041 {strides = array<i32>} : memref<256xf32, #tpu.memory_space<vmem>>, vector<16xf32>,
    %swap3A_1045 = arith.constant 192 : index
    %swap3A_1046 = tpu.vector_load %arg9[%swap3A_1045] {strides = array<i32>} : memref<256xf32, #tpu.memory_space<vmem>>, vector<16xf32>,
    tpu.vector_store %arg9[%swap3A_1045], %select_n3A_1042 {strides = array<i32>} : memref<256xf32, #tpu.memory_space<vmem>>, vector<16xf32>,
    %add3A_1047 = arith.constant 208 : i32
    %add3A_1048 = arith.addi %mul3A_42, %add3A_1047 : i32
    %add3A_1049 = vector.broadcast %add3A_1048 : i32 to vector<16xi32>
    %add3A_1050 = arith.addi %iota3A, %add3A_1049 : vector<16xi32>
    %eq3A_1051 = arith.cmpi eq, %add3A_1050, %broadcast_in_dim3A_43 : vector<16xi32>
    %select_n3A_1052 = arith.select %eq3A_1051, %broadcast_in_dim3A_103, %broadcast_in_dim3A_164 : vector<16xi1>, vector<16xf32>
    %select_n3A_1053 = arith.select %eq3A_1051, %broadcast_in_dim3A_162, %broadcast_in_dim3A_164 : vector<16xi1>, vector<16xf32>
    %eq3A_1054 = arith.cmpi eq, %add3A_1050, %broadcast_in_dim3A_46 : vector<16xi32>
    %select_n3A_1055 = arith.select %eq3A_1054, %broadcast_in_dim3A_106, %select_n3A_1052 : vector<16xi1>, vector<16xf32>
    %select_n3A_1056 = arith.select %eq3A_1054, %broadcast_in_dim3A_162, %select_n3A_1053 : vector<16xi1>, vector<16xf32>
    %eq3A_1057 = arith.cmpi eq, %add3A_1050, %broadcast_in_dim3A_49 : vector<16xi32>
    %select_n3A_1058 = arith.select %eq3A_1057, %broadcast_in_dim3A_109, %select_n3A_1055 : vector<16xi1>, vector<16xf32>
    %select_n3A_1059 = arith.select %eq3A_1057, %broadcast_in_dim3A_162, %select_n3A_1056 : vector<16xi1>, vector<16xf32>
    %eq3A_1060 = arith.cmpi eq, %add3A_1050, %broadcast_in_dim3A_52 : vector<16xi32>
    %select_n3A_1061 = arith.select %eq3A_1060, %broadcast_in_dim3A_112, %select_n3A_1058 : vector<16xi1>, vector<16xf32>
    %select_n3A_1062 = arith.select %eq3A_1060, %broadcast_in_dim3A_162, %select_n3A_1059 : vector<16xi1>, vector<16xf32>
    %eq3A_1063 = arith.cmpi eq, %add3A_1050, %broadcast_in_dim3A_55 : vector<16xi32>
    %select_n3A_1064 = arith.select %eq3A_1063, %broadcast_in_dim3A_115, %select_n3A_1061 : vector<16xi1>, vector<16xf32>
    %select_n3A_1065 = arith.select %eq3A_1063, %broadcast_in_dim3A_162, %select_n3A_1062 : vector<16xi1>, vector<16xf32>
    %eq3A_1066 = arith.cmpi eq, %add3A_1050, %broadcast_in_dim3A_58 : vector<16xi32>
    %select_n3A_1067 = arith.select %eq3A_1066, %broadcast_in_dim3A_118, %select_n3A_1064 : vector<16xi1>, vector<16xf32>
    %select_n3A_1068 = arith.select %eq3A_1066, %broadcast_in_dim3A_162, %select_n3A_1065 : vector<16xi1>, vector<16xf32>
    %eq3A_1069 = arith.cmpi eq, %add3A_1050, %broadcast_in_dim3A_61 : vector<16xi32>
    %select_n3A_1070 = arith.select %eq3A_1069, %broadcast_in_dim3A_121, %select_n3A_1067 : vector<16xi1>, vector<16xf32>
    %select_n3A_1071 = arith.select %eq3A_1069, %broadcast_in_dim3A_162, %select_n3A_1068 : vector<16xi1>, vector<16xf32>
    %eq3A_1072 = arith.cmpi eq, %add3A_1050, %broadcast_in_dim3A_64 : vector<16xi32>
    %select_n3A_1073 = arith.select %eq3A_1072, %broadcast_in_dim3A_124, %select_n3A_1070 : vector<16xi1>, vector<16xf32>
    %select_n3A_1074 = arith.select %eq3A_1072, %broadcast_in_dim3A_162, %select_n3A_1071 : vector<16xi1>, vector<16xf32>
    %eq3A_1075 = arith.cmpi eq, %add3A_1050, %broadcast_in_dim3A_67 : vector<16xi32>
    %select_n3A_1076 = arith.select %eq3A_1075, %broadcast_in_dim3A_127, %select_n3A_1073 : vector<16xi1>, vector<16xf32>
    %select_n3A_1077 = arith.select %eq3A_1075, %broadcast_in_dim3A_162, %select_n3A_1074 : vector<16xi1>, vector<16xf32>
    %eq3A_1078 = arith.cmpi eq, %add3A_1050, %broadcast_in_dim3A_70 : vector<16xi32>
    %select_n3A_1079 = arith.select %eq3A_1078, %broadcast_in_dim3A_130, %select_n3A_1076 : vector<16xi1>, vector<16xf32>
    %select_n3A_1080 = arith.select %eq3A_1078, %broadcast_in_dim3A_162, %select_n3A_1077 : vector<16xi1>, vector<16xf32>
    %eq3A_1081 = arith.cmpi eq, %add3A_1050, %broadcast_in_dim3A_73 : vector<16xi32>
    %select_n3A_1082 = arith.select %eq3A_1081, %broadcast_in_dim3A_133, %select_n3A_1079 : vector<16xi1>, vector<16xf32>
    %select_n3A_1083 = arith.select %eq3A_1081, %broadcast_in_dim3A_162, %select_n3A_1080 : vector<16xi1>, vector<16xf32>
    %eq3A_1084 = arith.cmpi eq, %add3A_1050, %broadcast_in_dim3A_76 : vector<16xi32>
    %select_n3A_1085 = arith.select %eq3A_1084, %broadcast_in_dim3A_136, %select_n3A_1082 : vector<16xi1>, vector<16xf32>
    %select_n3A_1086 = arith.select %eq3A_1084, %broadcast_in_dim3A_162, %select_n3A_1083 : vector<16xi1>, vector<16xf32>
    %eq3A_1087 = arith.cmpi eq, %add3A_1050, %broadcast_in_dim3A_79 : vector<16xi32>
    %select_n3A_1088 = arith.select %eq3A_1087, %broadcast_in_dim3A_139, %select_n3A_1085 : vector<16xi1>, vector<16xf32>
    %select_n3A_1089 = arith.select %eq3A_1087, %broadcast_in_dim3A_162, %select_n3A_1086 : vector<16xi1>, vector<16xf32>
    %eq3A_1090 = arith.cmpi eq, %add3A_1050, %broadcast_in_dim3A_82 : vector<16xi32>
    %select_n3A_1091 = arith.select %eq3A_1090, %broadcast_in_dim3A_142, %select_n3A_1088 : vector<16xi1>, vector<16xf32>
    %select_n3A_1092 = arith.select %eq3A_1090, %broadcast_in_dim3A_162, %select_n3A_1089 : vector<16xi1>, vector<16xf32>
    %eq3A_1093 = arith.cmpi eq, %add3A_1050, %broadcast_in_dim3A_85 : vector<16xi32>
    %select_n3A_1094 = arith.select %eq3A_1093, %broadcast_in_dim3A_145, %select_n3A_1091 : vector<16xi1>, vector<16xf32>
    %select_n3A_1095 = arith.select %eq3A_1093, %broadcast_in_dim3A_162, %select_n3A_1092 : vector<16xi1>, vector<16xf32>
    %eq3A_1096 = arith.cmpi eq, %add3A_1050, %broadcast_in_dim3A_88 : vector<16xi32>
    %select_n3A_1097 = arith.select %eq3A_1096, %broadcast_in_dim3A_148, %select_n3A_1094 : vector<16xi1>, vector<16xf32>
    %select_n3A_1098 = arith.select %eq3A_1096, %broadcast_in_dim3A_162, %select_n3A_1095 : vector<16xi1>, vector<16xf32>
    %eq3A_1099 = arith.cmpi eq, %add3A_1050, %broadcast_in_dim3A_91 : vector<16xi32>
    %select_n3A_1100 = arith.select %eq3A_1099, %broadcast_in_dim3A_151, %select_n3A_1097 : vector<16xi1>, vector<16xf32>
    %select_n3A_1101 = arith.select %eq3A_1099, %broadcast_in_dim3A_162, %select_n3A_1098 : vector<16xi1>, vector<16xf32>
    %eq3A_1102 = arith.cmpi eq, %add3A_1050, %broadcast_in_dim3A_94 : vector<16xi32>
    %select_n3A_1103 = arith.select %eq3A_1102, %broadcast_in_dim3A_154, %select_n3A_1100 : vector<16xi1>, vector<16xf32>
    %select_n3A_1104 = arith.select %eq3A_1102, %broadcast_in_dim3A_162, %select_n3A_1101 : vector<16xi1>, vector<16xf32>
    %eq3A_1105 = arith.cmpi eq, %add3A_1050, %broadcast_in_dim3A_97 : vector<16xi32>
    %select_n3A_1106 = arith.select %eq3A_1105, %broadcast_in_dim3A_157, %select_n3A_1103 : vector<16xi1>, vector<16xf32>
    %select_n3A_1107 = arith.select %eq3A_1105, %broadcast_in_dim3A_162, %select_n3A_1104 : vector<16xi1>, vector<16xf32>
    %eq3A_1108 = arith.cmpi eq, %add3A_1050, %broadcast_in_dim3A_100 : vector<16xi32>
    %select_n3A_1109 = arith.select %eq3A_1108, %broadcast_in_dim3A_160, %select_n3A_1106 : vector<16xi1>, vector<16xf32>
    %select_n3A_1110 = arith.select %eq3A_1108, %broadcast_in_dim3A_162, %select_n3A_1107 : vector<16xi1>, vector<16xf32>
    %swap3A_1111 = arith.constant 208 : index
    %swap3A_1112 = tpu.vector_load %arg8[%swap3A_1111] {strides = array<i32>} : memref<256xf32, #tpu.memory_space<vmem>>, vector<16xf32>,
    tpu.vector_store %arg8[%swap3A_1111], %select_n3A_1109 {strides = array<i32>} : memref<256xf32, #tpu.memory_space<vmem>>, vector<16xf32>,
    %swap3A_1113 = arith.constant 208 : index
    %swap3A_1114 = tpu.vector_load %arg9[%swap3A_1113] {strides = array<i32>} : memref<256xf32, #tpu.memory_space<vmem>>, vector<16xf32>,
    tpu.vector_store %arg9[%swap3A_1113], %select_n3A_1110 {strides = array<i32>} : memref<256xf32, #tpu.memory_space<vmem>>, vector<16xf32>,
    %add3A_1115 = arith.constant 224 : i32
    %add3A_1116 = arith.addi %mul3A_42, %add3A_1115 : i32
    %add3A_1117 = vector.broadcast %add3A_1116 : i32 to vector<16xi32>
    %add3A_1118 = arith.addi %iota3A, %add3A_1117 : vector<16xi32>
    %eq3A_1119 = arith.cmpi eq, %add3A_1118, %broadcast_in_dim3A_43 : vector<16xi32>
    %select_n3A_1120 = arith.select %eq3A_1119, %broadcast_in_dim3A_103, %broadcast_in_dim3A_164 : vector<16xi1>, vector<16xf32>
    %select_n3A_1121 = arith.select %eq3A_1119, %broadcast_in_dim3A_162, %broadcast_in_dim3A_164 : vector<16xi1>, vector<16xf32>
    %eq3A_1122 = arith.cmpi eq, %add3A_1118, %broadcast_in_dim3A_46 : vector<16xi32>
    %select_n3A_1123 = arith.select %eq3A_1122, %broadcast_in_dim3A_106, %select_n3A_1120 : vector<16xi1>, vector<16xf32>
    %select_n3A_1124 = arith.select %eq3A_1122, %broadcast_in_dim3A_162, %select_n3A_1121 : vector<16xi1>, vector<16xf32>
    %eq3A_1125 = arith.cmpi eq, %add3A_1118, %broadcast_in_dim3A_49 : vector<16xi32>
    %select_n3A_1126 = arith.select %eq3A_1125, %broadcast_in_dim3A_109, %select_n3A_1123 : vector<16xi1>, vector<16xf32>
    %select_n3A_1127 = arith.select %eq3A_1125, %broadcast_in_dim3A_162, %select_n3A_1124 : vector<16xi1>, vector<16xf32>
    %eq3A_1128 = arith.cmpi eq, %add3A_1118, %broadcast_in_dim3A_52 : vector<16xi32>
    %select_n3A_1129 = arith.select %eq3A_1128, %broadcast_in_dim3A_112, %select_n3A_1126 : vector<16xi1>, vector<16xf32>
    %select_n3A_1130 = arith.select %eq3A_1128, %broadcast_in_dim3A_162, %select_n3A_1127 : vector<16xi1>, vector<16xf32>
    %eq3A_1131 = arith.cmpi eq, %add3A_1118, %broadcast_in_dim3A_55 : vector<16xi32>
    %select_n3A_1132 = arith.select %eq3A_1131, %broadcast_in_dim3A_115, %select_n3A_1129 : vector<16xi1>, vector<16xf32>
    %select_n3A_1133 = arith.select %eq3A_1131, %broadcast_in_dim3A_162, %select_n3A_1130 : vector<16xi1>, vector<16xf32>
    %eq3A_1134 = arith.cmpi eq, %add3A_1118, %broadcast_in_dim3A_58 : vector<16xi32>
    %select_n3A_1135 = arith.select %eq3A_1134, %broadcast_in_dim3A_118, %select_n3A_1132 : vector<16xi1>, vector<16xf32>
    %select_n3A_1136 = arith.select %eq3A_1134, %broadcast_in_dim3A_162, %select_n3A_1133 : vector<16xi1>, vector<16xf32>
    %eq3A_1137 = arith.cmpi eq, %add3A_1118, %broadcast_in_dim3A_61 : vector<16xi32>
    %select_n3A_1138 = arith.select %eq3A_1137, %broadcast_in_dim3A_121, %select_n3A_1135 : vector<16xi1>, vector<16xf32>
    %select_n3A_1139 = arith.select %eq3A_1137, %broadcast_in_dim3A_162, %select_n3A_1136 : vector<16xi1>, vector<16xf32>
    %eq3A_1140 = arith.cmpi eq, %add3A_1118, %broadcast_in_dim3A_64 : vector<16xi32>
    %select_n3A_1141 = arith.select %eq3A_1140, %broadcast_in_dim3A_124, %select_n3A_1138 : vector<16xi1>, vector<16xf32>
    %select_n3A_1142 = arith.select %eq3A_1140, %broadcast_in_dim3A_162, %select_n3A_1139 : vector<16xi1>, vector<16xf32>
    %eq3A_1143 = arith.cmpi eq, %add3A_1118, %broadcast_in_dim3A_67 : vector<16xi32>
    %select_n3A_1144 = arith.select %eq3A_1143, %broadcast_in_dim3A_127, %select_n3A_1141 : vector<16xi1>, vector<16xf32>
    %select_n3A_1145 = arith.select %eq3A_1143, %broadcast_in_dim3A_162, %select_n3A_1142 : vector<16xi1>, vector<16xf32>
    %eq3A_1146 = arith.cmpi eq, %add3A_1118, %broadcast_in_dim3A_70 : vector<16xi32>
    %select_n3A_1147 = arith.select %eq3A_1146, %broadcast_in_dim3A_130, %select_n3A_1144 : vector<16xi1>, vector<16xf32>
    %select_n3A_1148 = arith.select %eq3A_1146, %broadcast_in_dim3A_162, %select_n3A_1145 : vector<16xi1>, vector<16xf32>
    %eq3A_1149 = arith.cmpi eq, %add3A_1118, %broadcast_in_dim3A_73 : vector<16xi32>
    %select_n3A_1150 = arith.select %eq3A_1149, %broadcast_in_dim3A_133, %select_n3A_1147 : vector<16xi1>, vector<16xf32>
    %select_n3A_1151 = arith.select %eq3A_1149, %broadcast_in_dim3A_162, %select_n3A_1148 : vector<16xi1>, vector<16xf32>
    %eq3A_1152 = arith.cmpi eq, %add3A_1118, %broadcast_in_dim3A_76 : vector<16xi32>
    %select_n3A_1153 = arith.select %eq3A_1152, %broadcast_in_dim3A_136, %select_n3A_1150 : vector<16xi1>, vector<16xf32>
    %select_n3A_1154 = arith.select %eq3A_1152, %broadcast_in_dim3A_162, %select_n3A_1151 : vector<16xi1>, vector<16xf32>
    %eq3A_1155 = arith.cmpi eq, %add3A_1118, %broadcast_in_dim3A_79 : vector<16xi32>
    %select_n3A_1156 = arith.select %eq3A_1155, %broadcast_in_dim3A_139, %select_n3A_1153 : vector<16xi1>, vector<16xf32>
    %select_n3A_1157 = arith.select %eq3A_1155, %broadcast_in_dim3A_162, %select_n3A_1154 : vector<16xi1>, vector<16xf32>
    %eq3A_1158 = arith.cmpi eq, %add3A_1118, %broadcast_in_dim3A_82 : vector<16xi32>
    %select_n3A_1159 = arith.select %eq3A_1158, %broadcast_in_dim3A_142, %select_n3A_1156 : vector<16xi1>, vector<16xf32>
    %select_n3A_1160 = arith.select %eq3A_1158, %broadcast_in_dim3A_162, %select_n3A_1157 : vector<16xi1>, vector<16xf32>
    %eq3A_1161 = arith.cmpi eq, %add3A_1118, %broadcast_in_dim3A_85 : vector<16xi32>
    %select_n3A_1162 = arith.select %eq3A_1161, %broadcast_in_dim3A_145, %select_n3A_1159 : vector<16xi1>, vector<16xf32>
    %select_n3A_1163 = arith.select %eq3A_1161, %broadcast_in_dim3A_162, %select_n3A_1160 : vector<16xi1>, vector<16xf32>
    %eq3A_1164 = arith.cmpi eq, %add3A_1118, %broadcast_in_dim3A_88 : vector<16xi32>
    %select_n3A_1165 = arith.select %eq3A_1164, %broadcast_in_dim3A_148, %select_n3A_1162 : vector<16xi1>, vector<16xf32>
    %select_n3A_1166 = arith.select %eq3A_1164, %broadcast_in_dim3A_162, %select_n3A_1163 : vector<16xi1>, vector<16xf32>
    %eq3A_1167 = arith.cmpi eq, %add3A_1118, %broadcast_in_dim3A_91 : vector<16xi32>
    %select_n3A_1168 = arith.select %eq3A_1167, %broadcast_in_dim3A_151, %select_n3A_1165 : vector<16xi1>, vector<16xf32>
    %select_n3A_1169 = arith.select %eq3A_1167, %broadcast_in_dim3A_162, %select_n3A_1166 : vector<16xi1>, vector<16xf32>
    %eq3A_1170 = arith.cmpi eq, %add3A_1118, %broadcast_in_dim3A_94 : vector<16xi32>
    %select_n3A_1171 = arith.select %eq3A_1170, %broadcast_in_dim3A_154, %select_n3A_1168 : vector<16xi1>, vector<16xf32>
    %select_n3A_1172 = arith.select %eq3A_1170, %broadcast_in_dim3A_162, %select_n3A_1169 : vector<16xi1>, vector<16xf32>
    %eq3A_1173 = arith.cmpi eq, %add3A_1118, %broadcast_in_dim3A_97 : vector<16xi32>
    %select_n3A_1174 = arith.select %eq3A_1173, %broadcast_in_dim3A_157, %select_n3A_1171 : vector<16xi1>, vector<16xf32>
    %select_n3A_1175 = arith.select %eq3A_1173, %broadcast_in_dim3A_162, %select_n3A_1172 : vector<16xi1>, vector<16xf32>
    %eq3A_1176 = arith.cmpi eq, %add3A_1118, %broadcast_in_dim3A_100 : vector<16xi32>
    %select_n3A_1177 = arith.select %eq3A_1176, %broadcast_in_dim3A_160, %select_n3A_1174 : vector<16xi1>, vector<16xf32>
    %select_n3A_1178 = arith.select %eq3A_1176, %broadcast_in_dim3A_162, %select_n3A_1175 : vector<16xi1>, vector<16xf32>
    %swap3A_1179 = arith.constant 224 : index
    %swap3A_1180 = tpu.vector_load %arg8[%swap3A_1179] {strides = array<i32>} : memref<256xf32, #tpu.memory_space<vmem>>, vector<16xf32>,
    tpu.vector_store %arg8[%swap3A_1179], %select_n3A_1177 {strides = array<i32>} : memref<256xf32, #tpu.memory_space<vmem>>, vector<16xf32>,
    %swap3A_1181 = arith.constant 224 : index
    %swap3A_1182 = tpu.vector_load %arg9[%swap3A_1181] {strides = array<i32>} : memref<256xf32, #tpu.memory_space<vmem>>, vector<16xf32>,
    tpu.vector_store %arg9[%swap3A_1181], %select_n3A_1178 {strides = array<i32>} : memref<256xf32, #tpu.memory_space<vmem>>, vector<16xf32>,
    %add3A_1183 = arith.constant 240 : i32
    %add3A_1184 = arith.addi %mul3A_42, %add3A_1183 : i32
    %add3A_1185 = vector.broadcast %add3A_1184 : i32 to vector<16xi32>
    %add3A_1186 = arith.addi %iota3A, %add3A_1185 : vector<16xi32>
    %eq3A_1187 = arith.cmpi eq, %add3A_1186, %broadcast_in_dim3A_43 : vector<16xi32>
    %select_n3A_1188 = arith.select %eq3A_1187, %broadcast_in_dim3A_103, %broadcast_in_dim3A_164 : vector<16xi1>, vector<16xf32>
    %select_n3A_1189 = arith.select %eq3A_1187, %broadcast_in_dim3A_162, %broadcast_in_dim3A_164 : vector<16xi1>, vector<16xf32>
    %eq3A_1190 = arith.cmpi eq, %add3A_1186, %broadcast_in_dim3A_46 : vector<16xi32>
    %select_n3A_1191 = arith.select %eq3A_1190, %broadcast_in_dim3A_106, %select_n3A_1188 : vector<16xi1>, vector<16xf32>
    %select_n3A_1192 = arith.select %eq3A_1190, %broadcast_in_dim3A_162, %select_n3A_1189 : vector<16xi1>, vector<16xf32>
    %eq3A_1193 = arith.cmpi eq, %add3A_1186, %broadcast_in_dim3A_49 : vector<16xi32>
    %select_n3A_1194 = arith.select %eq3A_1193, %broadcast_in_dim3A_109, %select_n3A_1191 : vector<16xi1>, vector<16xf32>
    %select_n3A_1195 = arith.select %eq3A_1193, %broadcast_in_dim3A_162, %select_n3A_1192 : vector<16xi1>, vector<16xf32>
    %eq3A_1196 = arith.cmpi eq, %add3A_1186, %broadcast_in_dim3A_52 : vector<16xi32>
    %select_n3A_1197 = arith.select %eq3A_1196, %broadcast_in_dim3A_112, %select_n3A_1194 : vector<16xi1>, vector<16xf32>
    %select_n3A_1198 = arith.select %eq3A_1196, %broadcast_in_dim3A_162, %select_n3A_1195 : vector<16xi1>, vector<16xf32>
    %eq3A_1199 = arith.cmpi eq, %add3A_1186, %broadcast_in_dim3A_55 : vector<16xi32>
    %select_n3A_1200 = arith.select %eq3A_1199, %broadcast_in_dim3A_115, %select_n3A_1197 : vector<16xi1>, vector<16xf32>
    %select_n3A_1201 = arith.select %eq3A_1199, %broadcast_in_dim3A_162, %select_n3A_1198 : vector<16xi1>, vector<16xf32>
    %eq3A_1202 = arith.cmpi eq, %add3A_1186, %broadcast_in_dim3A_58 : vector<16xi32>
    %select_n3A_1203 = arith.select %eq3A_1202, %broadcast_in_dim3A_118, %select_n3A_1200 : vector<16xi1>, vector<16xf32>
    %select_n3A_1204 = arith.select %eq3A_1202, %broadcast_in_dim3A_162, %select_n3A_1201 : vector<16xi1>, vector<16xf32>
    %eq3A_1205 = arith.cmpi eq, %add3A_1186, %broadcast_in_dim3A_61 : vector<16xi32>
    %select_n3A_1206 = arith.select %eq3A_1205, %broadcast_in_dim3A_121, %select_n3A_1203 : vector<16xi1>, vector<16xf32>
    %select_n3A_1207 = arith.select %eq3A_1205, %broadcast_in_dim3A_162, %select_n3A_1204 : vector<16xi1>, vector<16xf32>
    %eq3A_1208 = arith.cmpi eq, %add3A_1186, %broadcast_in_dim3A_64 : vector<16xi32>
    %select_n3A_1209 = arith.select %eq3A_1208, %broadcast_in_dim3A_124, %select_n3A_1206 : vector<16xi1>, vector<16xf32>
    %select_n3A_1210 = arith.select %eq3A_1208, %broadcast_in_dim3A_162, %select_n3A_1207 : vector<16xi1>, vector<16xf32>
    %eq3A_1211 = arith.cmpi eq, %add3A_1186, %broadcast_in_dim3A_67 : vector<16xi32>
    %select_n3A_1212 = arith.select %eq3A_1211, %broadcast_in_dim3A_127, %select_n3A_1209 : vector<16xi1>, vector<16xf32>
    %select_n3A_1213 = arith.select %eq3A_1211, %broadcast_in_dim3A_162, %select_n3A_1210 : vector<16xi1>, vector<16xf32>
    %eq3A_1214 = arith.cmpi eq, %add3A_1186, %broadcast_in_dim3A_70 : vector<16xi32>
    %select_n3A_1215 = arith.select %eq3A_1214, %broadcast_in_dim3A_130, %select_n3A_1212 : vector<16xi1>, vector<16xf32>
    %select_n3A_1216 = arith.select %eq3A_1214, %broadcast_in_dim3A_162, %select_n3A_1213 : vector<16xi1>, vector<16xf32>
    %eq3A_1217 = arith.cmpi eq, %add3A_1186, %broadcast_in_dim3A_73 : vector<16xi32>
    %select_n3A_1218 = arith.select %eq3A_1217, %broadcast_in_dim3A_133, %select_n3A_1215 : vector<16xi1>, vector<16xf32>
    %select_n3A_1219 = arith.select %eq3A_1217, %broadcast_in_dim3A_162, %select_n3A_1216 : vector<16xi1>, vector<16xf32>
    %eq3A_1220 = arith.cmpi eq, %add3A_1186, %broadcast_in_dim3A_76 : vector<16xi32>
    %select_n3A_1221 = arith.select %eq3A_1220, %broadcast_in_dim3A_136, %select_n3A_1218 : vector<16xi1>, vector<16xf32>
    %select_n3A_1222 = arith.select %eq3A_1220, %broadcast_in_dim3A_162, %select_n3A_1219 : vector<16xi1>, vector<16xf32>
    %eq3A_1223 = arith.cmpi eq, %add3A_1186, %broadcast_in_dim3A_79 : vector<16xi32>
    %select_n3A_1224 = arith.select %eq3A_1223, %broadcast_in_dim3A_139, %select_n3A_1221 : vector<16xi1>, vector<16xf32>
    %select_n3A_1225 = arith.select %eq3A_1223, %broadcast_in_dim3A_162, %select_n3A_1222 : vector<16xi1>, vector<16xf32>
    %eq3A_1226 = arith.cmpi eq, %add3A_1186, %broadcast_in_dim3A_82 : vector<16xi32>
    %select_n3A_1227 = arith.select %eq3A_1226, %broadcast_in_dim3A_142, %select_n3A_1224 : vector<16xi1>, vector<16xf32>
    %select_n3A_1228 = arith.select %eq3A_1226, %broadcast_in_dim3A_162, %select_n3A_1225 : vector<16xi1>, vector<16xf32>
    %eq3A_1229 = arith.cmpi eq, %add3A_1186, %broadcast_in_dim3A_85 : vector<16xi32>
    %select_n3A_1230 = arith.select %eq3A_1229, %broadcast_in_dim3A_145, %select_n3A_1227 : vector<16xi1>, vector<16xf32>
    %select_n3A_1231 = arith.select %eq3A_1229, %broadcast_in_dim3A_162, %select_n3A_1228 : vector<16xi1>, vector<16xf32>
    %eq3A_1232 = arith.cmpi eq, %add3A_1186, %broadcast_in_dim3A_88 : vector<16xi32>
    %select_n3A_1233 = arith.select %eq3A_1232, %broadcast_in_dim3A_148, %select_n3A_1230 : vector<16xi1>, vector<16xf32>
    %select_n3A_1234 = arith.select %eq3A_1232, %broadcast_in_dim3A_162, %select_n3A_1231 : vector<16xi1>, vector<16xf32>
    %eq3A_1235 = arith.cmpi eq, %add3A_1186, %broadcast_in_dim3A_91 : vector<16xi32>
    %select_n3A_1236 = arith.select %eq3A_1235, %broadcast_in_dim3A_151, %select_n3A_1233 : vector<16xi1>, vector<16xf32>
    %select_n3A_1237 = arith.select %eq3A_1235, %broadcast_in_dim3A_162, %select_n3A_1234 : vector<16xi1>, vector<16xf32>
    %eq3A_1238 = arith.cmpi eq, %add3A_1186, %broadcast_in_dim3A_94 : vector<16xi32>
    %select_n3A_1239 = arith.select %eq3A_1238, %broadcast_in_dim3A_154, %select_n3A_1236 : vector<16xi1>, vector<16xf32>
    %select_n3A_1240 = arith.select %eq3A_1238, %broadcast_in_dim3A_162, %select_n3A_1237 : vector<16xi1>, vector<16xf32>
    %eq3A_1241 = arith.cmpi eq, %add3A_1186, %broadcast_in_dim3A_97 : vector<16xi32>
    %select_n3A_1242 = arith.select %eq3A_1241, %broadcast_in_dim3A_157, %select_n3A_1239 : vector<16xi1>, vector<16xf32>
    %select_n3A_1243 = arith.select %eq3A_1241, %broadcast_in_dim3A_162, %select_n3A_1240 : vector<16xi1>, vector<16xf32>
    %eq3A_1244 = arith.cmpi eq, %add3A_1186, %broadcast_in_dim3A_100 : vector<16xi32>
    %select_n3A_1245 = arith.select %eq3A_1244, %broadcast_in_dim3A_160, %select_n3A_1242 : vector<16xi1>, vector<16xf32>
    %select_n3A_1246 = arith.select %eq3A_1244, %broadcast_in_dim3A_162, %select_n3A_1243 : vector<16xi1>, vector<16xf32>
    %swap3A_1247 = arith.constant 240 : index
    %swap3A_1248 = tpu.vector_load %arg8[%swap3A_1247] {strides = array<i32>} : memref<256xf32, #tpu.memory_space<vmem>>, vector<16xf32>,
    tpu.vector_store %arg8[%swap3A_1247], %select_n3A_1245 {strides = array<i32>} : memref<256xf32, #tpu.memory_space<vmem>>, vector<16xf32>,
    %swap3A_1249 = arith.constant 240 : index
    %swap3A_1250 = tpu.vector_load %arg9[%swap3A_1249] {strides = array<i32>} : memref<256xf32, #tpu.memory_space<vmem>>, vector<16xf32>,
    tpu.vector_store %arg9[%swap3A_1249], %select_n3A_1246 {strides = array<i32>} : memref<256xf32, #tpu.memory_space<vmem>>, vector<16xf32>,
    "tpu.region"() ({
      %run_scoped3A = tpu.sem_alloc : memref<!tpu.dma_semaphore, #tpu.memory_space<semaphore_mem>>
      %dma_start3A = tpu.memref_slice %arg4[%mul3A_42] : memref<8192xf32, #tpu.memory_space<hbm>> -> memref<256xf32, #tpu.memory_space<hbm>>
      %dma_start3A_1251 = tpu.memref_slice %arg4[%mul3A_42] : memref<8192xf32, #tpu.memory_space<hbm>> -> memref<256xf32, #tpu.memory_space<hbm>>
      tpu.enqueue_dma source(%arg8 : memref<256xf32, #tpu.memory_space<vmem>>) target(%dma_start3A_1251 : memref<256xf32, #tpu.memory_space<hbm>>) target_semaphore(%run_scoped3A : memref<!tpu.dma_semaphore, #tpu.memory_space<semaphore_mem>>)
      %dma_wait3A = tpu.memref_slice %arg4[%mul3A_42] : memref<8192xf32, #tpu.memory_space<hbm>> -> memref<256xf32, #tpu.memory_space<hbm>>
      %dma_wait3A_1252 = tpu.memref_slice %arg4[%mul3A_42] : memref<8192xf32, #tpu.memory_space<hbm>> -> memref<256xf32, #tpu.memory_space<hbm>>
      tpu.wait_dma2 semaphore(%run_scoped3A : memref<!tpu.dma_semaphore, #tpu.memory_space<semaphore_mem>>) src(%arg8 : memref<256xf32, #tpu.memory_space<vmem>>) dst(%dma_wait3A_1252 : memref<256xf32, #tpu.memory_space<hbm>>)
      tpu.yield
    }) : () -> ()
    "tpu.region"() ({
      %run_scoped3A = tpu.sem_alloc : memref<!tpu.dma_semaphore, #tpu.memory_space<semaphore_mem>>
      %dma_start3A = tpu.memref_slice %arg5[%mul3A_42] : memref<8192xf32, #tpu.memory_space<hbm>> -> memref<256xf32, #tpu.memory_space<hbm>>
      %dma_start3A_1251 = tpu.memref_slice %arg5[%mul3A_42] : memref<8192xf32, #tpu.memory_space<hbm>> -> memref<256xf32, #tpu.memory_space<hbm>>
      tpu.enqueue_dma source(%arg9 : memref<256xf32, #tpu.memory_space<vmem>>) target(%dma_start3A_1251 : memref<256xf32, #tpu.memory_space<hbm>>) target_semaphore(%run_scoped3A : memref<!tpu.dma_semaphore, #tpu.memory_space<semaphore_mem>>)
      %dma_wait3A = tpu.memref_slice %arg5[%mul3A_42] : memref<8192xf32, #tpu.memory_space<hbm>> -> memref<256xf32, #tpu.memory_space<hbm>>
      %dma_wait3A_1252 = tpu.memref_slice %arg5[%mul3A_42] : memref<8192xf32, #tpu.memory_space<hbm>> -> memref<256xf32, #tpu.memory_space<hbm>>
      tpu.wait_dma2 semaphore(%run_scoped3A : memref<!tpu.dma_semaphore, #tpu.memory_space<semaphore_mem>>) src(%arg9 : memref<256xf32, #tpu.memory_space<vmem>>) dst(%dma_wait3A_1252 : memref<256xf32, #tpu.memory_space<hbm>>)
      tpu.yield
    }) : () -> ()
    return
  }
}

module attributes {stable_mosaic.version = 14 : i64} {
  func.func @_gate_body(%arg0: i32, %arg1: memref<2048x32xf32, #tpu.memory_space<vmem>>, %arg2: memref<1024x2048xf32, #tpu.memory_space<vmem>>, %arg3: memref<1x1x1024xf32, #tpu.memory_space<vmem>>, %arg4: memref<1x1x1024xf32, #tpu.memory_space<vmem>>) attributes {dimension_semantics = [#tpu.dimension_semantics<arbitrary>], iteration_bounds = array<i64: 8>, scalar_prefetch = 0 : i64, scratch_operands = 0 : i64, tpu.core_type = #tpu.core_type<tc>, window_params = [{pipeline_mode = #tpu.pipeline_mode<synchronous>, transform_indices = @transform_0, window_bounds = array<i64: 2048, 32>}, {transform_indices = @transform_1, window_bounds = array<i64: 1024, 2048>}, {transform_indices = @transform_2, window_bounds = array<i64: 1, 1, 1024>}, {transform_indices = @transform_3, window_bounds = array<i64: 1, 1, 1024>}]} {
    %get3A = arith.constant 0 : index
    %get3A_0 = arith.constant 0 : index
    %get3A_1 = vector.load %arg2[%get3A, %get3A_0] : memref<1024x2048xf32, #tpu.memory_space<vmem>>, vector<1024x2048xf32>
    %get3A_2 = arith.constant 0 : index
    %get3A_3 = arith.constant 0 : index
    %get3A_4 = vector.load %arg1[%get3A_2, %get3A_3] : memref<2048x32xf32, #tpu.memory_space<vmem>>, vector<2048x32xf32>
    %dot_general3A = arith.constant dense<0.000000e+00> : vector<1024x32xf32>
    %dot_general3A_5 = tpu.matmul %get3A_1, %get3A_4, %dot_general3A {dimension_numbers = #tpu.dot_dimension_numbers<[1], [0], [0], [1], [0, 0, 1, 1], [], []>, transpose_lhs_hint = false} : vector<1024x2048xf32>, vector<2048x32xf32>, vector<1024x32xf32> -> vector<1024x32xf32>
    %reduce_sum3A = arith.constant dense<0.000000e+00> : vector<1024xf32>
    %reduce_sum3A_6 = vector.multi_reduction <add>, %dot_general3A_5, %reduce_sum3A [1] : vector<1024x32xf32> to vector<1024xf32>
    %mul3A = arith.constant 3.125000e-02 : f32
    %mul3A_7 = vector.broadcast %mul3A : f32 to vector<1024xf32>
    %mul3A_8 = arith.mulf %reduce_sum3A_6, %mul3A_7 : vector<1024xf32>
    %broadcast_in_dim3A = vector.shape_cast %mul3A_8 : vector<1024xf32> to vector<1x1x1024xf32>
    %get3A_9 = arith.constant 0 : index
    %get3A_10 = arith.constant 0 : index
    %get3A_11 = arith.constant 0 : index
    %get3A_12 = vector.load %arg3[%get3A_9, %get3A_10, %get3A_11] : memref<1x1x1024xf32, #tpu.memory_space<vmem>>, vector<1x1x1024xf32>
    %add3A = arith.addf %broadcast_in_dim3A, %get3A_12 : vector<1x1x1024xf32>
    %swap3A = arith.constant 0 : index
    %swap3A_13 = arith.constant 0 : index
    %swap3A_14 = arith.constant 0 : index
    %swap3A_15 = vector.load %arg4[%swap3A, %swap3A_13, %swap3A_14] : memref<1x1x1024xf32, #tpu.memory_space<vmem>>, vector<1x1x1024xf32>
    tpu.vector_store %arg4[%swap3A, %swap3A_13, %swap3A_14], %add3A {strides = array<i32>} : memref<1x1x1024xf32, #tpu.memory_space<vmem>>, vector<1x1x1024xf32>,
    return
  }
  func.func @transform_0(%arg0: i32) -> (i32, i32) {
    %c0_i32 = arith.constant 0 : i32
    %c0_i32_0 = arith.constant 0 : i32
    %c0_i32_1 = arith.constant 0 : i32
    return %c0_i32, %c0_i32_0 : i32, i32
  }
  func.func @transform_1(%arg0: i32) -> (i32, i32) {
    %c0_i32 = arith.constant 0 : i32
    %c0_i32_0 = arith.constant 0 : i32
    return %arg0, %c0_i32 : i32, i32
  }
  func.func @transform_2(%arg0: i32) -> (i32, i32, i32) {
    %c0_i32 = arith.constant 0 : i32
    %c0_i32_0 = arith.constant 0 : i32
    %c0_i32_1 = arith.constant 0 : i32
    return %arg0, %c0_i32, %c0_i32_0 : i32, i32, i32
  }
  func.func @transform_3(%arg0: i32) -> (i32, i32, i32) {
    %c0_i32 = arith.constant 0 : i32
    %c0_i32_0 = arith.constant 0 : i32
    %c0_i32_1 = arith.constant 0 : i32
    return %arg0, %c0_i32, %c0_i32_0 : i32, i32, i32
  }
}

module attributes {stable_mosaic.version = 14 : i64} {
  func.func @_topk_body(%arg0: memref<64x128xf32, #tpu.memory_space<vmem>>, %arg1: memref<1x128xf32, #tpu.memory_space<vmem>>, %arg2: memref<1x128xi32, #tpu.memory_space<vmem>>) attributes {dimension_semantics = [], scalar_prefetch = 0 : i64, scratch_operands = 0 : i64, tpu.core_type = #tpu.core_type<tc>} {
    %get3A = arith.constant 0 : index
    %get3A_0 = arith.constant 0 : index
    %get3A_1 = vector.load %arg0[%get3A, %get3A_0] : memref<64x128xf32, #tpu.memory_space<vmem>>, vector<64x128xf32>
    %iota3A = tpu.iota {dimensions = array<i32: 0>} : vector<64x128xi32>
    %iota3A_2 = tpu.iota {dimensions = array<i32: 1>} : vector<64x128xi32>
    %mul3A = arith.constant 128 : i32
    %mul3A_3 = vector.broadcast %mul3A : i32 to vector<64x128xi32>
    %mul3A_4 = arith.muli %iota3A, %mul3A_3 : vector<64x128xi32>
    %add3A = arith.addi %mul3A_4, %iota3A_2 : vector<64x128xi32>
    %reduce_max3A = vector.shape_cast %get3A_1 : vector<64x128xf32> to vector<1x64x128xf32>
    %reduce_max3A_5 = arith.constant dense<0xFF800000> : vector<1xf32>
    %reduce_max3A_6 = vector.multi_reduction <maximumf>, %reduce_max3A, %reduce_max3A_5 [1, 2] : vector<1x64x128xf32> to vector<1xf32>
    %reduce_max3A_7 = vector.shape_cast %reduce_max3A_6 : vector<1xf32> to vector<1x1x1xf32>
    %reduce_max3A_8 = vector.extract %reduce_max3A_7[0, 0, 0] : f32 from vector<1x1x1xf32>
    %eq3A = vector.broadcast %reduce_max3A_8 : f32 to vector<64x128xf32>
    %eq3A_9 = arith.cmpf oeq, %get3A_1, %eq3A : vector<64x128xf32>
    %jit3A = arith.constant 1073741824 : i32
    %broadcast_in_dim3A = vector.broadcast %jit3A : i32 to vector<64x128xi32>
    %select_n3A = arith.select %eq3A_9, %add3A, %broadcast_in_dim3A : vector<64x128xi1>, vector<64x128xi32>
    %reduce_min3A = vector.shape_cast %select_n3A : vector<64x128xi32> to vector<1x64x128xi32>
    %reduce_min3A_10 = arith.constant dense<2147483647> : vector<1xi32>
    %reduce_min3A_11 = vector.multi_reduction <minsi>, %reduce_min3A, %reduce_min3A_10 [1, 2] : vector<1x64x128xi32> to vector<1xi32>
    %reduce_min3A_12 = vector.shape_cast %reduce_min3A_11 : vector<1xi32> to vector<1x1x1xi32>
    %reduce_min3A_13 = vector.extract %reduce_min3A_12[0, 0, 0] : i32 from vector<1x1x1xi32>
    %eq3A_14 = vector.broadcast %reduce_min3A_13 : i32 to vector<64x128xi32>
    %eq3A_15 = arith.cmpi eq, %add3A, %eq3A_14 : vector<64x128xi32>
    %jit3A_16 = arith.constant 0xFF800000 : f32
    %broadcast_in_dim3A_17 = vector.broadcast %jit3A_16 : f32 to vector<64x128xf32>
    %select_n3A_18 = arith.select %eq3A_15, %broadcast_in_dim3A_17, %get3A_1 : vector<64x128xi1>, vector<64x128xf32>
    %reduce_max3A_19 = vector.shape_cast %select_n3A_18 : vector<64x128xf32> to vector<1x64x128xf32>
    %reduce_max3A_20 = arith.constant dense<0xFF800000> : vector<1xf32>
    %reduce_max3A_21 = vector.multi_reduction <maximumf>, %reduce_max3A_19, %reduce_max3A_20 [1, 2] : vector<1x64x128xf32> to vector<1xf32>
    %reduce_max3A_22 = vector.shape_cast %reduce_max3A_21 : vector<1xf32> to vector<1x1x1xf32>
    %reduce_max3A_23 = vector.extract %reduce_max3A_22[0, 0, 0] : f32 from vector<1x1x1xf32>
    %eq3A_24 = vector.broadcast %reduce_max3A_23 : f32 to vector<64x128xf32>
    %eq3A_25 = arith.cmpf oeq, %select_n3A_18, %eq3A_24 : vector<64x128xf32>
    %jit3A_26 = arith.constant 1073741824 : i32
    %broadcast_in_dim3A_27 = vector.broadcast %jit3A_26 : i32 to vector<64x128xi32>
    %select_n3A_28 = arith.select %eq3A_25, %add3A, %broadcast_in_dim3A_27 : vector<64x128xi1>, vector<64x128xi32>
    %reduce_min3A_29 = vector.shape_cast %select_n3A_28 : vector<64x128xi32> to vector<1x64x128xi32>
    %reduce_min3A_30 = arith.constant dense<2147483647> : vector<1xi32>
    %reduce_min3A_31 = vector.multi_reduction <minsi>, %reduce_min3A_29, %reduce_min3A_30 [1, 2] : vector<1x64x128xi32> to vector<1xi32>
    %reduce_min3A_32 = vector.shape_cast %reduce_min3A_31 : vector<1xi32> to vector<1x1x1xi32>
    %reduce_min3A_33 = vector.extract %reduce_min3A_32[0, 0, 0] : i32 from vector<1x1x1xi32>
    %eq3A_34 = vector.broadcast %reduce_min3A_33 : i32 to vector<64x128xi32>
    %eq3A_35 = arith.cmpi eq, %add3A, %eq3A_34 : vector<64x128xi32>
    %jit3A_36 = arith.constant 0xFF800000 : f32
    %broadcast_in_dim3A_37 = vector.broadcast %jit3A_36 : f32 to vector<64x128xf32>
    %select_n3A_38 = arith.select %eq3A_35, %broadcast_in_dim3A_37, %select_n3A_18 : vector<64x128xi1>, vector<64x128xf32>
    %reduce_max3A_39 = vector.shape_cast %select_n3A_38 : vector<64x128xf32> to vector<1x64x128xf32>
    %reduce_max3A_40 = arith.constant dense<0xFF800000> : vector<1xf32>
    %reduce_max3A_41 = vector.multi_reduction <maximumf>, %reduce_max3A_39, %reduce_max3A_40 [1, 2] : vector<1x64x128xf32> to vector<1xf32>
    %reduce_max3A_42 = vector.shape_cast %reduce_max3A_41 : vector<1xf32> to vector<1x1x1xf32>
    %reduce_max3A_43 = vector.extract %reduce_max3A_42[0, 0, 0] : f32 from vector<1x1x1xf32>
    %eq3A_44 = vector.broadcast %reduce_max3A_43 : f32 to vector<64x128xf32>
    %eq3A_45 = arith.cmpf oeq, %select_n3A_38, %eq3A_44 : vector<64x128xf32>
    %jit3A_46 = arith.constant 1073741824 : i32
    %broadcast_in_dim3A_47 = vector.broadcast %jit3A_46 : i32 to vector<64x128xi32>
    %select_n3A_48 = arith.select %eq3A_45, %add3A, %broadcast_in_dim3A_47 : vector<64x128xi1>, vector<64x128xi32>
    %reduce_min3A_49 = vector.shape_cast %select_n3A_48 : vector<64x128xi32> to vector<1x64x128xi32>
    %reduce_min3A_50 = arith.constant dense<2147483647> : vector<1xi32>
    %reduce_min3A_51 = vector.multi_reduction <minsi>, %reduce_min3A_49, %reduce_min3A_50 [1, 2] : vector<1x64x128xi32> to vector<1xi32>
    %reduce_min3A_52 = vector.shape_cast %reduce_min3A_51 : vector<1xi32> to vector<1x1x1xi32>
    %reduce_min3A_53 = vector.extract %reduce_min3A_52[0, 0, 0] : i32 from vector<1x1x1xi32>
    %eq3A_54 = vector.broadcast %reduce_min3A_53 : i32 to vector<64x128xi32>
    %eq3A_55 = arith.cmpi eq, %add3A, %eq3A_54 : vector<64x128xi32>
    %jit3A_56 = arith.constant 0xFF800000 : f32
    %broadcast_in_dim3A_57 = vector.broadcast %jit3A_56 : f32 to vector<64x128xf32>
    %select_n3A_58 = arith.select %eq3A_55, %broadcast_in_dim3A_57, %select_n3A_38 : vector<64x128xi1>, vector<64x128xf32>
    %reduce_max3A_59 = vector.shape_cast %select_n3A_58 : vector<64x128xf32> to vector<1x64x128xf32>
    %reduce_max3A_60 = arith.constant dense<0xFF800000> : vector<1xf32>
    %reduce_max3A_61 = vector.multi_reduction <maximumf>, %reduce_max3A_59, %reduce_max3A_60 [1, 2] : vector<1x64x128xf32> to vector<1xf32>
    %reduce_max3A_62 = vector.shape_cast %reduce_max3A_61 : vector<1xf32> to vector<1x1x1xf32>
    %reduce_max3A_63 = vector.extract %reduce_max3A_62[0, 0, 0] : f32 from vector<1x1x1xf32>
    %eq3A_64 = vector.broadcast %reduce_max3A_63 : f32 to vector<64x128xf32>
    %eq3A_65 = arith.cmpf oeq, %select_n3A_58, %eq3A_64 : vector<64x128xf32>
    %jit3A_66 = arith.constant 1073741824 : i32
    %broadcast_in_dim3A_67 = vector.broadcast %jit3A_66 : i32 to vector<64x128xi32>
    %select_n3A_68 = arith.select %eq3A_65, %add3A, %broadcast_in_dim3A_67 : vector<64x128xi1>, vector<64x128xi32>
    %reduce_min3A_69 = vector.shape_cast %select_n3A_68 : vector<64x128xi32> to vector<1x64x128xi32>
    %reduce_min3A_70 = arith.constant dense<2147483647> : vector<1xi32>
    %reduce_min3A_71 = vector.multi_reduction <minsi>, %reduce_min3A_69, %reduce_min3A_70 [1, 2] : vector<1x64x128xi32> to vector<1xi32>
    %reduce_min3A_72 = vector.shape_cast %reduce_min3A_71 : vector<1xi32> to vector<1x1x1xi32>
    %reduce_min3A_73 = vector.extract %reduce_min3A_72[0, 0, 0] : i32 from vector<1x1x1xi32>
    %eq3A_74 = vector.broadcast %reduce_min3A_73 : i32 to vector<64x128xi32>
    %eq3A_75 = arith.cmpi eq, %add3A, %eq3A_74 : vector<64x128xi32>
    %jit3A_76 = arith.constant 0xFF800000 : f32
    %broadcast_in_dim3A_77 = vector.broadcast %jit3A_76 : f32 to vector<64x128xf32>
    %select_n3A_78 = arith.select %eq3A_75, %broadcast_in_dim3A_77, %select_n3A_58 : vector<64x128xi1>, vector<64x128xf32>
    %reduce_max3A_79 = vector.shape_cast %select_n3A_78 : vector<64x128xf32> to vector<1x64x128xf32>
    %reduce_max3A_80 = arith.constant dense<0xFF800000> : vector<1xf32>
    %reduce_max3A_81 = vector.multi_reduction <maximumf>, %reduce_max3A_79, %reduce_max3A_80 [1, 2] : vector<1x64x128xf32> to vector<1xf32>
    %reduce_max3A_82 = vector.shape_cast %reduce_max3A_81 : vector<1xf32> to vector<1x1x1xf32>
    %reduce_max3A_83 = vector.extract %reduce_max3A_82[0, 0, 0] : f32 from vector<1x1x1xf32>
    %eq3A_84 = vector.broadcast %reduce_max3A_83 : f32 to vector<64x128xf32>
    %eq3A_85 = arith.cmpf oeq, %select_n3A_78, %eq3A_84 : vector<64x128xf32>
    %jit3A_86 = arith.constant 1073741824 : i32
    %broadcast_in_dim3A_87 = vector.broadcast %jit3A_86 : i32 to vector<64x128xi32>
    %select_n3A_88 = arith.select %eq3A_85, %add3A, %broadcast_in_dim3A_87 : vector<64x128xi1>, vector<64x128xi32>
    %reduce_min3A_89 = vector.shape_cast %select_n3A_88 : vector<64x128xi32> to vector<1x64x128xi32>
    %reduce_min3A_90 = arith.constant dense<2147483647> : vector<1xi32>
    %reduce_min3A_91 = vector.multi_reduction <minsi>, %reduce_min3A_89, %reduce_min3A_90 [1, 2] : vector<1x64x128xi32> to vector<1xi32>
    %reduce_min3A_92 = vector.shape_cast %reduce_min3A_91 : vector<1xi32> to vector<1x1x1xi32>
    %reduce_min3A_93 = vector.extract %reduce_min3A_92[0, 0, 0] : i32 from vector<1x1x1xi32>
    %eq3A_94 = vector.broadcast %reduce_min3A_93 : i32 to vector<64x128xi32>
    %eq3A_95 = arith.cmpi eq, %add3A, %eq3A_94 : vector<64x128xi32>
    %jit3A_96 = arith.constant 0xFF800000 : f32
    %broadcast_in_dim3A_97 = vector.broadcast %jit3A_96 : f32 to vector<64x128xf32>
    %select_n3A_98 = arith.select %eq3A_95, %broadcast_in_dim3A_97, %select_n3A_78 : vector<64x128xi1>, vector<64x128xf32>
    %reduce_max3A_99 = vector.shape_cast %select_n3A_98 : vector<64x128xf32> to vector<1x64x128xf32>
    %reduce_max3A_100 = arith.constant dense<0xFF800000> : vector<1xf32>
    %reduce_max3A_101 = vector.multi_reduction <maximumf>, %reduce_max3A_99, %reduce_max3A_100 [1, 2] : vector<1x64x128xf32> to vector<1xf32>
    %reduce_max3A_102 = vector.shape_cast %reduce_max3A_101 : vector<1xf32> to vector<1x1x1xf32>
    %reduce_max3A_103 = vector.extract %reduce_max3A_102[0, 0, 0] : f32 from vector<1x1x1xf32>
    %eq3A_104 = vector.broadcast %reduce_max3A_103 : f32 to vector<64x128xf32>
    %eq3A_105 = arith.cmpf oeq, %select_n3A_98, %eq3A_104 : vector<64x128xf32>
    %jit3A_106 = arith.constant 1073741824 : i32
    %broadcast_in_dim3A_107 = vector.broadcast %jit3A_106 : i32 to vector<64x128xi32>
    %select_n3A_108 = arith.select %eq3A_105, %add3A, %broadcast_in_dim3A_107 : vector<64x128xi1>, vector<64x128xi32>
    %reduce_min3A_109 = vector.shape_cast %select_n3A_108 : vector<64x128xi32> to vector<1x64x128xi32>
    %reduce_min3A_110 = arith.constant dense<2147483647> : vector<1xi32>
    %reduce_min3A_111 = vector.multi_reduction <minsi>, %reduce_min3A_109, %reduce_min3A_110 [1, 2] : vector<1x64x128xi32> to vector<1xi32>
    %reduce_min3A_112 = vector.shape_cast %reduce_min3A_111 : vector<1xi32> to vector<1x1x1xi32>
    %reduce_min3A_113 = vector.extract %reduce_min3A_112[0, 0, 0] : i32 from vector<1x1x1xi32>
    %eq3A_114 = vector.broadcast %reduce_min3A_113 : i32 to vector<64x128xi32>
    %eq3A_115 = arith.cmpi eq, %add3A, %eq3A_114 : vector<64x128xi32>
    %jit3A_116 = arith.constant 0xFF800000 : f32
    %broadcast_in_dim3A_117 = vector.broadcast %jit3A_116 : f32 to vector<64x128xf32>
    %select_n3A_118 = arith.select %eq3A_115, %broadcast_in_dim3A_117, %select_n3A_98 : vector<64x128xi1>, vector<64x128xf32>
    %reduce_max3A_119 = vector.shape_cast %select_n3A_118 : vector<64x128xf32> to vector<1x64x128xf32>
    %reduce_max3A_120 = arith.constant dense<0xFF800000> : vector<1xf32>
    %reduce_max3A_121 = vector.multi_reduction <maximumf>, %reduce_max3A_119, %reduce_max3A_120 [1, 2] : vector<1x64x128xf32> to vector<1xf32>
    %reduce_max3A_122 = vector.shape_cast %reduce_max3A_121 : vector<1xf32> to vector<1x1x1xf32>
    %reduce_max3A_123 = vector.extract %reduce_max3A_122[0, 0, 0] : f32 from vector<1x1x1xf32>
    %eq3A_124 = vector.broadcast %reduce_max3A_123 : f32 to vector<64x128xf32>
    %eq3A_125 = arith.cmpf oeq, %select_n3A_118, %eq3A_124 : vector<64x128xf32>
    %jit3A_126 = arith.constant 1073741824 : i32
    %broadcast_in_dim3A_127 = vector.broadcast %jit3A_126 : i32 to vector<64x128xi32>
    %select_n3A_128 = arith.select %eq3A_125, %add3A, %broadcast_in_dim3A_127 : vector<64x128xi1>, vector<64x128xi32>
    %reduce_min3A_129 = vector.shape_cast %select_n3A_128 : vector<64x128xi32> to vector<1x64x128xi32>
    %reduce_min3A_130 = arith.constant dense<2147483647> : vector<1xi32>
    %reduce_min3A_131 = vector.multi_reduction <minsi>, %reduce_min3A_129, %reduce_min3A_130 [1, 2] : vector<1x64x128xi32> to vector<1xi32>
    %reduce_min3A_132 = vector.shape_cast %reduce_min3A_131 : vector<1xi32> to vector<1x1x1xi32>
    %reduce_min3A_133 = vector.extract %reduce_min3A_132[0, 0, 0] : i32 from vector<1x1x1xi32>
    %eq3A_134 = vector.broadcast %reduce_min3A_133 : i32 to vector<64x128xi32>
    %eq3A_135 = arith.cmpi eq, %add3A, %eq3A_134 : vector<64x128xi32>
    %jit3A_136 = arith.constant 0xFF800000 : f32
    %broadcast_in_dim3A_137 = vector.broadcast %jit3A_136 : f32 to vector<64x128xf32>
    %select_n3A_138 = arith.select %eq3A_135, %broadcast_in_dim3A_137, %select_n3A_118 : vector<64x128xi1>, vector<64x128xf32>
    %reduce_max3A_139 = vector.shape_cast %select_n3A_138 : vector<64x128xf32> to vector<1x64x128xf32>
    %reduce_max3A_140 = arith.constant dense<0xFF800000> : vector<1xf32>
    %reduce_max3A_141 = vector.multi_reduction <maximumf>, %reduce_max3A_139, %reduce_max3A_140 [1, 2] : vector<1x64x128xf32> to vector<1xf32>
    %reduce_max3A_142 = vector.shape_cast %reduce_max3A_141 : vector<1xf32> to vector<1x1x1xf32>
    %reduce_max3A_143 = vector.extract %reduce_max3A_142[0, 0, 0] : f32 from vector<1x1x1xf32>
    %eq3A_144 = vector.broadcast %reduce_max3A_143 : f32 to vector<64x128xf32>
    %eq3A_145 = arith.cmpf oeq, %select_n3A_138, %eq3A_144 : vector<64x128xf32>
    %jit3A_146 = arith.constant 1073741824 : i32
    %broadcast_in_dim3A_147 = vector.broadcast %jit3A_146 : i32 to vector<64x128xi32>
    %select_n3A_148 = arith.select %eq3A_145, %add3A, %broadcast_in_dim3A_147 : vector<64x128xi1>, vector<64x128xi32>
    %reduce_min3A_149 = vector.shape_cast %select_n3A_148 : vector<64x128xi32> to vector<1x64x128xi32>
    %reduce_min3A_150 = arith.constant dense<2147483647> : vector<1xi32>
    %reduce_min3A_151 = vector.multi_reduction <minsi>, %reduce_min3A_149, %reduce_min3A_150 [1, 2] : vector<1x64x128xi32> to vector<1xi32>
    %reduce_min3A_152 = vector.shape_cast %reduce_min3A_151 : vector<1xi32> to vector<1x1x1xi32>
    %reduce_min3A_153 = vector.extract %reduce_min3A_152[0, 0, 0] : i32 from vector<1x1x1xi32>
    %eq3A_154 = vector.broadcast %reduce_min3A_153 : i32 to vector<64x128xi32>
    %eq3A_155 = arith.cmpi eq, %add3A, %eq3A_154 : vector<64x128xi32>
    %jit3A_156 = arith.constant 0xFF800000 : f32
    %broadcast_in_dim3A_157 = vector.broadcast %jit3A_156 : f32 to vector<64x128xf32>
    %select_n3A_158 = arith.select %eq3A_155, %broadcast_in_dim3A_157, %select_n3A_138 : vector<64x128xi1>, vector<64x128xf32>
    %reduce_max3A_159 = vector.shape_cast %select_n3A_158 : vector<64x128xf32> to vector<1x64x128xf32>
    %reduce_max3A_160 = arith.constant dense<0xFF800000> : vector<1xf32>
    %reduce_max3A_161 = vector.multi_reduction <maximumf>, %reduce_max3A_159, %reduce_max3A_160 [1, 2] : vector<1x64x128xf32> to vector<1xf32>
    %reduce_max3A_162 = vector.shape_cast %reduce_max3A_161 : vector<1xf32> to vector<1x1x1xf32>
    %reduce_max3A_163 = vector.extract %reduce_max3A_162[0, 0, 0] : f32 from vector<1x1x1xf32>
    %eq3A_164 = vector.broadcast %reduce_max3A_163 : f32 to vector<64x128xf32>
    %eq3A_165 = arith.cmpf oeq, %select_n3A_158, %eq3A_164 : vector<64x128xf32>
    %jit3A_166 = arith.constant 1073741824 : i32
    %broadcast_in_dim3A_167 = vector.broadcast %jit3A_166 : i32 to vector<64x128xi32>
    %select_n3A_168 = arith.select %eq3A_165, %add3A, %broadcast_in_dim3A_167 : vector<64x128xi1>, vector<64x128xi32>
    %reduce_min3A_169 = vector.shape_cast %select_n3A_168 : vector<64x128xi32> to vector<1x64x128xi32>
    %reduce_min3A_170 = arith.constant dense<2147483647> : vector<1xi32>
    %reduce_min3A_171 = vector.multi_reduction <minsi>, %reduce_min3A_169, %reduce_min3A_170 [1, 2] : vector<1x64x128xi32> to vector<1xi32>
    %reduce_min3A_172 = vector.shape_cast %reduce_min3A_171 : vector<1xi32> to vector<1x1x1xi32>
    %reduce_min3A_173 = vector.extract %reduce_min3A_172[0, 0, 0] : i32 from vector<1x1x1xi32>
    %eq3A_174 = vector.broadcast %reduce_min3A_173 : i32 to vector<64x128xi32>
    %eq3A_175 = arith.cmpi eq, %add3A, %eq3A_174 : vector<64x128xi32>
    %jit3A_176 = arith.constant 0xFF800000 : f32
    %broadcast_in_dim3A_177 = vector.broadcast %jit3A_176 : f32 to vector<64x128xf32>
    %select_n3A_178 = arith.select %eq3A_175, %broadcast_in_dim3A_177, %select_n3A_158 : vector<64x128xi1>, vector<64x128xf32>
    %reduce_max3A_179 = vector.shape_cast %select_n3A_178 : vector<64x128xf32> to vector<1x64x128xf32>
    %reduce_max3A_180 = arith.constant dense<0xFF800000> : vector<1xf32>
    %reduce_max3A_181 = vector.multi_reduction <maximumf>, %reduce_max3A_179, %reduce_max3A_180 [1, 2] : vector<1x64x128xf32> to vector<1xf32>
    %reduce_max3A_182 = vector.shape_cast %reduce_max3A_181 : vector<1xf32> to vector<1x1x1xf32>
    %reduce_max3A_183 = vector.extract %reduce_max3A_182[0, 0, 0] : f32 from vector<1x1x1xf32>
    %eq3A_184 = vector.broadcast %reduce_max3A_183 : f32 to vector<64x128xf32>
    %eq3A_185 = arith.cmpf oeq, %select_n3A_178, %eq3A_184 : vector<64x128xf32>
    %jit3A_186 = arith.constant 1073741824 : i32
    %broadcast_in_dim3A_187 = vector.broadcast %jit3A_186 : i32 to vector<64x128xi32>
    %select_n3A_188 = arith.select %eq3A_185, %add3A, %broadcast_in_dim3A_187 : vector<64x128xi1>, vector<64x128xi32>
    %reduce_min3A_189 = vector.shape_cast %select_n3A_188 : vector<64x128xi32> to vector<1x64x128xi32>
    %reduce_min3A_190 = arith.constant dense<2147483647> : vector<1xi32>
    %reduce_min3A_191 = vector.multi_reduction <minsi>, %reduce_min3A_189, %reduce_min3A_190 [1, 2] : vector<1x64x128xi32> to vector<1xi32>
    %reduce_min3A_192 = vector.shape_cast %reduce_min3A_191 : vector<1xi32> to vector<1x1x1xi32>
    %reduce_min3A_193 = vector.extract %reduce_min3A_192[0, 0, 0] : i32 from vector<1x1x1xi32>
    %eq3A_194 = vector.broadcast %reduce_min3A_193 : i32 to vector<64x128xi32>
    %eq3A_195 = arith.cmpi eq, %add3A, %eq3A_194 : vector<64x128xi32>
    %jit3A_196 = arith.constant 0xFF800000 : f32
    %broadcast_in_dim3A_197 = vector.broadcast %jit3A_196 : f32 to vector<64x128xf32>
    %select_n3A_198 = arith.select %eq3A_195, %broadcast_in_dim3A_197, %select_n3A_178 : vector<64x128xi1>, vector<64x128xf32>
    %reduce_max3A_199 = vector.shape_cast %select_n3A_198 : vector<64x128xf32> to vector<1x64x128xf32>
    %reduce_max3A_200 = arith.constant dense<0xFF800000> : vector<1xf32>
    %reduce_max3A_201 = vector.multi_reduction <maximumf>, %reduce_max3A_199, %reduce_max3A_200 [1, 2] : vector<1x64x128xf32> to vector<1xf32>
    %reduce_max3A_202 = vector.shape_cast %reduce_max3A_201 : vector<1xf32> to vector<1x1x1xf32>
    %reduce_max3A_203 = vector.extract %reduce_max3A_202[0, 0, 0] : f32 from vector<1x1x1xf32>
    %eq3A_204 = vector.broadcast %reduce_max3A_203 : f32 to vector<64x128xf32>
    %eq3A_205 = arith.cmpf oeq, %select_n3A_198, %eq3A_204 : vector<64x128xf32>
    %jit3A_206 = arith.constant 1073741824 : i32
    %broadcast_in_dim3A_207 = vector.broadcast %jit3A_206 : i32 to vector<64x128xi32>
    %select_n3A_208 = arith.select %eq3A_205, %add3A, %broadcast_in_dim3A_207 : vector<64x128xi1>, vector<64x128xi32>
    %reduce_min3A_209 = vector.shape_cast %select_n3A_208 : vector<64x128xi32> to vector<1x64x128xi32>
    %reduce_min3A_210 = arith.constant dense<2147483647> : vector<1xi32>
    %reduce_min3A_211 = vector.multi_reduction <minsi>, %reduce_min3A_209, %reduce_min3A_210 [1, 2] : vector<1x64x128xi32> to vector<1xi32>
    %reduce_min3A_212 = vector.shape_cast %reduce_min3A_211 : vector<1xi32> to vector<1x1x1xi32>
    %reduce_min3A_213 = vector.extract %reduce_min3A_212[0, 0, 0] : i32 from vector<1x1x1xi32>
    %eq3A_214 = vector.broadcast %reduce_min3A_213 : i32 to vector<64x128xi32>
    %eq3A_215 = arith.cmpi eq, %add3A, %eq3A_214 : vector<64x128xi32>
    %jit3A_216 = arith.constant 0xFF800000 : f32
    %broadcast_in_dim3A_217 = vector.broadcast %jit3A_216 : f32 to vector<64x128xf32>
    %select_n3A_218 = arith.select %eq3A_215, %broadcast_in_dim3A_217, %select_n3A_198 : vector<64x128xi1>, vector<64x128xf32>
    %reduce_max3A_219 = vector.shape_cast %select_n3A_218 : vector<64x128xf32> to vector<1x64x128xf32>
    %reduce_max3A_220 = arith.constant dense<0xFF800000> : vector<1xf32>
    %reduce_max3A_221 = vector.multi_reduction <maximumf>, %reduce_max3A_219, %reduce_max3A_220 [1, 2] : vector<1x64x128xf32> to vector<1xf32>
    %reduce_max3A_222 = vector.shape_cast %reduce_max3A_221 : vector<1xf32> to vector<1x1x1xf32>
    %reduce_max3A_223 = vector.extract %reduce_max3A_222[0, 0, 0] : f32 from vector<1x1x1xf32>
    %eq3A_224 = vector.broadcast %reduce_max3A_223 : f32 to vector<64x128xf32>
    %eq3A_225 = arith.cmpf oeq, %select_n3A_218, %eq3A_224 : vector<64x128xf32>
    %jit3A_226 = arith.constant 1073741824 : i32
    %broadcast_in_dim3A_227 = vector.broadcast %jit3A_226 : i32 to vector<64x128xi32>
    %select_n3A_228 = arith.select %eq3A_225, %add3A, %broadcast_in_dim3A_227 : vector<64x128xi1>, vector<64x128xi32>
    %reduce_min3A_229 = vector.shape_cast %select_n3A_228 : vector<64x128xi32> to vector<1x64x128xi32>
    %reduce_min3A_230 = arith.constant dense<2147483647> : vector<1xi32>
    %reduce_min3A_231 = vector.multi_reduction <minsi>, %reduce_min3A_229, %reduce_min3A_230 [1, 2] : vector<1x64x128xi32> to vector<1xi32>
    %reduce_min3A_232 = vector.shape_cast %reduce_min3A_231 : vector<1xi32> to vector<1x1x1xi32>
    %reduce_min3A_233 = vector.extract %reduce_min3A_232[0, 0, 0] : i32 from vector<1x1x1xi32>
    %eq3A_234 = vector.broadcast %reduce_min3A_233 : i32 to vector<64x128xi32>
    %eq3A_235 = arith.cmpi eq, %add3A, %eq3A_234 : vector<64x128xi32>
    %jit3A_236 = arith.constant 0xFF800000 : f32
    %broadcast_in_dim3A_237 = vector.broadcast %jit3A_236 : f32 to vector<64x128xf32>
    %select_n3A_238 = arith.select %eq3A_235, %broadcast_in_dim3A_237, %select_n3A_218 : vector<64x128xi1>, vector<64x128xf32>
    %reduce_max3A_239 = vector.shape_cast %select_n3A_238 : vector<64x128xf32> to vector<1x64x128xf32>
    %reduce_max3A_240 = arith.constant dense<0xFF800000> : vector<1xf32>
    %reduce_max3A_241 = vector.multi_reduction <maximumf>, %reduce_max3A_239, %reduce_max3A_240 [1, 2] : vector<1x64x128xf32> to vector<1xf32>
    %reduce_max3A_242 = vector.shape_cast %reduce_max3A_241 : vector<1xf32> to vector<1x1x1xf32>
    %reduce_max3A_243 = vector.extract %reduce_max3A_242[0, 0, 0] : f32 from vector<1x1x1xf32>
    %eq3A_244 = vector.broadcast %reduce_max3A_243 : f32 to vector<64x128xf32>
    %eq3A_245 = arith.cmpf oeq, %select_n3A_238, %eq3A_244 : vector<64x128xf32>
    %jit3A_246 = arith.constant 1073741824 : i32
    %broadcast_in_dim3A_247 = vector.broadcast %jit3A_246 : i32 to vector<64x128xi32>
    %select_n3A_248 = arith.select %eq3A_245, %add3A, %broadcast_in_dim3A_247 : vector<64x128xi1>, vector<64x128xi32>
    %reduce_min3A_249 = vector.shape_cast %select_n3A_248 : vector<64x128xi32> to vector<1x64x128xi32>
    %reduce_min3A_250 = arith.constant dense<2147483647> : vector<1xi32>
    %reduce_min3A_251 = vector.multi_reduction <minsi>, %reduce_min3A_249, %reduce_min3A_250 [1, 2] : vector<1x64x128xi32> to vector<1xi32>
    %reduce_min3A_252 = vector.shape_cast %reduce_min3A_251 : vector<1xi32> to vector<1x1x1xi32>
    %reduce_min3A_253 = vector.extract %reduce_min3A_252[0, 0, 0] : i32 from vector<1x1x1xi32>
    %eq3A_254 = vector.broadcast %reduce_min3A_253 : i32 to vector<64x128xi32>
    %eq3A_255 = arith.cmpi eq, %add3A, %eq3A_254 : vector<64x128xi32>
    %jit3A_256 = arith.constant 0xFF800000 : f32
    %broadcast_in_dim3A_257 = vector.broadcast %jit3A_256 : f32 to vector<64x128xf32>
    %select_n3A_258 = arith.select %eq3A_255, %broadcast_in_dim3A_257, %select_n3A_238 : vector<64x128xi1>, vector<64x128xf32>
    %reduce_max3A_259 = vector.shape_cast %select_n3A_258 : vector<64x128xf32> to vector<1x64x128xf32>
    %reduce_max3A_260 = arith.constant dense<0xFF800000> : vector<1xf32>
    %reduce_max3A_261 = vector.multi_reduction <maximumf>, %reduce_max3A_259, %reduce_max3A_260 [1, 2] : vector<1x64x128xf32> to vector<1xf32>
    %reduce_max3A_262 = vector.shape_cast %reduce_max3A_261 : vector<1xf32> to vector<1x1x1xf32>
    %reduce_max3A_263 = vector.extract %reduce_max3A_262[0, 0, 0] : f32 from vector<1x1x1xf32>
    %eq3A_264 = vector.broadcast %reduce_max3A_263 : f32 to vector<64x128xf32>
    %eq3A_265 = arith.cmpf oeq, %select_n3A_258, %eq3A_264 : vector<64x128xf32>
    %jit3A_266 = arith.constant 1073741824 : i32
    %broadcast_in_dim3A_267 = vector.broadcast %jit3A_266 : i32 to vector<64x128xi32>
    %select_n3A_268 = arith.select %eq3A_265, %add3A, %broadcast_in_dim3A_267 : vector<64x128xi1>, vector<64x128xi32>
    %reduce_min3A_269 = vector.shape_cast %select_n3A_268 : vector<64x128xi32> to vector<1x64x128xi32>
    %reduce_min3A_270 = arith.constant dense<2147483647> : vector<1xi32>
    %reduce_min3A_271 = vector.multi_reduction <minsi>, %reduce_min3A_269, %reduce_min3A_270 [1, 2] : vector<1x64x128xi32> to vector<1xi32>
    %reduce_min3A_272 = vector.shape_cast %reduce_min3A_271 : vector<1xi32> to vector<1x1x1xi32>
    %reduce_min3A_273 = vector.extract %reduce_min3A_272[0, 0, 0] : i32 from vector<1x1x1xi32>
    %eq3A_274 = vector.broadcast %reduce_min3A_273 : i32 to vector<64x128xi32>
    %eq3A_275 = arith.cmpi eq, %add3A, %eq3A_274 : vector<64x128xi32>
    %jit3A_276 = arith.constant 0xFF800000 : f32
    %broadcast_in_dim3A_277 = vector.broadcast %jit3A_276 : f32 to vector<64x128xf32>
    %select_n3A_278 = arith.select %eq3A_275, %broadcast_in_dim3A_277, %select_n3A_258 : vector<64x128xi1>, vector<64x128xf32>
    %reduce_max3A_279 = vector.shape_cast %select_n3A_278 : vector<64x128xf32> to vector<1x64x128xf32>
    %reduce_max3A_280 = arith.constant dense<0xFF800000> : vector<1xf32>
    %reduce_max3A_281 = vector.multi_reduction <maximumf>, %reduce_max3A_279, %reduce_max3A_280 [1, 2] : vector<1x64x128xf32> to vector<1xf32>
    %reduce_max3A_282 = vector.shape_cast %reduce_max3A_281 : vector<1xf32> to vector<1x1x1xf32>
    %reduce_max3A_283 = vector.extract %reduce_max3A_282[0, 0, 0] : f32 from vector<1x1x1xf32>
    %eq3A_284 = vector.broadcast %reduce_max3A_283 : f32 to vector<64x128xf32>
    %eq3A_285 = arith.cmpf oeq, %select_n3A_278, %eq3A_284 : vector<64x128xf32>
    %jit3A_286 = arith.constant 1073741824 : i32
    %broadcast_in_dim3A_287 = vector.broadcast %jit3A_286 : i32 to vector<64x128xi32>
    %select_n3A_288 = arith.select %eq3A_285, %add3A, %broadcast_in_dim3A_287 : vector<64x128xi1>, vector<64x128xi32>
    %reduce_min3A_289 = vector.shape_cast %select_n3A_288 : vector<64x128xi32> to vector<1x64x128xi32>
    %reduce_min3A_290 = arith.constant dense<2147483647> : vector<1xi32>
    %reduce_min3A_291 = vector.multi_reduction <minsi>, %reduce_min3A_289, %reduce_min3A_290 [1, 2] : vector<1x64x128xi32> to vector<1xi32>
    %reduce_min3A_292 = vector.shape_cast %reduce_min3A_291 : vector<1xi32> to vector<1x1x1xi32>
    %reduce_min3A_293 = vector.extract %reduce_min3A_292[0, 0, 0] : i32 from vector<1x1x1xi32>
    %eq3A_294 = vector.broadcast %reduce_min3A_293 : i32 to vector<64x128xi32>
    %eq3A_295 = arith.cmpi eq, %add3A, %eq3A_294 : vector<64x128xi32>
    %jit3A_296 = arith.constant 0xFF800000 : f32
    %broadcast_in_dim3A_297 = vector.broadcast %jit3A_296 : f32 to vector<64x128xf32>
    %select_n3A_298 = arith.select %eq3A_295, %broadcast_in_dim3A_297, %select_n3A_278 : vector<64x128xi1>, vector<64x128xf32>
    %reduce_max3A_299 = vector.shape_cast %select_n3A_298 : vector<64x128xf32> to vector<1x64x128xf32>
    %reduce_max3A_300 = arith.constant dense<0xFF800000> : vector<1xf32>
    %reduce_max3A_301 = vector.multi_reduction <maximumf>, %reduce_max3A_299, %reduce_max3A_300 [1, 2] : vector<1x64x128xf32> to vector<1xf32>
    %reduce_max3A_302 = vector.shape_cast %reduce_max3A_301 : vector<1xf32> to vector<1x1x1xf32>
    %reduce_max3A_303 = vector.extract %reduce_max3A_302[0, 0, 0] : f32 from vector<1x1x1xf32>
    %eq3A_304 = vector.broadcast %reduce_max3A_303 : f32 to vector<64x128xf32>
    %eq3A_305 = arith.cmpf oeq, %select_n3A_298, %eq3A_304 : vector<64x128xf32>
    %jit3A_306 = arith.constant 1073741824 : i32
    %broadcast_in_dim3A_307 = vector.broadcast %jit3A_306 : i32 to vector<64x128xi32>
    %select_n3A_308 = arith.select %eq3A_305, %add3A, %broadcast_in_dim3A_307 : vector<64x128xi1>, vector<64x128xi32>
    %reduce_min3A_309 = vector.shape_cast %select_n3A_308 : vector<64x128xi32> to vector<1x64x128xi32>
    %reduce_min3A_310 = arith.constant dense<2147483647> : vector<1xi32>
    %reduce_min3A_311 = vector.multi_reduction <minsi>, %reduce_min3A_309, %reduce_min3A_310 [1, 2] : vector<1x64x128xi32> to vector<1xi32>
    %reduce_min3A_312 = vector.shape_cast %reduce_min3A_311 : vector<1xi32> to vector<1x1x1xi32>
    %reduce_min3A_313 = vector.extract %reduce_min3A_312[0, 0, 0] : i32 from vector<1x1x1xi32>
    %eq3A_314 = vector.broadcast %reduce_min3A_313 : i32 to vector<64x128xi32>
    %eq3A_315 = arith.cmpi eq, %add3A, %eq3A_314 : vector<64x128xi32>
    %jit3A_316 = arith.constant 0xFF800000 : f32
    %broadcast_in_dim3A_317 = vector.broadcast %jit3A_316 : f32 to vector<64x128xf32>
    %select_n3A_318 = arith.select %eq3A_315, %broadcast_in_dim3A_317, %select_n3A_298 : vector<64x128xi1>, vector<64x128xf32>
    %reduce_max3A_319 = vector.shape_cast %select_n3A_318 : vector<64x128xf32> to vector<1x64x128xf32>
    %reduce_max3A_320 = arith.constant dense<0xFF800000> : vector<1xf32>
    %reduce_max3A_321 = vector.multi_reduction <maximumf>, %reduce_max3A_319, %reduce_max3A_320 [1, 2] : vector<1x64x128xf32> to vector<1xf32>
    %reduce_max3A_322 = vector.shape_cast %reduce_max3A_321 : vector<1xf32> to vector<1x1x1xf32>
    %reduce_max3A_323 = vector.extract %reduce_max3A_322[0, 0, 0] : f32 from vector<1x1x1xf32>
    %eq3A_324 = vector.broadcast %reduce_max3A_323 : f32 to vector<64x128xf32>
    %eq3A_325 = arith.cmpf oeq, %select_n3A_318, %eq3A_324 : vector<64x128xf32>
    %jit3A_326 = arith.constant 1073741824 : i32
    %broadcast_in_dim3A_327 = vector.broadcast %jit3A_326 : i32 to vector<64x128xi32>
    %select_n3A_328 = arith.select %eq3A_325, %add3A, %broadcast_in_dim3A_327 : vector<64x128xi1>, vector<64x128xi32>
    %reduce_min3A_329 = vector.shape_cast %select_n3A_328 : vector<64x128xi32> to vector<1x64x128xi32>
    %reduce_min3A_330 = arith.constant dense<2147483647> : vector<1xi32>
    %reduce_min3A_331 = vector.multi_reduction <minsi>, %reduce_min3A_329, %reduce_min3A_330 [1, 2] : vector<1x64x128xi32> to vector<1xi32>
    %reduce_min3A_332 = vector.shape_cast %reduce_min3A_331 : vector<1xi32> to vector<1x1x1xi32>
    %reduce_min3A_333 = vector.extract %reduce_min3A_332[0, 0, 0] : i32 from vector<1x1x1xi32>
    %eq3A_334 = vector.broadcast %reduce_min3A_333 : i32 to vector<64x128xi32>
    %eq3A_335 = arith.cmpi eq, %add3A, %eq3A_334 : vector<64x128xi32>
    %jit3A_336 = arith.constant 0xFF800000 : f32
    %broadcast_in_dim3A_337 = vector.broadcast %jit3A_336 : f32 to vector<64x128xf32>
    %select_n3A_338 = arith.select %eq3A_335, %broadcast_in_dim3A_337, %select_n3A_318 : vector<64x128xi1>, vector<64x128xf32>
    %reduce_max3A_339 = vector.shape_cast %select_n3A_338 : vector<64x128xf32> to vector<1x64x128xf32>
    %reduce_max3A_340 = arith.constant dense<0xFF800000> : vector<1xf32>
    %reduce_max3A_341 = vector.multi_reduction <maximumf>, %reduce_max3A_339, %reduce_max3A_340 [1, 2] : vector<1x64x128xf32> to vector<1xf32>
    %reduce_max3A_342 = vector.shape_cast %reduce_max3A_341 : vector<1xf32> to vector<1x1x1xf32>
    %reduce_max3A_343 = vector.extract %reduce_max3A_342[0, 0, 0] : f32 from vector<1x1x1xf32>
    %eq3A_344 = vector.broadcast %reduce_max3A_343 : f32 to vector<64x128xf32>
    %eq3A_345 = arith.cmpf oeq, %select_n3A_338, %eq3A_344 : vector<64x128xf32>
    %jit3A_346 = arith.constant 1073741824 : i32
    %broadcast_in_dim3A_347 = vector.broadcast %jit3A_346 : i32 to vector<64x128xi32>
    %select_n3A_348 = arith.select %eq3A_345, %add3A, %broadcast_in_dim3A_347 : vector<64x128xi1>, vector<64x128xi32>
    %reduce_min3A_349 = vector.shape_cast %select_n3A_348 : vector<64x128xi32> to vector<1x64x128xi32>
    %reduce_min3A_350 = arith.constant dense<2147483647> : vector<1xi32>
    %reduce_min3A_351 = vector.multi_reduction <minsi>, %reduce_min3A_349, %reduce_min3A_350 [1, 2] : vector<1x64x128xi32> to vector<1xi32>
    %reduce_min3A_352 = vector.shape_cast %reduce_min3A_351 : vector<1xi32> to vector<1x1x1xi32>
    %reduce_min3A_353 = vector.extract %reduce_min3A_352[0, 0, 0] : i32 from vector<1x1x1xi32>
    %eq3A_354 = vector.broadcast %reduce_min3A_353 : i32 to vector<64x128xi32>
    %eq3A_355 = arith.cmpi eq, %add3A, %eq3A_354 : vector<64x128xi32>
    %jit3A_356 = arith.constant 0xFF800000 : f32
    %broadcast_in_dim3A_357 = vector.broadcast %jit3A_356 : f32 to vector<64x128xf32>
    %select_n3A_358 = arith.select %eq3A_355, %broadcast_in_dim3A_357, %select_n3A_338 : vector<64x128xi1>, vector<64x128xf32>
    %reduce_max3A_359 = vector.shape_cast %select_n3A_358 : vector<64x128xf32> to vector<1x64x128xf32>
    %reduce_max3A_360 = arith.constant dense<0xFF800000> : vector<1xf32>
    %reduce_max3A_361 = vector.multi_reduction <maximumf>, %reduce_max3A_359, %reduce_max3A_360 [1, 2] : vector<1x64x128xf32> to vector<1xf32>
    %reduce_max3A_362 = vector.shape_cast %reduce_max3A_361 : vector<1xf32> to vector<1x1x1xf32>
    %reduce_max3A_363 = vector.extract %reduce_max3A_362[0, 0, 0] : f32 from vector<1x1x1xf32>
    %eq3A_364 = vector.broadcast %reduce_max3A_363 : f32 to vector<64x128xf32>
    %eq3A_365 = arith.cmpf oeq, %select_n3A_358, %eq3A_364 : vector<64x128xf32>
    %jit3A_366 = arith.constant 1073741824 : i32
    %broadcast_in_dim3A_367 = vector.broadcast %jit3A_366 : i32 to vector<64x128xi32>
    %select_n3A_368 = arith.select %eq3A_365, %add3A, %broadcast_in_dim3A_367 : vector<64x128xi1>, vector<64x128xi32>
    %reduce_min3A_369 = vector.shape_cast %select_n3A_368 : vector<64x128xi32> to vector<1x64x128xi32>
    %reduce_min3A_370 = arith.constant dense<2147483647> : vector<1xi32>
    %reduce_min3A_371 = vector.multi_reduction <minsi>, %reduce_min3A_369, %reduce_min3A_370 [1, 2] : vector<1x64x128xi32> to vector<1xi32>
    %reduce_min3A_372 = vector.shape_cast %reduce_min3A_371 : vector<1xi32> to vector<1x1x1xi32>
    %reduce_min3A_373 = vector.extract %reduce_min3A_372[0, 0, 0] : i32 from vector<1x1x1xi32>
    %eq3A_374 = vector.broadcast %reduce_min3A_373 : i32 to vector<64x128xi32>
    %eq3A_375 = arith.cmpi eq, %add3A, %eq3A_374 : vector<64x128xi32>
    %jit3A_376 = arith.constant 0xFF800000 : f32
    %broadcast_in_dim3A_377 = vector.broadcast %jit3A_376 : f32 to vector<64x128xf32>
    %select_n3A_378 = arith.select %eq3A_375, %broadcast_in_dim3A_377, %select_n3A_358 : vector<64x128xi1>, vector<64x128xf32>
    %reduce_max3A_379 = vector.shape_cast %select_n3A_378 : vector<64x128xf32> to vector<1x64x128xf32>
    %reduce_max3A_380 = arith.constant dense<0xFF800000> : vector<1xf32>
    %reduce_max3A_381 = vector.multi_reduction <maximumf>, %reduce_max3A_379, %reduce_max3A_380 [1, 2] : vector<1x64x128xf32> to vector<1xf32>
    %reduce_max3A_382 = vector.shape_cast %reduce_max3A_381 : vector<1xf32> to vector<1x1x1xf32>
    %reduce_max3A_383 = vector.extract %reduce_max3A_382[0, 0, 0] : f32 from vector<1x1x1xf32>
    %eq3A_384 = vector.broadcast %reduce_max3A_383 : f32 to vector<64x128xf32>
    %eq3A_385 = arith.cmpf oeq, %select_n3A_378, %eq3A_384 : vector<64x128xf32>
    %jit3A_386 = arith.constant 1073741824 : i32
    %broadcast_in_dim3A_387 = vector.broadcast %jit3A_386 : i32 to vector<64x128xi32>
    %select_n3A_388 = arith.select %eq3A_385, %add3A, %broadcast_in_dim3A_387 : vector<64x128xi1>, vector<64x128xi32>
    %reduce_min3A_389 = vector.shape_cast %select_n3A_388 : vector<64x128xi32> to vector<1x64x128xi32>
    %reduce_min3A_390 = arith.constant dense<2147483647> : vector<1xi32>
    %reduce_min3A_391 = vector.multi_reduction <minsi>, %reduce_min3A_389, %reduce_min3A_390 [1, 2] : vector<1x64x128xi32> to vector<1xi32>
    %reduce_min3A_392 = vector.shape_cast %reduce_min3A_391 : vector<1xi32> to vector<1x1x1xi32>
    %reduce_min3A_393 = vector.extract %reduce_min3A_392[0, 0, 0] : i32 from vector<1x1x1xi32>
    %iota3A_394 = tpu.iota {dimensions = array<i32: 1>} : vector<1x128xi32>
    %broadcast_in_dim3A_395 = arith.constant 0.000000e+00 : f32
    %broadcast_in_dim3A_396 = vector.broadcast %broadcast_in_dim3A_395 : f32 to vector<1x128xf32>
    %broadcast_in_dim3A_397 = arith.constant 0 : i32
    %broadcast_in_dim3A_398 = vector.broadcast %broadcast_in_dim3A_397 : i32 to vector<1x128xi32>
    %eq3A_399 = arith.constant 0 : i32
    %eq3A_400 = vector.broadcast %eq3A_399 : i32 to vector<1x128xi32>
    %eq3A_401 = arith.cmpi eq, %iota3A_394, %eq3A_400 : vector<1x128xi32>
    %broadcast_in_dim3A_402 = vector.broadcast %reduce_max3A_8 : f32 to vector<1x128xf32>
    %select_n3A_403 = arith.select %eq3A_401, %broadcast_in_dim3A_402, %broadcast_in_dim3A_396 : vector<1x128xi1>, vector<1x128xf32>
    %eq3A_404 = arith.constant 0 : i32
    %eq3A_405 = vector.broadcast %eq3A_404 : i32 to vector<1x128xi32>
    %eq3A_406 = arith.cmpi eq, %iota3A_394, %eq3A_405 : vector<1x128xi32>
    %broadcast_in_dim3A_407 = vector.broadcast %reduce_min3A_13 : i32 to vector<1x128xi32>
    %select_n3A_408 = arith.select %eq3A_406, %broadcast_in_dim3A_407, %broadcast_in_dim3A_398 : vector<1x128xi1>, vector<1x128xi32>
    %eq3A_409 = arith.constant 1 : i32
    %eq3A_410 = vector.broadcast %eq3A_409 : i32 to vector<1x128xi32>
    %eq3A_411 = arith.cmpi eq, %iota3A_394, %eq3A_410 : vector<1x128xi32>
    %broadcast_in_dim3A_412 = vector.broadcast %reduce_max3A_23 : f32 to vector<1x128xf32>
    %select_n3A_413 = arith.select %eq3A_411, %broadcast_in_dim3A_412, %select_n3A_403 : vector<1x128xi1>, vector<1x128xf32>
    %eq3A_414 = arith.constant 1 : i32
    %eq3A_415 = vector.broadcast %eq3A_414 : i32 to vector<1x128xi32>
    %eq3A_416 = arith.cmpi eq, %iota3A_394, %eq3A_415 : vector<1x128xi32>
    %broadcast_in_dim3A_417 = vector.broadcast %reduce_min3A_33 : i32 to vector<1x128xi32>
    %select_n3A_418 = arith.select %eq3A_416, %broadcast_in_dim3A_417, %select_n3A_408 : vector<1x128xi1>, vector<1x128xi32>
    %eq3A_419 = arith.constant 2 : i32
    %eq3A_420 = vector.broadcast %eq3A_419 : i32 to vector<1x128xi32>
    %eq3A_421 = arith.cmpi eq, %iota3A_394, %eq3A_420 : vector<1x128xi32>
    %broadcast_in_dim3A_422 = vector.broadcast %reduce_max3A_43 : f32 to vector<1x128xf32>
    %select_n3A_423 = arith.select %eq3A_421, %broadcast_in_dim3A_422, %select_n3A_413 : vector<1x128xi1>, vector<1x128xf32>
    %eq3A_424 = arith.constant 2 : i32
    %eq3A_425 = vector.broadcast %eq3A_424 : i32 to vector<1x128xi32>
    %eq3A_426 = arith.cmpi eq, %iota3A_394, %eq3A_425 : vector<1x128xi32>
    %broadcast_in_dim3A_427 = vector.broadcast %reduce_min3A_53 : i32 to vector<1x128xi32>
    %select_n3A_428 = arith.select %eq3A_426, %broadcast_in_dim3A_427, %select_n3A_418 : vector<1x128xi1>, vector<1x128xi32>
    %eq3A_429 = arith.constant 3 : i32
    %eq3A_430 = vector.broadcast %eq3A_429 : i32 to vector<1x128xi32>
    %eq3A_431 = arith.cmpi eq, %iota3A_394, %eq3A_430 : vector<1x128xi32>
    %broadcast_in_dim3A_432 = vector.broadcast %reduce_max3A_63 : f32 to vector<1x128xf32>
    %select_n3A_433 = arith.select %eq3A_431, %broadcast_in_dim3A_432, %select_n3A_423 : vector<1x128xi1>, vector<1x128xf32>
    %eq3A_434 = arith.constant 3 : i32
    %eq3A_435 = vector.broadcast %eq3A_434 : i32 to vector<1x128xi32>
    %eq3A_436 = arith.cmpi eq, %iota3A_394, %eq3A_435 : vector<1x128xi32>
    %broadcast_in_dim3A_437 = vector.broadcast %reduce_min3A_73 : i32 to vector<1x128xi32>
    %select_n3A_438 = arith.select %eq3A_436, %broadcast_in_dim3A_437, %select_n3A_428 : vector<1x128xi1>, vector<1x128xi32>
    %eq3A_439 = arith.constant 4 : i32
    %eq3A_440 = vector.broadcast %eq3A_439 : i32 to vector<1x128xi32>
    %eq3A_441 = arith.cmpi eq, %iota3A_394, %eq3A_440 : vector<1x128xi32>
    %broadcast_in_dim3A_442 = vector.broadcast %reduce_max3A_83 : f32 to vector<1x128xf32>
    %select_n3A_443 = arith.select %eq3A_441, %broadcast_in_dim3A_442, %select_n3A_433 : vector<1x128xi1>, vector<1x128xf32>
    %eq3A_444 = arith.constant 4 : i32
    %eq3A_445 = vector.broadcast %eq3A_444 : i32 to vector<1x128xi32>
    %eq3A_446 = arith.cmpi eq, %iota3A_394, %eq3A_445 : vector<1x128xi32>
    %broadcast_in_dim3A_447 = vector.broadcast %reduce_min3A_93 : i32 to vector<1x128xi32>
    %select_n3A_448 = arith.select %eq3A_446, %broadcast_in_dim3A_447, %select_n3A_438 : vector<1x128xi1>, vector<1x128xi32>
    %eq3A_449 = arith.constant 5 : i32
    %eq3A_450 = vector.broadcast %eq3A_449 : i32 to vector<1x128xi32>
    %eq3A_451 = arith.cmpi eq, %iota3A_394, %eq3A_450 : vector<1x128xi32>
    %broadcast_in_dim3A_452 = vector.broadcast %reduce_max3A_103 : f32 to vector<1x128xf32>
    %select_n3A_453 = arith.select %eq3A_451, %broadcast_in_dim3A_452, %select_n3A_443 : vector<1x128xi1>, vector<1x128xf32>
    %eq3A_454 = arith.constant 5 : i32
    %eq3A_455 = vector.broadcast %eq3A_454 : i32 to vector<1x128xi32>
    %eq3A_456 = arith.cmpi eq, %iota3A_394, %eq3A_455 : vector<1x128xi32>
    %broadcast_in_dim3A_457 = vector.broadcast %reduce_min3A_113 : i32 to vector<1x128xi32>
    %select_n3A_458 = arith.select %eq3A_456, %broadcast_in_dim3A_457, %select_n3A_448 : vector<1x128xi1>, vector<1x128xi32>
    %eq3A_459 = arith.constant 6 : i32
    %eq3A_460 = vector.broadcast %eq3A_459 : i32 to vector<1x128xi32>
    %eq3A_461 = arith.cmpi eq, %iota3A_394, %eq3A_460 : vector<1x128xi32>
    %broadcast_in_dim3A_462 = vector.broadcast %reduce_max3A_123 : f32 to vector<1x128xf32>
    %select_n3A_463 = arith.select %eq3A_461, %broadcast_in_dim3A_462, %select_n3A_453 : vector<1x128xi1>, vector<1x128xf32>
    %eq3A_464 = arith.constant 6 : i32
    %eq3A_465 = vector.broadcast %eq3A_464 : i32 to vector<1x128xi32>
    %eq3A_466 = arith.cmpi eq, %iota3A_394, %eq3A_465 : vector<1x128xi32>
    %broadcast_in_dim3A_467 = vector.broadcast %reduce_min3A_133 : i32 to vector<1x128xi32>
    %select_n3A_468 = arith.select %eq3A_466, %broadcast_in_dim3A_467, %select_n3A_458 : vector<1x128xi1>, vector<1x128xi32>
    %eq3A_469 = arith.constant 7 : i32
    %eq3A_470 = vector.broadcast %eq3A_469 : i32 to vector<1x128xi32>
    %eq3A_471 = arith.cmpi eq, %iota3A_394, %eq3A_470 : vector<1x128xi32>
    %broadcast_in_dim3A_472 = vector.broadcast %reduce_max3A_143 : f32 to vector<1x128xf32>
    %select_n3A_473 = arith.select %eq3A_471, %broadcast_in_dim3A_472, %select_n3A_463 : vector<1x128xi1>, vector<1x128xf32>
    %eq3A_474 = arith.constant 7 : i32
    %eq3A_475 = vector.broadcast %eq3A_474 : i32 to vector<1x128xi32>
    %eq3A_476 = arith.cmpi eq, %iota3A_394, %eq3A_475 : vector<1x128xi32>
    %broadcast_in_dim3A_477 = vector.broadcast %reduce_min3A_153 : i32 to vector<1x128xi32>
    %select_n3A_478 = arith.select %eq3A_476, %broadcast_in_dim3A_477, %select_n3A_468 : vector<1x128xi1>, vector<1x128xi32>
    %eq3A_479 = arith.constant 8 : i32
    %eq3A_480 = vector.broadcast %eq3A_479 : i32 to vector<1x128xi32>
    %eq3A_481 = arith.cmpi eq, %iota3A_394, %eq3A_480 : vector<1x128xi32>
    %broadcast_in_dim3A_482 = vector.broadcast %reduce_max3A_163 : f32 to vector<1x128xf32>
    %select_n3A_483 = arith.select %eq3A_481, %broadcast_in_dim3A_482, %select_n3A_473 : vector<1x128xi1>, vector<1x128xf32>
    %eq3A_484 = arith.constant 8 : i32
    %eq3A_485 = vector.broadcast %eq3A_484 : i32 to vector<1x128xi32>
    %eq3A_486 = arith.cmpi eq, %iota3A_394, %eq3A_485 : vector<1x128xi32>
    %broadcast_in_dim3A_487 = vector.broadcast %reduce_min3A_173 : i32 to vector<1x128xi32>
    %select_n3A_488 = arith.select %eq3A_486, %broadcast_in_dim3A_487, %select_n3A_478 : vector<1x128xi1>, vector<1x128xi32>
    %eq3A_489 = arith.constant 9 : i32
    %eq3A_490 = vector.broadcast %eq3A_489 : i32 to vector<1x128xi32>
    %eq3A_491 = arith.cmpi eq, %iota3A_394, %eq3A_490 : vector<1x128xi32>
    %broadcast_in_dim3A_492 = vector.broadcast %reduce_max3A_183 : f32 to vector<1x128xf32>
    %select_n3A_493 = arith.select %eq3A_491, %broadcast_in_dim3A_492, %select_n3A_483 : vector<1x128xi1>, vector<1x128xf32>
    %eq3A_494 = arith.constant 9 : i32
    %eq3A_495 = vector.broadcast %eq3A_494 : i32 to vector<1x128xi32>
    %eq3A_496 = arith.cmpi eq, %iota3A_394, %eq3A_495 : vector<1x128xi32>
    %broadcast_in_dim3A_497 = vector.broadcast %reduce_min3A_193 : i32 to vector<1x128xi32>
    %select_n3A_498 = arith.select %eq3A_496, %broadcast_in_dim3A_497, %select_n3A_488 : vector<1x128xi1>, vector<1x128xi32>
    %eq3A_499 = arith.constant 10 : i32
    %eq3A_500 = vector.broadcast %eq3A_499 : i32 to vector<1x128xi32>
    %eq3A_501 = arith.cmpi eq, %iota3A_394, %eq3A_500 : vector<1x128xi32>
    %broadcast_in_dim3A_502 = vector.broadcast %reduce_max3A_203 : f32 to vector<1x128xf32>
    %select_n3A_503 = arith.select %eq3A_501, %broadcast_in_dim3A_502, %select_n3A_493 : vector<1x128xi1>, vector<1x128xf32>
    %eq3A_504 = arith.constant 10 : i32
    %eq3A_505 = vector.broadcast %eq3A_504 : i32 to vector<1x128xi32>
    %eq3A_506 = arith.cmpi eq, %iota3A_394, %eq3A_505 : vector<1x128xi32>
    %broadcast_in_dim3A_507 = vector.broadcast %reduce_min3A_213 : i32 to vector<1x128xi32>
    %select_n3A_508 = arith.select %eq3A_506, %broadcast_in_dim3A_507, %select_n3A_498 : vector<1x128xi1>, vector<1x128xi32>
    %eq3A_509 = arith.constant 11 : i32
    %eq3A_510 = vector.broadcast %eq3A_509 : i32 to vector<1x128xi32>
    %eq3A_511 = arith.cmpi eq, %iota3A_394, %eq3A_510 : vector<1x128xi32>
    %broadcast_in_dim3A_512 = vector.broadcast %reduce_max3A_223 : f32 to vector<1x128xf32>
    %select_n3A_513 = arith.select %eq3A_511, %broadcast_in_dim3A_512, %select_n3A_503 : vector<1x128xi1>, vector<1x128xf32>
    %eq3A_514 = arith.constant 11 : i32
    %eq3A_515 = vector.broadcast %eq3A_514 : i32 to vector<1x128xi32>
    %eq3A_516 = arith.cmpi eq, %iota3A_394, %eq3A_515 : vector<1x128xi32>
    %broadcast_in_dim3A_517 = vector.broadcast %reduce_min3A_233 : i32 to vector<1x128xi32>
    %select_n3A_518 = arith.select %eq3A_516, %broadcast_in_dim3A_517, %select_n3A_508 : vector<1x128xi1>, vector<1x128xi32>
    %eq3A_519 = arith.constant 12 : i32
    %eq3A_520 = vector.broadcast %eq3A_519 : i32 to vector<1x128xi32>
    %eq3A_521 = arith.cmpi eq, %iota3A_394, %eq3A_520 : vector<1x128xi32>
    %broadcast_in_dim3A_522 = vector.broadcast %reduce_max3A_243 : f32 to vector<1x128xf32>
    %select_n3A_523 = arith.select %eq3A_521, %broadcast_in_dim3A_522, %select_n3A_513 : vector<1x128xi1>, vector<1x128xf32>
    %eq3A_524 = arith.constant 12 : i32
    %eq3A_525 = vector.broadcast %eq3A_524 : i32 to vector<1x128xi32>
    %eq3A_526 = arith.cmpi eq, %iota3A_394, %eq3A_525 : vector<1x128xi32>
    %broadcast_in_dim3A_527 = vector.broadcast %reduce_min3A_253 : i32 to vector<1x128xi32>
    %select_n3A_528 = arith.select %eq3A_526, %broadcast_in_dim3A_527, %select_n3A_518 : vector<1x128xi1>, vector<1x128xi32>
    %eq3A_529 = arith.constant 13 : i32
    %eq3A_530 = vector.broadcast %eq3A_529 : i32 to vector<1x128xi32>
    %eq3A_531 = arith.cmpi eq, %iota3A_394, %eq3A_530 : vector<1x128xi32>
    %broadcast_in_dim3A_532 = vector.broadcast %reduce_max3A_263 : f32 to vector<1x128xf32>
    %select_n3A_533 = arith.select %eq3A_531, %broadcast_in_dim3A_532, %select_n3A_523 : vector<1x128xi1>, vector<1x128xf32>
    %eq3A_534 = arith.constant 13 : i32
    %eq3A_535 = vector.broadcast %eq3A_534 : i32 to vector<1x128xi32>
    %eq3A_536 = arith.cmpi eq, %iota3A_394, %eq3A_535 : vector<1x128xi32>
    %broadcast_in_dim3A_537 = vector.broadcast %reduce_min3A_273 : i32 to vector<1x128xi32>
    %select_n3A_538 = arith.select %eq3A_536, %broadcast_in_dim3A_537, %select_n3A_528 : vector<1x128xi1>, vector<1x128xi32>
    %eq3A_539 = arith.constant 14 : i32
    %eq3A_540 = vector.broadcast %eq3A_539 : i32 to vector<1x128xi32>
    %eq3A_541 = arith.cmpi eq, %iota3A_394, %eq3A_540 : vector<1x128xi32>
    %broadcast_in_dim3A_542 = vector.broadcast %reduce_max3A_283 : f32 to vector<1x128xf32>
    %select_n3A_543 = arith.select %eq3A_541, %broadcast_in_dim3A_542, %select_n3A_533 : vector<1x128xi1>, vector<1x128xf32>
    %eq3A_544 = arith.constant 14 : i32
    %eq3A_545 = vector.broadcast %eq3A_544 : i32 to vector<1x128xi32>
    %eq3A_546 = arith.cmpi eq, %iota3A_394, %eq3A_545 : vector<1x128xi32>
    %broadcast_in_dim3A_547 = vector.broadcast %reduce_min3A_293 : i32 to vector<1x128xi32>
    %select_n3A_548 = arith.select %eq3A_546, %broadcast_in_dim3A_547, %select_n3A_538 : vector<1x128xi1>, vector<1x128xi32>
    %eq3A_549 = arith.constant 15 : i32
    %eq3A_550 = vector.broadcast %eq3A_549 : i32 to vector<1x128xi32>
    %eq3A_551 = arith.cmpi eq, %iota3A_394, %eq3A_550 : vector<1x128xi32>
    %broadcast_in_dim3A_552 = vector.broadcast %reduce_max3A_303 : f32 to vector<1x128xf32>
    %select_n3A_553 = arith.select %eq3A_551, %broadcast_in_dim3A_552, %select_n3A_543 : vector<1x128xi1>, vector<1x128xf32>
    %eq3A_554 = arith.constant 15 : i32
    %eq3A_555 = vector.broadcast %eq3A_554 : i32 to vector<1x128xi32>
    %eq3A_556 = arith.cmpi eq, %iota3A_394, %eq3A_555 : vector<1x128xi32>
    %broadcast_in_dim3A_557 = vector.broadcast %reduce_min3A_313 : i32 to vector<1x128xi32>
    %select_n3A_558 = arith.select %eq3A_556, %broadcast_in_dim3A_557, %select_n3A_548 : vector<1x128xi1>, vector<1x128xi32>
    %eq3A_559 = arith.constant 16 : i32
    %eq3A_560 = vector.broadcast %eq3A_559 : i32 to vector<1x128xi32>
    %eq3A_561 = arith.cmpi eq, %iota3A_394, %eq3A_560 : vector<1x128xi32>
    %broadcast_in_dim3A_562 = vector.broadcast %reduce_max3A_323 : f32 to vector<1x128xf32>
    %select_n3A_563 = arith.select %eq3A_561, %broadcast_in_dim3A_562, %select_n3A_553 : vector<1x128xi1>, vector<1x128xf32>
    %eq3A_564 = arith.constant 16 : i32
    %eq3A_565 = vector.broadcast %eq3A_564 : i32 to vector<1x128xi32>
    %eq3A_566 = arith.cmpi eq, %iota3A_394, %eq3A_565 : vector<1x128xi32>
    %broadcast_in_dim3A_567 = vector.broadcast %reduce_min3A_333 : i32 to vector<1x128xi32>
    %select_n3A_568 = arith.select %eq3A_566, %broadcast_in_dim3A_567, %select_n3A_558 : vector<1x128xi1>, vector<1x128xi32>
    %eq3A_569 = arith.constant 17 : i32
    %eq3A_570 = vector.broadcast %eq3A_569 : i32 to vector<1x128xi32>
    %eq3A_571 = arith.cmpi eq, %iota3A_394, %eq3A_570 : vector<1x128xi32>
    %broadcast_in_dim3A_572 = vector.broadcast %reduce_max3A_343 : f32 to vector<1x128xf32>
    %select_n3A_573 = arith.select %eq3A_571, %broadcast_in_dim3A_572, %select_n3A_563 : vector<1x128xi1>, vector<1x128xf32>
    %eq3A_574 = arith.constant 17 : i32
    %eq3A_575 = vector.broadcast %eq3A_574 : i32 to vector<1x128xi32>
    %eq3A_576 = arith.cmpi eq, %iota3A_394, %eq3A_575 : vector<1x128xi32>
    %broadcast_in_dim3A_577 = vector.broadcast %reduce_min3A_353 : i32 to vector<1x128xi32>
    %select_n3A_578 = arith.select %eq3A_576, %broadcast_in_dim3A_577, %select_n3A_568 : vector<1x128xi1>, vector<1x128xi32>
    %eq3A_579 = arith.constant 18 : i32
    %eq3A_580 = vector.broadcast %eq3A_579 : i32 to vector<1x128xi32>
    %eq3A_581 = arith.cmpi eq, %iota3A_394, %eq3A_580 : vector<1x128xi32>
    %broadcast_in_dim3A_582 = vector.broadcast %reduce_max3A_363 : f32 to vector<1x128xf32>
    %select_n3A_583 = arith.select %eq3A_581, %broadcast_in_dim3A_582, %select_n3A_573 : vector<1x128xi1>, vector<1x128xf32>
    %eq3A_584 = arith.constant 18 : i32
    %eq3A_585 = vector.broadcast %eq3A_584 : i32 to vector<1x128xi32>
    %eq3A_586 = arith.cmpi eq, %iota3A_394, %eq3A_585 : vector<1x128xi32>
    %broadcast_in_dim3A_587 = vector.broadcast %reduce_min3A_373 : i32 to vector<1x128xi32>
    %select_n3A_588 = arith.select %eq3A_586, %broadcast_in_dim3A_587, %select_n3A_578 : vector<1x128xi1>, vector<1x128xi32>
    %eq3A_589 = arith.constant 19 : i32
    %eq3A_590 = vector.broadcast %eq3A_589 : i32 to vector<1x128xi32>
    %eq3A_591 = arith.cmpi eq, %iota3A_394, %eq3A_590 : vector<1x128xi32>
    %broadcast_in_dim3A_592 = vector.broadcast %reduce_max3A_383 : f32 to vector<1x128xf32>
    %select_n3A_593 = arith.select %eq3A_591, %broadcast_in_dim3A_592, %select_n3A_583 : vector<1x128xi1>, vector<1x128xf32>
    %eq3A_594 = arith.constant 19 : i32
    %eq3A_595 = vector.broadcast %eq3A_594 : i32 to vector<1x128xi32>
    %eq3A_596 = arith.cmpi eq, %iota3A_394, %eq3A_595 : vector<1x128xi32>
    %broadcast_in_dim3A_597 = vector.broadcast %reduce_min3A_393 : i32 to vector<1x128xi32>
    %select_n3A_598 = arith.select %eq3A_596, %broadcast_in_dim3A_597, %select_n3A_588 : vector<1x128xi1>, vector<1x128xi32>
    %swap3A = arith.constant 0 : index
    %swap3A_599 = arith.constant 0 : index
    %swap3A_600 = vector.load %arg1[%swap3A, %swap3A_599] : memref<1x128xf32, #tpu.memory_space<vmem>>, vector<1x128xf32>
    tpu.vector_store %arg1[%swap3A, %swap3A_599], %select_n3A_593 {strides = array<i32>} : memref<1x128xf32, #tpu.memory_space<vmem>>, vector<1x128xf32>,
    %swap3A_601 = arith.constant 0 : index
    %swap3A_602 = arith.constant 0 : index
    %swap3A_603 = vector.load %arg2[%swap3A_601, %swap3A_602] : memref<1x128xi32, #tpu.memory_space<vmem>>, vector<1x128xi32>
    tpu.vector_store %arg2[%swap3A_601, %swap3A_602], %select_n3A_598 {strides = array<i32>} : memref<1x128xi32, #tpu.memory_space<vmem>>, vector<1x128xi32>,
    return
  }
}

module attributes {stable_mosaic.version = 14 : i64} {
  func.func @_join_body(%arg0: i32, %arg1: memref<20xf32, #tpu.memory_space<smem>>, %arg2: memref<20x128x512xf32, #tpu.memory_space<vmem>>, %arg3: memref<128x512xf32, #tpu.memory_space<vmem>>) attributes {dimension_semantics = [#tpu.dimension_semantics<arbitrary>], iteration_bounds = array<i64: 32>, scalar_prefetch = 0 : i64, scratch_operands = 0 : i64, tpu.core_type = #tpu.core_type<tc>, window_params = [{transform_indices = @transform_0, window_bounds = array<i64: 20>}, {transform_indices = @transform_1, window_bounds = array<i64: 20, 128, 512>}, {transform_indices = @transform_2, window_bounds = array<i64: 128, 512>}]} {
    %get3A = arith.constant 0 : index
    %get3A_0 = arith.constant 0 : index
    %get3A_1 = arith.constant 0 : index
    %get3A_2 = vector.load %arg2[%get3A, %get3A_0, %get3A_1] : memref<20x128x512xf32, #tpu.memory_space<vmem>>, vector<1x128x512xf32>
    %get3A_3 = vector.shape_cast %get3A_2 : vector<1x128x512xf32> to vector<128x512xf32>
    %get3A_4 = arith.constant 0 : index
    %get3A_5 = memref.load %arg1[%get3A_4] : memref<20xf32, #tpu.memory_space<smem>>
    %mul3A = vector.broadcast %get3A_5 : f32 to vector<128x512xf32>
    %mul3A_6 = arith.mulf %get3A_3, %mul3A : vector<128x512xf32>
    %get3A_7 = arith.constant 1 : index
    %get3A_8 = arith.constant 0 : index
    %get3A_9 = arith.constant 0 : index
    %get3A_10 = vector.load %arg2[%get3A_7, %get3A_8, %get3A_9] : memref<20x128x512xf32, #tpu.memory_space<vmem>>, vector<1x128x512xf32>
    %get3A_11 = vector.shape_cast %get3A_10 : vector<1x128x512xf32> to vector<128x512xf32>
    %get3A_12 = arith.constant 1 : index
    %get3A_13 = memref.load %arg1[%get3A_12] : memref<20xf32, #tpu.memory_space<smem>>
    %mul3A_14 = vector.broadcast %get3A_13 : f32 to vector<128x512xf32>
    %mul3A_15 = arith.mulf %get3A_11, %mul3A_14 : vector<128x512xf32>
    %add3A = arith.addf %mul3A_6, %mul3A_15 : vector<128x512xf32>
    %get3A_16 = arith.constant 2 : index
    %get3A_17 = arith.constant 0 : index
    %get3A_18 = arith.constant 0 : index
    %get3A_19 = vector.load %arg2[%get3A_16, %get3A_17, %get3A_18] : memref<20x128x512xf32, #tpu.memory_space<vmem>>, vector<1x128x512xf32>
    %get3A_20 = vector.shape_cast %get3A_19 : vector<1x128x512xf32> to vector<128x512xf32>
    %get3A_21 = arith.constant 2 : index
    %get3A_22 = memref.load %arg1[%get3A_21] : memref<20xf32, #tpu.memory_space<smem>>
    %mul3A_23 = vector.broadcast %get3A_22 : f32 to vector<128x512xf32>
    %mul3A_24 = arith.mulf %get3A_20, %mul3A_23 : vector<128x512xf32>
    %add3A_25 = arith.addf %add3A, %mul3A_24 : vector<128x512xf32>
    %get3A_26 = arith.constant 3 : index
    %get3A_27 = arith.constant 0 : index
    %get3A_28 = arith.constant 0 : index
    %get3A_29 = vector.load %arg2[%get3A_26, %get3A_27, %get3A_28] : memref<20x128x512xf32, #tpu.memory_space<vmem>>, vector<1x128x512xf32>
    %get3A_30 = vector.shape_cast %get3A_29 : vector<1x128x512xf32> to vector<128x512xf32>
    %get3A_31 = arith.constant 3 : index
    %get3A_32 = memref.load %arg1[%get3A_31] : memref<20xf32, #tpu.memory_space<smem>>
    %mul3A_33 = vector.broadcast %get3A_32 : f32 to vector<128x512xf32>
    %mul3A_34 = arith.mulf %get3A_30, %mul3A_33 : vector<128x512xf32>
    %add3A_35 = arith.addf %add3A_25, %mul3A_34 : vector<128x512xf32>
    %get3A_36 = arith.constant 4 : index
    %get3A_37 = arith.constant 0 : index
    %get3A_38 = arith.constant 0 : index
    %get3A_39 = vector.load %arg2[%get3A_36, %get3A_37, %get3A_38] : memref<20x128x512xf32, #tpu.memory_space<vmem>>, vector<1x128x512xf32>
    %get3A_40 = vector.shape_cast %get3A_39 : vector<1x128x512xf32> to vector<128x512xf32>
    %get3A_41 = arith.constant 4 : index
    %get3A_42 = memref.load %arg1[%get3A_41] : memref<20xf32, #tpu.memory_space<smem>>
    %mul3A_43 = vector.broadcast %get3A_42 : f32 to vector<128x512xf32>
    %mul3A_44 = arith.mulf %get3A_40, %mul3A_43 : vector<128x512xf32>
    %add3A_45 = arith.addf %add3A_35, %mul3A_44 : vector<128x512xf32>
    %get3A_46 = arith.constant 5 : index
    %get3A_47 = arith.constant 0 : index
    %get3A_48 = arith.constant 0 : index
    %get3A_49 = vector.load %arg2[%get3A_46, %get3A_47, %get3A_48] : memref<20x128x512xf32, #tpu.memory_space<vmem>>, vector<1x128x512xf32>
    %get3A_50 = vector.shape_cast %get3A_49 : vector<1x128x512xf32> to vector<128x512xf32>
    %get3A_51 = arith.constant 5 : index
    %get3A_52 = memref.load %arg1[%get3A_51] : memref<20xf32, #tpu.memory_space<smem>>
    %mul3A_53 = vector.broadcast %get3A_52 : f32 to vector<128x512xf32>
    %mul3A_54 = arith.mulf %get3A_50, %mul3A_53 : vector<128x512xf32>
    %add3A_55 = arith.addf %add3A_45, %mul3A_54 : vector<128x512xf32>
    %get3A_56 = arith.constant 6 : index
    %get3A_57 = arith.constant 0 : index
    %get3A_58 = arith.constant 0 : index
    %get3A_59 = vector.load %arg2[%get3A_56, %get3A_57, %get3A_58] : memref<20x128x512xf32, #tpu.memory_space<vmem>>, vector<1x128x512xf32>
    %get3A_60 = vector.shape_cast %get3A_59 : vector<1x128x512xf32> to vector<128x512xf32>
    %get3A_61 = arith.constant 6 : index
    %get3A_62 = memref.load %arg1[%get3A_61] : memref<20xf32, #tpu.memory_space<smem>>
    %mul3A_63 = vector.broadcast %get3A_62 : f32 to vector<128x512xf32>
    %mul3A_64 = arith.mulf %get3A_60, %mul3A_63 : vector<128x512xf32>
    %add3A_65 = arith.addf %add3A_55, %mul3A_64 : vector<128x512xf32>
    %get3A_66 = arith.constant 7 : index
    %get3A_67 = arith.constant 0 : index
    %get3A_68 = arith.constant 0 : index
    %get3A_69 = vector.load %arg2[%get3A_66, %get3A_67, %get3A_68] : memref<20x128x512xf32, #tpu.memory_space<vmem>>, vector<1x128x512xf32>
    %get3A_70 = vector.shape_cast %get3A_69 : vector<1x128x512xf32> to vector<128x512xf32>
    %get3A_71 = arith.constant 7 : index
    %get3A_72 = memref.load %arg1[%get3A_71] : memref<20xf32, #tpu.memory_space<smem>>
    %mul3A_73 = vector.broadcast %get3A_72 : f32 to vector<128x512xf32>
    %mul3A_74 = arith.mulf %get3A_70, %mul3A_73 : vector<128x512xf32>
    %add3A_75 = arith.addf %add3A_65, %mul3A_74 : vector<128x512xf32>
    %get3A_76 = arith.constant 8 : index
    %get3A_77 = arith.constant 0 : index
    %get3A_78 = arith.constant 0 : index
    %get3A_79 = vector.load %arg2[%get3A_76, %get3A_77, %get3A_78] : memref<20x128x512xf32, #tpu.memory_space<vmem>>, vector<1x128x512xf32>
    %get3A_80 = vector.shape_cast %get3A_79 : vector<1x128x512xf32> to vector<128x512xf32>
    %get3A_81 = arith.constant 8 : index
    %get3A_82 = memref.load %arg1[%get3A_81] : memref<20xf32, #tpu.memory_space<smem>>
    %mul3A_83 = vector.broadcast %get3A_82 : f32 to vector<128x512xf32>
    %mul3A_84 = arith.mulf %get3A_80, %mul3A_83 : vector<128x512xf32>
    %add3A_85 = arith.addf %add3A_75, %mul3A_84 : vector<128x512xf32>
    %get3A_86 = arith.constant 9 : index
    %get3A_87 = arith.constant 0 : index
    %get3A_88 = arith.constant 0 : index
    %get3A_89 = vector.load %arg2[%get3A_86, %get3A_87, %get3A_88] : memref<20x128x512xf32, #tpu.memory_space<vmem>>, vector<1x128x512xf32>
    %get3A_90 = vector.shape_cast %get3A_89 : vector<1x128x512xf32> to vector<128x512xf32>
    %get3A_91 = arith.constant 9 : index
    %get3A_92 = memref.load %arg1[%get3A_91] : memref<20xf32, #tpu.memory_space<smem>>
    %mul3A_93 = vector.broadcast %get3A_92 : f32 to vector<128x512xf32>
    %mul3A_94 = arith.mulf %get3A_90, %mul3A_93 : vector<128x512xf32>
    %add3A_95 = arith.addf %add3A_85, %mul3A_94 : vector<128x512xf32>
    %get3A_96 = arith.constant 10 : index
    %get3A_97 = arith.constant 0 : index
    %get3A_98 = arith.constant 0 : index
    %get3A_99 = vector.load %arg2[%get3A_96, %get3A_97, %get3A_98] : memref<20x128x512xf32, #tpu.memory_space<vmem>>, vector<1x128x512xf32>
    %get3A_100 = vector.shape_cast %get3A_99 : vector<1x128x512xf32> to vector<128x512xf32>
    %get3A_101 = arith.constant 10 : index
    %get3A_102 = memref.load %arg1[%get3A_101] : memref<20xf32, #tpu.memory_space<smem>>
    %mul3A_103 = vector.broadcast %get3A_102 : f32 to vector<128x512xf32>
    %mul3A_104 = arith.mulf %get3A_100, %mul3A_103 : vector<128x512xf32>
    %add3A_105 = arith.addf %add3A_95, %mul3A_104 : vector<128x512xf32>
    %get3A_106 = arith.constant 11 : index
    %get3A_107 = arith.constant 0 : index
    %get3A_108 = arith.constant 0 : index
    %get3A_109 = vector.load %arg2[%get3A_106, %get3A_107, %get3A_108] : memref<20x128x512xf32, #tpu.memory_space<vmem>>, vector<1x128x512xf32>
    %get3A_110 = vector.shape_cast %get3A_109 : vector<1x128x512xf32> to vector<128x512xf32>
    %get3A_111 = arith.constant 11 : index
    %get3A_112 = memref.load %arg1[%get3A_111] : memref<20xf32, #tpu.memory_space<smem>>
    %mul3A_113 = vector.broadcast %get3A_112 : f32 to vector<128x512xf32>
    %mul3A_114 = arith.mulf %get3A_110, %mul3A_113 : vector<128x512xf32>
    %add3A_115 = arith.addf %add3A_105, %mul3A_114 : vector<128x512xf32>
    %get3A_116 = arith.constant 12 : index
    %get3A_117 = arith.constant 0 : index
    %get3A_118 = arith.constant 0 : index
    %get3A_119 = vector.load %arg2[%get3A_116, %get3A_117, %get3A_118] : memref<20x128x512xf32, #tpu.memory_space<vmem>>, vector<1x128x512xf32>
    %get3A_120 = vector.shape_cast %get3A_119 : vector<1x128x512xf32> to vector<128x512xf32>
    %get3A_121 = arith.constant 12 : index
    %get3A_122 = memref.load %arg1[%get3A_121] : memref<20xf32, #tpu.memory_space<smem>>
    %mul3A_123 = vector.broadcast %get3A_122 : f32 to vector<128x512xf32>
    %mul3A_124 = arith.mulf %get3A_120, %mul3A_123 : vector<128x512xf32>
    %add3A_125 = arith.addf %add3A_115, %mul3A_124 : vector<128x512xf32>
    %get3A_126 = arith.constant 13 : index
    %get3A_127 = arith.constant 0 : index
    %get3A_128 = arith.constant 0 : index
    %get3A_129 = vector.load %arg2[%get3A_126, %get3A_127, %get3A_128] : memref<20x128x512xf32, #tpu.memory_space<vmem>>, vector<1x128x512xf32>
    %get3A_130 = vector.shape_cast %get3A_129 : vector<1x128x512xf32> to vector<128x512xf32>
    %get3A_131 = arith.constant 13 : index
    %get3A_132 = memref.load %arg1[%get3A_131] : memref<20xf32, #tpu.memory_space<smem>>
    %mul3A_133 = vector.broadcast %get3A_132 : f32 to vector<128x512xf32>
    %mul3A_134 = arith.mulf %get3A_130, %mul3A_133 : vector<128x512xf32>
    %add3A_135 = arith.addf %add3A_125, %mul3A_134 : vector<128x512xf32>
    %get3A_136 = arith.constant 14 : index
    %get3A_137 = arith.constant 0 : index
    %get3A_138 = arith.constant 0 : index
    %get3A_139 = vector.load %arg2[%get3A_136, %get3A_137, %get3A_138] : memref<20x128x512xf32, #tpu.memory_space<vmem>>, vector<1x128x512xf32>
    %get3A_140 = vector.shape_cast %get3A_139 : vector<1x128x512xf32> to vector<128x512xf32>
    %get3A_141 = arith.constant 14 : index
    %get3A_142 = memref.load %arg1[%get3A_141] : memref<20xf32, #tpu.memory_space<smem>>
    %mul3A_143 = vector.broadcast %get3A_142 : f32 to vector<128x512xf32>
    %mul3A_144 = arith.mulf %get3A_140, %mul3A_143 : vector<128x512xf32>
    %add3A_145 = arith.addf %add3A_135, %mul3A_144 : vector<128x512xf32>
    %get3A_146 = arith.constant 15 : index
    %get3A_147 = arith.constant 0 : index
    %get3A_148 = arith.constant 0 : index
    %get3A_149 = vector.load %arg2[%get3A_146, %get3A_147, %get3A_148] : memref<20x128x512xf32, #tpu.memory_space<vmem>>, vector<1x128x512xf32>
    %get3A_150 = vector.shape_cast %get3A_149 : vector<1x128x512xf32> to vector<128x512xf32>
    %get3A_151 = arith.constant 15 : index
    %get3A_152 = memref.load %arg1[%get3A_151] : memref<20xf32, #tpu.memory_space<smem>>
    %mul3A_153 = vector.broadcast %get3A_152 : f32 to vector<128x512xf32>
    %mul3A_154 = arith.mulf %get3A_150, %mul3A_153 : vector<128x512xf32>
    %add3A_155 = arith.addf %add3A_145, %mul3A_154 : vector<128x512xf32>
    %get3A_156 = arith.constant 16 : index
    %get3A_157 = arith.constant 0 : index
    %get3A_158 = arith.constant 0 : index
    %get3A_159 = vector.load %arg2[%get3A_156, %get3A_157, %get3A_158] : memref<20x128x512xf32, #tpu.memory_space<vmem>>, vector<1x128x512xf32>
    %get3A_160 = vector.shape_cast %get3A_159 : vector<1x128x512xf32> to vector<128x512xf32>
    %get3A_161 = arith.constant 16 : index
    %get3A_162 = memref.load %arg1[%get3A_161] : memref<20xf32, #tpu.memory_space<smem>>
    %mul3A_163 = vector.broadcast %get3A_162 : f32 to vector<128x512xf32>
    %mul3A_164 = arith.mulf %get3A_160, %mul3A_163 : vector<128x512xf32>
    %add3A_165 = arith.addf %add3A_155, %mul3A_164 : vector<128x512xf32>
    %get3A_166 = arith.constant 17 : index
    %get3A_167 = arith.constant 0 : index
    %get3A_168 = arith.constant 0 : index
    %get3A_169 = vector.load %arg2[%get3A_166, %get3A_167, %get3A_168] : memref<20x128x512xf32, #tpu.memory_space<vmem>>, vector<1x128x512xf32>
    %get3A_170 = vector.shape_cast %get3A_169 : vector<1x128x512xf32> to vector<128x512xf32>
    %get3A_171 = arith.constant 17 : index
    %get3A_172 = memref.load %arg1[%get3A_171] : memref<20xf32, #tpu.memory_space<smem>>
    %mul3A_173 = vector.broadcast %get3A_172 : f32 to vector<128x512xf32>
    %mul3A_174 = arith.mulf %get3A_170, %mul3A_173 : vector<128x512xf32>
    %add3A_175 = arith.addf %add3A_165, %mul3A_174 : vector<128x512xf32>
    %get3A_176 = arith.constant 18 : index
    %get3A_177 = arith.constant 0 : index
    %get3A_178 = arith.constant 0 : index
    %get3A_179 = vector.load %arg2[%get3A_176, %get3A_177, %get3A_178] : memref<20x128x512xf32, #tpu.memory_space<vmem>>, vector<1x128x512xf32>
    %get3A_180 = vector.shape_cast %get3A_179 : vector<1x128x512xf32> to vector<128x512xf32>
    %get3A_181 = arith.constant 18 : index
    %get3A_182 = memref.load %arg1[%get3A_181] : memref<20xf32, #tpu.memory_space<smem>>
    %mul3A_183 = vector.broadcast %get3A_182 : f32 to vector<128x512xf32>
    %mul3A_184 = arith.mulf %get3A_180, %mul3A_183 : vector<128x512xf32>
    %add3A_185 = arith.addf %add3A_175, %mul3A_184 : vector<128x512xf32>
    %get3A_186 = arith.constant 19 : index
    %get3A_187 = arith.constant 0 : index
    %get3A_188 = arith.constant 0 : index
    %get3A_189 = vector.load %arg2[%get3A_186, %get3A_187, %get3A_188] : memref<20x128x512xf32, #tpu.memory_space<vmem>>, vector<1x128x512xf32>
    %get3A_190 = vector.shape_cast %get3A_189 : vector<1x128x512xf32> to vector<128x512xf32>
    %get3A_191 = arith.constant 19 : index
    %get3A_192 = memref.load %arg1[%get3A_191] : memref<20xf32, #tpu.memory_space<smem>>
    %mul3A_193 = vector.broadcast %get3A_192 : f32 to vector<128x512xf32>
    %mul3A_194 = arith.mulf %get3A_190, %mul3A_193 : vector<128x512xf32>
    %add3A_195 = arith.addf %add3A_185, %mul3A_194 : vector<128x512xf32>
    %swap3A = arith.constant 0 : index
    %swap3A_196 = arith.constant 0 : index
    %swap3A_197 = vector.load %arg3[%swap3A, %swap3A_196] : memref<128x512xf32, #tpu.memory_space<vmem>>, vector<128x512xf32>
    tpu.vector_store %arg3[%swap3A, %swap3A_196], %add3A_195 {strides = array<i32>} : memref<128x512xf32, #tpu.memory_space<vmem>>, vector<128x512xf32>,
    return
  }
  func.func @transform_0(%arg0: i32) -> i32 {
    %c0_i32 = arith.constant 0 : i32
    %c0_i32_0 = arith.constant 0 : i32
    return %c0_i32 : i32
  }
  func.func @transform_1(%arg0: i32) -> (i32, i32, i32) {
    %c0_i32 = arith.constant 0 : i32
    %c0_i32_0 = arith.constant 0 : i32
    %c0_i32_1 = arith.constant 0 : i32
    return %c0_i32, %arg0, %c0_i32_0 : i32, i32, i32
  }
  func.func @transform_2(%arg0: i32) -> (i32, i32) {
    %c0_i32 = arith.constant 0 : i32
    %c0_i32_0 = arith.constant 0 : i32
    return %arg0, %c0_i32 : i32, i32
  }
}

</mosaic_0001>

<sc_bundles>
// kernel: kernel.6.cloned.1.call-start
scs
__scs_entry_jumppad:
0x0: {  	(pc) =	sbr.rel $0x88, $3  }
0x1: {  	(tag) =	ssettag $0x0;
	lr =	simm.s32 $0x1  }
0x2: {  	[smem:$0x3F9D] =	sst lr;
	_ =	strace $0xD0000000  }
0x3: {  	_ = 	snop  }
0x4: {  	_ = 	snop  }
0x5: {  	_ = 	snop  }
0x6: {  	_ = 	snop  }
0x7: {  	_ = 	snop  }
__scs_overlays_trampoline_lowered:
0x8: {  	[smem:$0x3FAC] =	sst s0  }
0x9: {  	[smem:$0x3FAD] =	sst s1  }
0xa: {  	[smem:$0x3FAE] =	sst s2  }
0xb: {  	[smem:$0x3FAF] =	sst s3  }
0xc: {  	[smem:$0x3FB0] =	sst s4  }
0xd: {  	[smem:$0x3FB1] =	sst s5  }
0xe: {  	[smem:$0x3FB2] =	sst s6  }
0xf: {  	[smem:$0x3FB3] =	sst s7  }
0x10: {  	[smem:$0x3FB4] =	sst s8  }
0x11: {  	[smem:$0x3FB5] =	sst s9;
	s0 =	simm.s32 @!p0 $0x0  }
0x12: {  	s1 =	sld [smem:$0x3F9B];
	s0 =	simm.s32 @p0 $0x1  }
0x13: {  	[smem:$0x3FB6] =	sst s0;
	s0 =	simm.s32 @!p1 $0x0  }
0x14: {  	s2 =	sld [smem:$0x3F9A];
	s0 =	simm.s32 @p1 $0x1  }
0x15: {  	[smem:$0x3FB7] =	sst s0;
	s0 =	simm.s32 @!p2 $0x0  }
0x16: {  	s3 =	sld [smem:$0x3FDB];
	s0 =	simm.s32 @p2 $0x1  }
0x17: {  	s4 =	simm.s32 $0x1BF5;
	[smem:$0x3FB9] =	sst s0  }
0x18: {  	s0 =	sld [smem:$0x3F9C];
	_ =	swait.ge [sflag:s4], $0x0  }
0x19: {  	s7 =	sld [smem:$0x3F9D]  }
0x1a: {  	s8 =	sadd.s32 $0xFFFFE003, lr  }
0x1b: {  	s9 =	sadd.s32 $0xFFFFFEF7, lr;
	s5 =	simm.s32 $0xFFFFFFFF;
	p2 =	slt.u32 s8, $0xFFFFF086  }
0x1c: {  	p1 =	slt.u32 s9, $0xF7A;
	s5 =	simm.s32 @!p2 $0x0  }
0x1d: {  	s5 =	simm.s32 @p1 $0x1;
	p0 =	seq.s32 s7, s2  }
0x1e: {  	s7 =	smul.u32 @!p0 $0xF7A, s2;
	p2 =	seq.s32 @!p0 s5, $0x0  }
0x1f: {  	s9 =	smul.u32 $0xF7A, s1;
	s8 =	simm.s32 @!p0 $0x1BF5;
	p2 =	por !p2, p0  }
0x20: {  	[sflag:s8] =	ssyncset.s32 @!p0 $0xFFFFF086;
	s6 =	sadd.s32 @!p0 s3, s7;
	s7 =	simm.s32 @!p0 $0x108  }
0x21: {  	s3 =	sadd.s32 s3, s9;
	s6 =	sadd.s32 @!p0 $0x88, s6;
	s7 =	simm.s32 @p2 $0x1082  }
0x22: {  	[simem:s7], [sflag:s8] =	dma.local @!p0 [hbm:s6], $0xF7A  }
0x23: {  	s9 =	sor.u32 $0xD0000000, s2;
	s6 =	simm.s32 $0x108;
	_ =	swait.ge @!p0 [sflag:s8], $0x0  }
0x24: {  	s3 =	sadd.s32 $0x88, s3;
	s6 =	simm.s32 @!p1 $0x1082;
	[sflag:s4] =	ssyncset.s32 $0xFFFFF086  }
0x25: {  	[simem:s6], [sflag:s4] =	dma.local [hbm:s3], $0xF7A  }
0x26: {  	[smem:$0x3F9D] =	sst s1;
	(tag) =	ssettag s2;
	_ =	strace s9  }
0x27: {  	s1 =	sld [smem:$0x3FAD]  }
0x28: {  	s2 =	sld [smem:$0x3FAE]  }
0x29: {  	s4 =	sld [smem:$0x3FB0]  }
0x2a: {  	p0 =	seq.s32 s5, $0x0;
	s5 =	sld [smem:$0x3FB1]  }
0x2b: {  	s6 =	sld [smem:$0x3FB2]  }
0x2c: {  	s7 =	sld [smem:$0x3FB3]  }
0x2d: {  	s3 =	simm.s32 $0x108;
	s8 =	sld [smem:$0x3FB4]  }
0x2e: {  	s3 =	simm.s32 @!p0 $0x1082;
	s9 =	sld [smem:$0x3FB5]  }
0x2f: {  	lr =	sadd.s32 s0, s3;
	s0 =	sld [smem:$0x3FAC]  }
0x30: {  	s3 =	sld [smem:$0x3FAF]  }
0x31: {  	[smem:$0x3FB8] =	sst s10  }
0x32: {  	s10 =	sld [smem:$0x3FB6];
	_ =	sdelay $0x3  }
0x33: {  	p0 =	seq.s32 s10, $0x1;
	s10 =	sld [smem:$0x3FB8];
	_ =	sdelay $0x3  }
0x34: {  	[smem:$0x3FB8] =	sst s10  }
0x35: {  	s10 =	sld [smem:$0x3FB7];
	_ =	sdelay $0x3  }
0x36: {  	p1 =	seq.s32 s10, $0x1;
	s10 =	sld [smem:$0x3FB8];
	_ =	sdelay $0x3  }
0x37: {  	[smem:$0x3FB8] =	sst s10  }
0x38: {  	s10 =	sld [smem:$0x3FB9]  }
0x39: {  	_ = 	snop;
	(pc) =	sbr.ind lr, $3  }
0x3a: {  	_ = 	snop  }
0x3b: {  	_ = 	snop  }
0x3c: {  	p2 =	seq.s32 s10, $0x1;
	s10 =	sld [smem:$0x3FB8]  }
0x3d: {  	_ =	shalt  }
0x3e: {  	_ =	shalt  }
0x3f: {  	_ =	shalt  }
0x40: {  	_ =	shalt  }
0x41: {  	_ =	shalt  }
0x42: {  	_ =	shalt  }
0x43: {  	_ =	shalt  }
0x44: {  	_ =	shalt  }
0x45: {  	_ =	shalt  }
0x46: {  	_ =	shalt  }
0x47: {  	_ =	shalt  }
0x48: {  	_ =	shalt  }
0x49: {  	_ =	shalt  }
0x4a: {  	_ =	shalt  }
0x4b: {  	_ =	shalt  }
0x4c: {  	_ =	shalt  }
0x4d: {  	_ =	shalt  }
0x4e: {  	_ =	shalt  }
0x4f: {  	_ =	shalt  }
0x50: {  	_ =	shalt  }
0x51: {  	_ =	shalt  }
0x52: {  	_ =	shalt  }
0x53: {  	_ =	shalt  }
0x54: {  	_ =	shalt  }
0x55: {  	_ =	shalt  }
0x56: {  	_ =	shalt  }
0x57: {  	_ =	shalt  }
0x58: {  	_ =	shalt  }
0x59: {  	_ =	shalt  }
0x5a: {  	_ =	shalt  }
0x5b: {  	_ =	shalt  }
0x5c: {  	_ =	shalt  }
0x5d: {  	_ =	shalt  }
0x5e: {  	_ =	shalt  }
0x5f: {  	_ =	shalt  }
0x60: {  	_ =	shalt  }
0x61: {  	_ =	shalt  }
0x62: {  	_ =	shalt  }
0x63: {  	_ =	shalt  }
0x64: {  	_ =	shalt  }
0x65: {  	_ =	shalt  }
0x66: {  	_ =	shalt  }
0x67: {  	_ =	shalt  }
0x68: {  	_ =	shalt  }
0x69: {  	_ =	shalt  }
0x6a: {  	_ =	shalt  }
0x6b: {  	_ =	shalt  }
0x6c: {  	_ =	shalt  }
0x6d: {  	_ =	shalt  }
0x6e: {  	_ =	shalt  }
0x6f: {  	_ =	shalt  }
0x70: {  	_ =	shalt  }
0x71: {  	_ =	shalt  }
0x72: {  	_ =	shalt  }
0x73: {  	_ =	shalt  }
0x74: {  	_ =	shalt  }
0x75: {  	_ =	shalt  }
0x76: {  	_ =	shalt  }
0x77: {  	_ =	shalt  }
0x78: {  	_ =	shalt  }
0x79: {  	_ =	shalt  }
0x7a: {  	_ =	shalt  }
0x7b: {  	_ =	shalt  }
0x7c: {  	_ =	shalt  }
0x7d: {  	_ =	shalt  }
0x7e: {  	_ =	shalt  }
0x7f: {  	_ =	shalt  }
0x80: {  	_ =	shalt  }
0x81: {  	_ =	shalt  }
0x82: {  	_ =	shalt  }
0x83: {  	_ =	shalt  }
0x84: {  	_ =	shalt  }
0x85: {  	_ =	shalt  }
0x86: {  	_ =	shalt  }
0x87: {  	_ =	shalt  }
.Lfunc_end0:
.L_simem_size_0:
called_computation_lowered:
.L_overlay_start_0:
0x88: {  	s2 =	sld [smem:$0x3FD9]  }
0x89: {  	s3 =	sld [smem:$0x3FFE];
	_ =	sdelay $0x1  }
0x8a: {  	s1 =	srdreg.scid  }
0x8b: {  	s0 =	sand.u32 $0x1, s1  }
0x8c: {  	s14 =	sshll.u32 s0, $0xA;
	s2 =	sadd.s32 s3, s2  }
0x8d: {  	s2 =	sadd.s32 s2, s14  }
0x8e: {  	[smem:$0x3FC4] =	sst s2  }
0x8f: {  	_ = 	snop  }
0x90: {  	s2 =	sld [smem:$0x3FD0];
	_ =	sdelay $0x2  }
0x91: {  	s15 =	simm.s32 $0xA;
	s4 =	simm.s32 $0x10  }
0x92: {  	[smem:s4], [sflag:s15] =	dma.local [hbm:s2], $0x1  }
0x93: {  	_ =	swait.eq [sflag:s15], $0x1  }
0x94: {  	[sflag:s15] =	ssyncset.done $0x0  }
0x95: {  	s16 =	sld [smem:$0x11];
	[sflag:s15] =	ssyncadd.s32 $0xFFFFFFFF  }
0x96: {  	s17 =	sld [smem:$0x12];
	(tm) =	ssettm $0x1  }
0x97: {  	s18 =	sld [smem:$0x3FFB];
	_ =	sdelay $0x3  }
0x98: {  	_ =	strace s18  }
0x99: {  	s4 =	sld [smem:$0x3FFC];
	_ =	sdelay $0x3  }
0x9a: {  	_ =	strace s4  }
0x9b: {  	s4 =	sld [smem:$0x3FFD];
	_ =	sdelay $0x3  }
0x9c: {  	_ =	strace s4  }
0x9d: {  	_ =	strace $0x8FFFFFFF  }
0x9e: {  	s19 =	sld [smem:$0x3FDB];
	_ =	sdelay $0x1  }
0x9f: {  	s5 =	simm.s32 $_scs_section_size  }
0xa0: {  	s6 =	simm.s32 $_size__tile_overlayer_lowered;
	s7 =	simm.s32 $_tile_overlayer_lowered  }
0xa1: {  	s22 =	simm.s32 $0x1BFF;
	s21 =	sshll.u32 s7, $0x1;
	s4 =	sadd.s32 s5, s19  }
0xa2: {  	s8 =	simm.s32 $0x0;
	s20 =	sshll.u32 s6, $0x1;
	s6 =	sadd.s32 s21, s4  }
0xa3: {  	[timem:s8], [sflag:s22] =	dma.local [hbm:s6], s20  }
0xa4: {  	_ =	swait.ge [sflag:s22], s20  }
0xa5: {  	s5 =	ssub.s32 $0x0, s20;
	[sflag:s22] =	ssyncset.done $0x0  }
0xa6: {  	[sflag:s22] =	ssyncadd.s32 s5;
	_ =	sdelay $0x1  }
0xa7: {  	s23 =	simm.s32 $0x1B8B  }
0xa8: {  	_ =	swait.ge [sflag:s23], $0x1  }
0xa9: {  	[sflag:s23] =	ssyncset.done $0x0  }
0xaa: {  	s25 =	simm.s32 $0x1B8E;
	s24 =	sld [smem:$0x3FFE];
	[sflag:s23] =	ssyncadd.s32 $0xFFFFFFFF  }
0xab: {  	s26 =	simm.s32 $execute0_lowered;
	[smem:$0x3FD2] =	sst s25  }
0xac: {  	s6 =	sshll.u32 s26, $0x1;
	_ =	strace $0x80000046;
	[dreg:$0x1] =	wrdreg $0xFFFFFFFF  }
0xad: {  	s28 =	simm.s32 $_size_execute0_lowered;
	s4 =	sadd.s32 s4, s6;
	[dreg:$0x0] =	wrdreg $0x0  }
0xae: {  	s6 =	sshll.u32 s28, $0x1;
	[dreg:$0x2] =	wrdreg s4  }
0xaf: {  	[dreg:$0x3] =	wrdreg s6  }
0xb0: {  	[dreg:$0x4] =	wrdreg $0xC0  }
0xb1: {  	_ =	task [dreg:s8], $0x5FFFF  }
0xb2: {  	[dreg:$0x1] =	wrdreg $0xFFFFFFFF  }
0xb3: {  	[dreg:$0x0] =	wrdreg $0x60  }
0xb4: {  	[dreg:$0x2] =	wrdreg s24  }
0xb5: {  	[dreg:$0x3] =	wrdreg s16  }
0xb6: {  	[dreg:$0x4] =	wrdreg s17  }
0xb7: {  	[dreg:$0x5] =	wrdreg $0x9  }
0xb8: {  	_ =	task.clear_ibuf [dreg:s8], $0x6FFFF;
	_ =	strace $0x90000046  }
0xb9: {  	s29 =	simm.s32 $0x9;
	_ =	strace $0x80000048  }
0xba: {  	_ =	swait.ge [sflag:s29], $0x1  }
0xbb: {  	[sflag:s29] =	ssyncadd.s32 $0xFFFFFFFF  }
0xbc: {  	_ =	strace $0x90000048  }
0xbd: {  	_ =	sfence  }
0xbe: {  	s30 =	sld [smem:$0x0];
	_ =	sdelay $0x2  }
0xbf: {  	s31 =	sshll.u32 s1, $0xD;
	s1 =	sshrl.u32 s1, $0x2  }
0xc0: {  	s3 =	sand.u32 $0x4000, s31;
	s1 =	sadd.s32 s1, s30  }
0xc1: {  	s0 =	sor.u32 s3, s0;
	s1 =	sshll.u32 s1, $0x11  }
0xc2: {  	s0 =	sor.u32 s1, s0  }
0xc3: {  	s0 =	sadd.s32 $0x8F2B, s0  }
0xc4: {  	[sflag:s0] =	ssyncadd.remote.s32 $0x1  }
0xc5: {  	_ =	sfence.sel $0xFFFF  }
0xc6: {  	[dreg:$0x0] =	wrdreg $0xFFFFFFFF;
	(pc) =	sbr.abs _section_cstart, $3  }
0xc7: {  	[dreg:$0x1] =	wrdreg $0xFFFFFFFF  }
0xc8: {  	_ =	task.clear_ibuf [dreg:s8], $0x2FFFF;
	_ =	strace $0x9FFFFFFF  }
0xc9: {  	(tm) =	ssettm $0x7FFFFFFF  }
tec
execute0_lowered:
.L_overlay_start_1:
0x0: {  	(tag) =	ssettag $0x1  }
0x1: {  	s4 =	rddreg [dreg:$0x0]  }
0x2: {  	s5 =	rddreg [dreg:$0x1]  }
0x3: {  	s6 =	rddreg [dreg:$0x2]  }
0x4: {  	s0 =	rddreg [dreg:$0x3];
	s1 =	simm.s32 $0x0;
	s7 =	srdreg.scid  }
0x5: {  	s2 =	stileid.u32;
	[smem:$0x7FF] =	sst s1  }
0x6: {  	s3 =	sadd.s32 $0xE00, s4;
	s7 =	sand.u32 $0x1, s7;
	s9 =	sshll.u32 s2, $0x9  }
0x7: {  	s4 =	sadd.s32 $0xC00, s4;
	s8 =	ssub.s32 $0x2, s7;
	s7 =	sshll.u32 s7, $0x8  }
0x8: {  	_ =	strace $0x80000047;
	s10 =	sshrl.u32 s8, $0x1;
	s7 =	sor.u32 s7, s9  }
0x9: {  	s8 =	ssub.s32 s8, s10;
	s9 =	sor.u32 $0x10, s7;
	s19 =	sor.u32 $0x20, s7  }
0xa: {  	v15 =	vlaneseq.u32;
	vm0 =	vmmov $0xf;
	v0 =	vimm.s32 $0x0;
	s11 =	sor.u32 $0x30, s7;
	s12 =	sor.u32 $0x40, s7;
	s13 =	sor.u32 $0x50, s7  }
0xb: {  	v0 =	vsel vm0, $0xFFFFFFFF, v0;
	s20 =	sor.u32 $0x60, s7;
	s21 =	sor.u32 $0x70, s7;
	s22 =	sor.u32 $0x80, s7;
	v10 =	vor.u32 s7, v15  }
0xc: {  	s23 =	sor.u32 $0x90, s7;
	s24 =	sor.u32 $0xA0, s7;
	s25 =	sor.u32 $0xB0, s7;
	v20 =	vor.u32 s9, v15;
	v1 =	vor.u32 s19, v15;
	v2 =	vor.u32 s11, v15  }
0xd: {  	s26 =	sor.u32 $0xC0, s7;
	s28 =	sor.u32 $0xD0, s7;
	s29 =	sshrl.u32 s7, $0x3;
	v3 =	vor.u32 s12, v15;
	v4 =	vor.u32 s13, v15;
	v5 =	vor.u32 s20, v15  }
0xe: {  	s30 =	sor.u32 $0xE0, s7;
	s31 =	sor.u32 $0xF0, s7;
	s10 =	simm.s32 $0x100;
	v6 =	vor.u32 s21, v15;
	v7 =	vor.u32 s22, v15;
	v8 =	vor.u32 s23, v15  }
0xf: {  	v9 =	vor.u32 s24, v15;
	v11 =	vor.u32 s25, v15;
	s5 =	sadd.s32 s5, s29;
	v12 =	vor.u32 s26, v15;
	s6 =	sadd.s32 s6, s29;
	s7 =	smax.u32 s8, $0x1  }
0x10: {  	[tilespmem:$0x1FFF0] =	vst v0;
	v13 =	vor.u32 s28, v15;
	v14 =	vor.u32 s30, v15;
	s8 =	simm.s32 $0x1;
	v15 =	vor.u32 s31, v15;
	s9 =	simm.s32 $0x80;
	s11 =	simm.s32 $0x200  }
.LBB2_1:
0x11: {  	[tilespmem:s1], [sflag:$0x1] =	stream.linear.gather [hbm4b:s3+s1], $0x80, $0x38;
	[tilespmem:$0x300] =	vst v63  }
0x12: {  	_ =	swait.ge [sflag:s8], $0x80  }
0x13: {  	[sflag:s8] =	ssyncset.done $0x0  }
0x14: {  	[sflag:s8] =	ssyncadd.s32 $0xFFFFFF80  }
0x15: {  	[tilespmem:s9], [sflag:$0x1] =	stream.linear.gather [hbm4b:s4+s1], $0x80, $0x38;
	[tilespmem:$0x300] =	vst v63  }
0x16: {  	_ =	swait.ge [sflag:s8], $0x80  }
0x17: {  	[sflag:s8] =	ssyncset.done $0x0  }
0x18: {  	v0 =	vld [tilespmem:$0x1FFF0];
	[sflag:s8] =	ssyncadd.s32 $0xFFFFFF80  }
0x19: {  	v16 =	vld [tilespmem:$0x0]  }
0x1a: {  	v17 =	vld [tilespmem:$0x10];
	_ =	sdelay $0x3  }
0x1b: {  	vm0 =	vnez.u8 v0  }
0x1c: {  	(xrf0) =	vmin.scan.msk.f32 $0xffff, v16;
	v18 =	vnsel vm0, $0x7F800000, v17  }
0x1d: {  	(xrf0) =	vmin.scan.msk.f32 $0xffff, v18;
	_ =	sdelay $0x4  }
0x1e: {  	v18, _, _ =	vpop (xrf0)  }
0x1f: {  	(v2sf) =	vpush v18, $0xF;
	v18, _, _ =	vpop (xrf0)  }
0x20: {  	(v2sf) =	vpush v18, $0xF;
	_ =	sdelay $0xd  }
0x21: {  	s12 =	spop (v2sf)  }
0x22: {  	s13 =	spop (v2sf)  }
0x23: {  	s12 =	smin.f32 s12, s13  }
0x24: {  	v18 =	vmov s12  }
0x25: {  	v16 =	vsub.f32 v16, v18;
	v17 =	vsub.f32 v17, v18;
	_ =	sdelay $0x1  }
0x26: {  	(xrf2) =	vadd.scan.msk.f32 $0xffff, v16;
	v18 =	vnsel vm0, $0x0, v17  }
0x27: {  	(xrf2) =	vadd.scan.msk.f32 $0xffff, v18;
	_ =	sdelay $0x8  }
0x28: {  	v18, _, _ =	vpop (xrf2)  }
0x29: {  	(v2sf) =	vpush v18, $0xF;
	v18, _, _ =	vpop (xrf2)  }
0x2a: {  	(v2sf) =	vpush v18, $0xF;
	_ =	sdelay $0xd  }
0x2b: {  	s30 =	spop (v2sf)  }
0x2c: {  	v26 =	vld [tilespmem:$0x80];
	s31 =	spop (v2sf)  }
0x2d: {  	s12 =	sadd.f32 s31, s30;
	_ =	sdelay $0x1  }
0x2e: {  	v18 =	vmov s12  }
0x2f: {  	(erf) = vrcp.f32 v18  }
0x30: {  	v49 =	vbroadcast v26, $0x0;
	v46 =	vbroadcast v26, $0x1  }
0x31: {  	v44 =	vbroadcast v26, $0x2;
	v41 =	vbroadcast v26, $0x3  }
0x32: {  	v28 =	vld [tilespmem:$0x90];
	v40 =	vbroadcast v26, $0x4;
	v33 =	vbroadcast v26, $0x5  }
0x33: {  	v25 =	vbroadcast v26, $0x6;
	v22 =	vbroadcast v26, $0x7  }
0x34: {  	v58 =	vimm.s32 $0x0;
	v0 =	vbroadcast v26, $0x9;
	v19 =	vbroadcast v26, $0xA  }
0x35: {  	v60 =	vimm.s32 $0x0;
	v21 =	vbroadcast v26, $0xC;
	v23 =	vbroadcast v26, $0xD  }
0x36: {  	v61 =	vimm.s32 $0x0;
	v24 =	vbroadcast v26, $0xE;
	v29 =	vbroadcast v26, $0xF  }
0x37: {  	v62 =	vimm.s32 $0x0;
	v36 =	vbroadcast v28, $0x0;
	v42 =	vbroadcast v28, $0x1  }
0x38: {  	v63 =	vimm.s32 $0x0;
	v45 =	vbroadcast v28, $0x2;
	v47 =	vbroadcast v28, $0x3;
	v18 =	vpop (erf)  }
0x39: {  	vm10 =	veq.s32 v10, v49;
	vm11 =	veq.s32 v10, v46;
	v16 =	vmul.f32 v18, v16  }
0x3a: {  	vm12 =	veq.s32 v10, v44;
	vm13 =	veq.s32 v10, v41;
	v27 =	vmul.f32 v18, v17  }
0x3b: {  	vm9 =	veq.s32 v10, v40;
	v17 =	vbroadcast v26, $0x8;
	v56 =	vbroadcast v16, $0x0  }
0x3c: {  	vm15 =	veq.s32 v10, v22;
	v18 =	vbroadcast v26, $0xB;
	v55 =	vbroadcast v16, $0x1  }
0x3d: {  	v26 =	vsel vm10, $0xFFFFFFFF, v58;
	v54 =	vbroadcast v16, $0x2;
	v59 =	vnsel vm10, $0x0, v56  }
0x3e: {  	v28 =	vsel vm11, $0xFFFFFFFF, v60;
	[tilespmem:$0x1F900] =	vst v26;
	v53 =	vbroadcast v16, $0x3;
	v26 =	vsel vm11, v55, v59  }
0x3f: {  	[tilespmem:$0x1F8F0] =	vst v28;
	v28 =	vsel vm12, $0xFFFFFFFF, v61;
	v52 =	vbroadcast v16, $0x4;
	v26 =	vsel vm12, v54, v26  }
0x40: {  	[tilespmem:$0x1F8E0] =	vst v28;
	v28 =	vsel vm13, $0xFFFFFFFF, v62;
	v51 =	vbroadcast v16, $0x5;
	v26 =	vsel vm13, v53, v26  }
0x41: {  	v50 =	vbroadcast v16, $0x6;
	vm11 =	veq.s32 v10, v33;
	v26 =	vsel vm9, v52, v26  }
0x42: {  	v48 =	vbroadcast v16, $0x7;
	vm13 =	veq.s32 v10, v25;
	v26 =	vsel vm11, v51, v26  }
0x43: {  	vm5 =	veq.s32 v10, v0;
	v43 =	vbroadcast v16, $0x8;
	v26 =	vsel vm13, v50, v26  }
0x44: {  	v38 =	vbroadcast v16, $0x9;
	vm7 =	veq.s32 v10, v17;
	v26 =	vsel vm15, v48, v26  }
0x45: {  	vm2 =	veq.s32 v10, v19;
	v39 =	vbroadcast v16, $0xA;
	v26 =	vsel vm7, v43, v26  }
0x46: {  	vm3 =	veq.s32 v10, v21;
	v37 =	vbroadcast v16, $0xB;
	v26 =	vsel vm5, v38, v26  }
0x47: {  	v35 =	vbroadcast v16, $0xC;
	vm4 =	veq.s32 v10, v18;
	v26 =	vsel vm2, v39, v26  }
0x48: {  	vm8 =	veq.s32 v10, v24;
	v34 =	vbroadcast v16, $0xD;
	v26 =	vsel vm4, v37, v26  }
0x49: {  	v32 =	vbroadcast v16, $0xE;
	vm10 =	veq.s32 v10, v23;
	v26 =	vsel vm3, v35, v26  }
0x4a: {  	vm6 =	veq.s32 v10, v29;
	v31 =	vbroadcast v16, $0xF;
	v16 =	vsel vm10, v34, v26  }
0x4b: {  	vm14 =	veq.s32 v10, v42;
	v30 =	vbroadcast v27, $0x0;
	v16 =	vsel vm8, v32, v16  }
0x4c: {  	[tilespmem:$0x1F8D0] =	vst v28;
	v28 =	vbroadcast v27, $0x1;
	vm12 =	veq.s32 v10, v36;
	v16 =	vsel vm6, v31, v16  }
0x4d: {  	vm1 =	veq.s32 v10, v45;
	v26 =	vbroadcast v27, $0x2;
	v16 =	vsel vm12, v30, v16  }
0x4e: {  	v60 =	vimm.s32 $0x0;
	v27 =	vbroadcast v27, $0x3;
	v16 =	vsel vm14, v28, v16  }
0x4f: {  	v61 =	vimm.s32 $0x0;
	vm0 =	veq.s32 v10, v47;
	v16 =	vsel vm1, v26, v16  }
0x50: {  	v58 =	vimm.s32 $0x0;
	v59 =	vimm.s32 $0x0;
	v57 =	vsel vm0, v27, v16  }
0x51: {  	vm0 =	vmor vm0, vm1;
	vm1 =	veq.s32 v20, v49;
	v16 =	vimm.s32 $0x0  }
0x52: {  	v16 =	vsel vm1, $0xFFFFFFFF, v16;
	vm0 =	vmor vm0, vm14;
	vm14 =	veq.s32 v20, v46  }
0x53: {  	[tilespmem:$0x1F950] =	vst v16;
	v16 =	vnsel vm1, $0x0, v56;
	v58 =	vsel vm14, $0xFFFFFFFF, v58;
	vm0 =	vmor vm0, vm12  }
0x54: {  	vm12 =	veq.s32 v20, v41;
	vm1 =	veq.s32 v20, v47;
	v16 =	vsel vm14, v55, v16  }
0x55: {  	vm14 =	veq.s32 v20, v44;
	vm0 =	vmor vm0, vm6;
	vm6 =	veq.s32 v20, v0  }
0x56: {  	[tilespmem:$0x1F940] =	vst v58;
	v58 =	vsel vm14, $0xFFFFFFFF, v63;
	v16 =	vsel vm14, v54, v16;
	vm0 =	vmor vm0, vm8  }
0x57: {  	vm14 =	veq.s32 v20, v40;
	vm8 =	veq.s32 v20, v17;
	[tilespmem:$0x1F930] =	vst v58;
	v58 =	vsel vm12, $0xFFFFFFFF, v60  }
0x58: {  	v16 =	vsel vm12, v53, v16;
	vm0 =	vmor vm0, vm10;
	vm10 =	veq.s32 v20, v33  }
0x59: {  	v62 =	vld [tilespmem:$0x1F8D0];
	vm12 =	veq.s32 v20, v25;
	[tilespmem:$0x1F920] =	vst v58;
	v58 =	vsel vm14, $0xFFFFFFFF, v61;
	v16 =	vsel vm14, v52, v16  }
0x5a: {  	vm0 =	vmor vm0, vm3;
	vm14 =	veq.s32 v20, v22;
	v16 =	vsel vm10, v51, v16  }
0x5b: {  	vm3 =	veq.s32 v20, v18;
	v61 =	vld [tilespmem:$0x1F900];
	vm0 =	vmor vm0, vm4;
	v16 =	vsel vm12, v50, v16  }
0x5c: {  	vm4 =	veq.s32 v20, v19;
	vm0 =	vmor vm0, vm2;
	v16 =	vsel vm14, v48, v16  }
0x5d: {  	vm2 =	veq.s32 v20, v21;
	vm0 =	vmor vm0, vm5;
	v16 =	vsel vm8, v43, v16  }
0x5e: {  	v63 =	vld [tilespmem:$0x1F8E0];
	vm0 =	vmor vm0, vm7;
	vm7 =	vnez.u8 v62;
	v16 =	vsel vm6, v38, v16  }
0x5f: {  	v60 =	vld [tilespmem:$0x1F8F0];
	v62 =	vimm.s32 $0x0;
	vm0 =	vmor vm0, vm15;
	v16 =	vsel vm4, v39, v16  }
0x60: {  	vm15 =	vmor vm0, vm13;
	vm13 =	veq.s32 v20, v24;
	vm0 =	vnez.u8 v61  }
0x61: {  	v61 =	vimm.s32 $0x0;
	v16 =	vsel vm3, v37, v16;
	vm5 =	vmor vm15, vm11  }
0x62: {  	vm15 =	veq.s32 v20, v23;
	vm11 =	veq.s32 v20, v29;
	v16 =	vsel vm2, v35, v16  }
0x63: {  	vm5 =	vmor vm5, vm9;
	vm9 =	vnez.u8 v63;
	v63 =	vimm.s32 $0x0  }
0x64: {  	v16 =	vsel vm15, v34, v16;
	vm5 =	vmor vm5, vm7;
	vm7 =	vnez.u8 v60  }
0x65: {  	v16 =	vsel vm13, v32, v16;
	vm5 =	vmor vm5, vm9;
	vm9 =	veq.s32 v20, v36  }
0x66: {  	v16 =	vsel vm11, v31, v16;
	vm5 =	vmor vm5, vm7;
	vm7 =	veq.s32 v20, v42  }
0x67: {  	v16 =	vsel vm9, v30, v16;
	vm0 =	vmor vm5, vm0;
	vm5 =	veq.s32 v20, v45  }
0x68: {  	[tilespmem:$0x1F910] =	vst v58;
	v58 =	vsel vm0, $0xFFFFFFFF, v62;
	v16 =	vsel vm7, v28, v16;
	vm0 =	veq.s32 v1, v49  }
0x69: {  	v60 =	vimm.s32 $0x0;
	[tilespmem:$0x1FD60] =	vst v58;
	v16 =	vsel vm5, v26, v16;
	v58 =	vsel vm0, $0xFFFFFFFF, v63  }
0x6a: {  	v62 =	vimm.s32 $0x0;
	v63 =	vimm.s32 $0x0;
	[tilespmem:$0x1F9B0] =	vst v58;
	v58 =	vsel vm1, v27, v16  }
0x6b: {  	v16 =	vnsel vm0, $0x0, v56;
	vm0 =	veq.s32 v1, v46;
	vm1 =	vmor vm1, vm5  }
0x6c: {  	vm5 =	veq.s32 v1, v44;
	v59 =	vsel vm0, $0xFFFFFFFF, v59;
	v16 =	vsel vm0, v55, v16  }
0x6d: {  	vm7 =	vmor vm1, vm7;
	[tilespmem:$0x1F9A0] =	vst v59;
	v59 =	vsel vm5, $0xFFFFFFFF, v60;
	v16 =	vsel vm5, v54, v16  }
0x6e: {  	vm5 =	veq.s32 v1, v41;
	vm0 =	vmor vm7, vm9;
	vm7 =	veq.s32 v1, v40  }
0x6f: {  	vm9 =	veq.s32 v1, v33;
	[tilespmem:$0x1F990] =	vst v59;
	v59 =	vsel vm5, $0xFFFFFFFF, v61;
	v16 =	vsel vm5, v53, v16  }
0x70: {  	vm0 =	vmor vm0, vm11;
	vm5 =	veq.s32 v1, v19;
	[tilespmem:$0x1F980] =	vst v59;
	v59 =	vsel vm7, $0xFFFFFFFF, v62  }
0x71: {  	v16 =	vsel vm7, v52, v16;
	vm0 =	vmor vm0, vm13;
	vm13 =	veq.s32 v1, v25  }
0x72: {  	vm7 =	veq.s32 v1, v0;
	[tilespmem:$0x1F970] =	vst v59;
	v59 =	vsel vm9, $0xFFFFFFFF, v63;
	v16 =	vsel vm9, v51, v16  }
0x73: {  	vm0 =	vmor vm0, vm15;
	vm15 =	veq.s32 v1, v22;
	vm9 =	veq.s32 v1, v17  }
0x74: {  	v60 =	vld [tilespmem:$0x1F910];
	v16 =	vsel vm13, v50, v16;
	vm0 =	vmor vm0, vm2;
	vm2 =	veq.s32 v1, v18  }
0x75: {  	v61 =	vld [tilespmem:$0x1F920];
	v16 =	vsel vm15, v48, v16;
	vm0 =	vmor vm0, vm3;
	vm3 =	veq.s32 v1, v21  }
0x76: {  	v16 =	vsel vm9, v43, v16;
	vm11 =	vmor vm0, vm4;
	vm4 =	veq.s32 v1, v23  }
0x77: {  	vm0 =	veq.s32 v1, v47;
	v16 =	vsel vm7, v38, v16;
	vm6 =	vmor vm11, vm6  }
0x78: {  	v62 =	vld [tilespmem:$0x1F930];
	v16 =	vsel vm5, v39, v16;
	vm11 =	vmor vm6, vm8;
	vm8 =	veq.s32 v1, v36  }
0x79: {  	v16 =	vsel vm2, v37, v16;
	vm1 =	vmor vm11, vm14;
	vm11 =	vnez.u8 v60  }
0x7a: {  	vm14 =	vnez.u8 v61;
	v61 =	vimm.s32 $0x0;
	v16 =	vsel vm3, v35, v16  }
0x7b: {  	v63 =	vld [tilespmem:$0x1F940];
	vm6 =	vmor vm1, vm12;
	vm12 =	veq.s32 v1, v24;
	vm1 =	veq.s32 v1, v45  }
0x7c: {  	v60 =	vld [tilespmem:$0x1F950];
	v16 =	vsel vm4, v34, v16;
	vm6 =	vmor vm6, vm10;
	vm10 =	veq.s32 v1, v29  }
0x7d: {  	v16 =	vsel vm12, v32, v16;
	vm6 =	vmor vm6, vm11;
	vm11 =	vnez.u8 v62  }
0x7e: {  	v62 =	vimm.s32 $0x0;
	v16 =	vsel vm10, v31, v16;
	vm6 =	vmor vm6, vm14  }
0x7f: {  	vm14 =	veq.s32 v1, v42;
	v16 =	vsel vm8, v30, v16;
	vm6 =	vmor vm6, vm11  }
0x80: {  	vm11 =	vnez.u8 v63;
	v63 =	vimm.s32 $0x0;
	v16 =	vsel vm14, v28, v16  }
0x81: {  	vm6 =	vmor vm6, vm11;
	vm11 =	vnez.u8 v60;
	v60 =	vimm.s32 $0x0  }
0x82: {  	v16 =	vsel vm1, v26, v16;
	vm6 =	vmor vm6, vm11;
	vm11 =	veq.s32 v2, v49  }
0x83: {  	[tilespmem:$0x1F960] =	vst v59;
	v59 =	vsel vm6, $0xFFFFFFFF, v61;
	v16 =	vsel vm0, v27, v16;
	vm0 =	vmor vm0, vm1  }
0x84: {  	vm6 =	veq.s32 v2, v44;
	v61 =	vimm.s32 $0x0;
	vm1 =	veq.s32 v2, v19  }
0x85: {  	[tilespmem:$0x1FDF0] =	vst v16;
	v16 =	vimm.s32 $0x0;
	vm0 =	vmor vm0, vm14;
	vm14 =	veq.s32 v2, v25  }
0x86: {  	v16 =	vsel vm11, $0xFFFFFFFF, v16;
	vm0 =	vmor vm0, vm8;
	vm8 =	veq.s32 v2, v41  }
0x87: {  	[tilespmem:$0x1FA00] =	vst v16;
	v16 =	vnsel vm11, $0x0, v56;
	vm11 =	veq.s32 v2, v46;
	vm0 =	vmor vm0, vm10  }
0x88: {  	[tilespmem:$0x1FD80] =	vst v59;
	vm10 =	veq.s32 v2, v40;
	v59 =	vsel vm11, $0xFFFFFFFF, v62;
	v16 =	vsel vm11, v55, v16  }
0x89: {  	vm0 =	vmor vm0, vm12;
	vm12 =	veq.s32 v2, v33;
	[tilespmem:$0x1F9F0] =	vst v59;
	v59 =	vsel vm6, $0xFFFFFFFF, v63  }
0x8a: {  	v16 =	vsel vm6, v54, v16;
	vm0 =	vmor vm0, vm4;
	vm6 =	veq.s32 v2, v17  }
0x8b: {  	v62 =	vld [tilespmem:$0x1F960];
	vm4 =	veq.s32 v2, v21;
	[tilespmem:$0x1F9E0] =	vst v59;
	v59 =	vsel vm8, $0xFFFFFFFF, v60;
	v16 =	vsel vm8, v53, v16  }
0x8c: {  	v63 =	vld [tilespmem:$0x1F970];
	vm0 =	vmor vm0, vm3;
	vm8 =	veq.s32 v2, v22;
	vm3 =	veq.s32 v2, v0  }
0x8d: {  	v60 =	vld [tilespmem:$0x1F980];
	[tilespmem:$0x1F9D0] =	vst v59;
	v59 =	vsel vm10, $0xFFFFFFFF, v61;
	v16 =	vsel vm10, v52, v16;
	vm0 =	vmor vm0, vm2  }
0x8e: {  	vm2 =	veq.s32 v2, v18;
	v61 =	vld [tilespmem:$0x1F990];
	v16 =	vsel vm12, v51, v16;
	vm11 =	vmor vm0, vm5  }
0x8f: {  	vm5 =	veq.s32 v2, v23;
	v16 =	vsel vm14, v50, v16;
	vm10 =	vmor vm11, vm7  }
0x90: {  	v16 =	vsel vm8, v48, v16;
	vm11 =	vmor vm10, vm9;
	vm10 =	vnez.u8 v62  }
0x91: {  	v16 =	vsel vm6, v43, v16;
	vm0 =	vmor vm11, vm15;
	vm11 =	vnez.u8 v63  }
0x92: {  	v62 =	vld [tilespmem:$0x1F9A0];
	v16 =	vsel vm3, v38, v16;
	vm9 =	vmor vm0, vm13;
	vm13 =	vnez.u8 v60  }
0x93: {  	vm15 =	vnez.u8 v61;
	vm0 =	veq.s32 v2, v45;
	v60 =	vimm.s32 $0x0  }
0x94: {  	v61 =	vimm.s32 $0x0;
	v16 =	vsel vm1, v39, v16;
	vm7 =	vmor vm9, vm10  }
0x95: {  	v63 =	vld [tilespmem:$0x1F9B0];
	vm9 =	veq.s32 v2, v24;
	v16 =	vsel vm2, v37, v16;
	vm7 =	vmor vm7, vm11  }
0x96: {  	vm11 =	veq.s32 v2, v29;
	v16 =	vsel vm4, v35, v16;
	vm7 =	vmor vm7, vm13  }
0x97: {  	vm13 =	veq.s32 v2, v36;
	vm10 =	vnez.u8 v62;
	v16 =	vsel vm5, v34, v16  }
0x98: {  	v62 =	vimm.s32 $0x0;
	vm7 =	vmor vm7, vm15;
	v16 =	vsel vm9, v32, v16  }
0x99: {  	vm15 =	veq.s32 v2, v42;
	vm7 =	vmor vm7, vm10;
	v16 =	vsel vm11, v31, v16  }
0x9a: {  	vm10 =	vnez.u8 v63;
	v63 =	vimm.s32 $0x0;
	v16 =	vsel vm13, v30, v16  }
0x9b: {  	vm7 =	vmor vm7, vm10;
	vm10 =	veq.s32 v2, v47;
	v16 =	vsel vm15, v28, v16  }
0x9c: {  	[tilespmem:$0x1F9C0] =	vst v59;
	v59 =	vsel vm7, $0xFFFFFFFF, v60;
	v60 =	vimm.s32 $0x0;
	v16 =	vsel vm0, v26, v16  }
0x9d: {  	vm7 =	veq.s32 v3, v0;
	vm0 =	vmor vm10, vm0;
	v16 =	vsel vm10, v27, v16  }
0x9e: {  	vm10 =	veq.s32 v3, v49;
	vm0 =	vmor vm0, vm15;
	vm15 =	veq.s32 v3, v41  }
0x9f: {  	[tilespmem:$0x1FE20] =	vst v16;
	v16 =	vimm.s32 $0x0;
	vm0 =	vmor vm0, vm13;
	vm13 =	veq.s32 v3, v44  }
0xa0: {  	v16 =	vsel vm10, $0xFFFFFFFF, v16;
	vm0 =	vmor vm0, vm11;
	vm11 =	veq.s32 v3, v33  }
0xa1: {  	[tilespmem:$0x1FA50] =	vst v16;
	v16 =	vnsel vm10, $0x0, v56;
	vm10 =	veq.s32 v3, v46;
	vm0 =	vmor vm0, vm9  }
0xa2: {  	[tilespmem:$0x1FD90] =	vst v59;
	vm9 =	veq.s32 v3, v40;
	v59 =	vsel vm10, $0xFFFFFFFF, v61;
	v16 =	vsel vm10, v55, v16  }
0xa3: {  	vm0 =	vmor vm0, vm5;
	vm5 =	veq.s32 v3, v23;
	[tilespmem:$0x1FA40] =	vst v59;
	v59 =	vsel vm13, $0xFFFFFFFF, v62  }
0xa4: {  	v16 =	vsel vm13, v54, v16;
	vm0 =	vmor vm0, vm4;
	vm13 =	veq.s32 v3, v25  }
0xa5: {  	vm4 =	veq.s32 v3, v19;
	[tilespmem:$0x1FA30] =	vst v59;
	v59 =	vsel vm15, $0xFFFFFFFF, v63;
	v16 =	vsel vm15, v53, v16  }
0xa6: {  	v61 =	vld [tilespmem:$0x1F9C0];
	vm0 =	vmor vm0, vm2;
	vm15 =	veq.s32 v3, v22;
	vm2 =	veq.s32 v3, v18  }
0xa7: {  	v62 =	vld [tilespmem:$0x1F9D0];
	[tilespmem:$0x1FA20] =	vst v59;
	v59 =	vsel vm9, $0xFFFFFFFF, v60;
	v16 =	vsel vm9, v52, v16;
	vm0 =	vmor vm0, vm1  }
0xa8: {  	v63 =	vld [tilespmem:$0x1F9E0];
	vm9 =	veq.s32 v3, v17;
	v16 =	vsel vm11, v51, v16;
	vm0 =	vmor vm0, vm3  }
0xa9: {  	vm1 =	veq.s32 v3, v47;
	v16 =	vsel vm13, v50, v16;
	vm10 =	vmor vm0, vm6  }
0xaa: {  	vm3 =	veq.s32 v3, v21;
	v16 =	vsel vm15, v48, v16;
	vm8 =	vmor vm10, vm8  }
0xab: {  	v60 =	vld [tilespmem:$0x1F9F0];
	v16 =	vsel vm9, v43, v16;
	vm10 =	vmor vm8, vm14;
	vm14 =	vnez.u8 v61  }
0xac: {  	vm8 =	vnez.u8 v62;
	v62 =	vimm.s32 $0x0;
	v16 =	vsel vm7, v38, v16  }
0xad: {  	vm12 =	vmor vm10, vm12;
	vm10 =	vnez.u8 v63;
	v63 =	vimm.s32 $0x0  }
0xae: {  	v61 =	vld [tilespmem:$0x1FA00];
	v16 =	vsel vm4, v39, v16;
	vm6 =	vmor vm12, vm14;
	vm14 =	veq.s32 v3, v24  }
0xaf: {  	vm12 =	veq.s32 v3, v29;
	v16 =	vsel vm2, v37, v16;
	vm6 =	vmor vm6, vm8  }
0xb0: {  	vm8 =	vnez.u8 v60;
	v60 =	vimm.s32 $0x0;
	v16 =	vsel vm3, v35, v16  }
0xb1: {  	vm6 =	vmor vm6, vm10;
	vm10 =	veq.s32 v3, v36;
	v16 =	vsel vm5, v34, v16  }
0xb2: {  	vm6 =	vmor vm6, vm8;
	vm8 =	veq.s32 v3, v42;
	v16 =	vsel vm14, v32, v16  }
0xb3: {  	vm0 =	vnez.u8 v61;
	v61 =	vimm.s32 $0x0;
	v16 =	vsel vm12, v31, v16  }
0xb4: {  	vm0 =	vmor vm6, vm0;
	vm6 =	veq.s32 v3, v45;
	v16 =	vsel vm10, v30, v16  }
0xb5: {  	[tilespmem:$0x1FA10] =	vst v59;
	v59 =	vsel vm0, $0xFFFFFFFF, v62;
	vm0 =	veq.s32 v4, v49;
	v16 =	vsel vm8, v28, v16  }
0xb6: {  	v62 =	vimm.s32 $0x0;
	[tilespmem:$0x1FDA0] =	vst v59;
	v59 =	vsel vm0, $0xFFFFFFFF, v63;
	v16 =	vsel vm6, v26, v16  }
0xb7: {  	v63 =	vimm.s32 $0x0;
	v16 =	vsel vm1, v27, v16;
	vm1 =	vmor vm1, vm6  }
0xb8: {  	vm6 =	veq.s32 v4, v44;
	[tilespmem:$0x1FE50] =	vst v16;
	v16 =	vnsel vm0, $0x0, v56;
	vm0 =	veq.s32 v4, v46  }
0xb9: {  	[tilespmem:$0x1FAB0] =	vst v59;
	v59 =	vsel vm0, $0xFFFFFFFF, v60;
	v16 =	vsel vm0, v55, v16;
	vm0 =	vmor vm1, vm8  }
0xba: {  	vm8 =	veq.s32 v4, v41;
	v60 =	vimm.s32 $0x0;
	vm1 =	veq.s32 v4, v45  }
0xbb: {  	[tilespmem:$0x1FAA0] =	vst v59;
	v59 =	vsel vm6, $0xFFFFFFFF, v61;
	v16 =	vsel vm6, v54, v16;
	vm0 =	vmor vm0, vm10  }
0xbc: {  	vm10 =	veq.s32 v4, v40;
	vm6 =	veq.s32 v4, v33;
	[tilespmem:$0x1FA90] =	vst v59;
	v59 =	vsel vm8, $0xFFFFFFFF, v62  }
0xbd: {  	v16 =	vsel vm8, v53, v16;
	vm0 =	vmor vm0, vm12;
	vm8 =	veq.s32 v4, v17  }
0xbe: {  	[tilespmem:$0x1FA80] =	vst v59;
	v59 =	vsel vm10, $0xFFFFFFFF, v63;
	v16 =	vsel vm10, v52, v16;
	vm0 =	vmor vm0, vm14  }
0xbf: {  	vm14 =	veq.s32 v4, v25;
	vm10 =	veq.s32 v4, v22;
	[tilespmem:$0x1FA70] =	vst v59;
	v59 =	vsel vm6, $0xFFFFFFFF, v60  }
0xc0: {  	v16 =	vsel vm6, v51, v16;
	vm0 =	vmor vm0, vm5;
	vm6 =	veq.s32 v4, v0  }
0xc1: {  	v61 =	vld [tilespmem:$0x1FA10];
	vm5 =	veq.s32 v4, v19;
	v16 =	vsel vm14, v50, v16;
	vm0 =	vmor vm0, vm3  }
0xc2: {  	v62 =	vld [tilespmem:$0x1FA20];
	vm3 =	veq.s32 v4, v21;
	v16 =	vsel vm10, v48, v16;
	vm0 =	vmor vm0, vm2  }
0xc3: {  	v16 =	vsel vm8, v43, v16;
	vm2 =	vmor vm0, vm4;
	vm4 =	veq.s32 v4, v23  }
0xc4: {  	vm0 =	veq.s32 v4, v47;
	v16 =	vsel vm6, v38, v16;
	vm7 =	vmor vm2, vm7  }
0xc5: {  	v63 =	vld [tilespmem:$0x1FA30];
	vm2 =	veq.s32 v4, v18;
	v16 =	vsel vm5, v39, v16;
	vm12 =	vmor vm7, vm9  }
0xc6: {  	v16 =	vsel vm2, v37, v16;
	vm9 =	vmor vm12, vm15;
	vm12 =	vnez.u8 v61  }
0xc7: {  	vm15 =	vnez.u8 v62;
	v62 =	vimm.s32 $0x0;
	v16 =	vsel vm3, v35, v16  }
0xc8: {  	v60 =	vld [tilespmem:$0x1FA40];
	vm7 =	vmor vm9, vm13;
	vm13 =	veq.s32 v4, v24;
	vm9 =	veq.s32 v4, v36  }
0xc9: {  	v61 =	vld [tilespmem:$0x1FA50];
	v16 =	vsel vm4, v34, v16;
	vm7 =	vmor vm7, vm11;
	vm11 =	veq.s32 v4, v29  }
0xca: {  	v16 =	vsel vm13, v32, v16;
	vm7 =	vmor vm7, vm12;
	vm12 =	vnez.u8 v63  }
0xcb: {  	v63 =	vimm.s32 $0x0;
	v16 =	vsel vm11, v31, v16;
	vm7 =	vmor vm7, vm15  }
0xcc: {  	vm15 =	veq.s32 v4, v42;
	v16 =	vsel vm9, v30, v16;
	vm7 =	vmor vm7, vm12  }
0xcd: {  	vm12 =	vnez.u8 v60;
	v60 =	vimm.s32 $0x0;
	v16 =	vsel vm15, v28, v16  }
0xce: {  	vm7 =	vmor vm7, vm12;
	vm12 =	vnez.u8 v61;
	v61 =	vimm.s32 $0x0  }
0xcf: {  	v16 =	vsel vm1, v26, v16;
	vm7 =	vmor vm7, vm12;
	vm12 =	veq.s32 v5, v49  }
0xd0: {  	[tilespmem:$0x1FA60] =	vst v59;
	v59 =	vsel vm7, $0xFFFFFFFF, v62;
	v16 =	vsel vm0, v27, v16;
	vm0 =	vmor vm0, vm1  }
0xd1: {  	vm7 =	veq.s32 v5, v44;
	v62 =	vimm.s32 $0x0;
	vm1 =	veq.s32 v5, v42  }
0xd2: {  	[tilespmem:$0x1FE60] =	vst v16;
	v16 =	vimm.s32 $0x0;
	vm0 =	vmor vm0, vm15;
	vm15 =	veq.s32 v5, v25  }
0xd3: {  	v16 =	vsel vm12, $0xFFFFFFFF, v16;
	vm0 =	vmor vm0, vm9;
	vm9 =	veq.s32 v5, v41  }
0xd4: {  	[tilespmem:$0x1FB00] =	vst v16;
	v16 =	vnsel vm12, $0x0, v56;
	vm12 =	veq.s32 v5, v46;
	vm0 =	vmor vm0, vm11  }
0xd5: {  	[tilespmem:$0x1FDB0] =	vst v59;
	vm11 =	veq.s32 v5, v40;
	v59 =	vsel vm12, $0xFFFFFFFF, v63;
	v16 =	vsel vm12, v55, v16  }
0xd6: {  	vm0 =	vmor vm0, vm13;
	vm13 =	veq.s32 v5, v33;
	[tilespmem:$0x1FAF0] =	vst v59;
	v59 =	vsel vm7, $0xFFFFFFFF, v60  }
0xd7: {  	v16 =	vsel vm7, v54, v16;
	vm0 =	vmor vm0, vm4;
	vm7 =	veq.s32 v5, v17  }
0xd8: {  	vm4 =	veq.s32 v5, v0;
	[tilespmem:$0x1FAE0] =	vst v59;
	v59 =	vsel vm9, $0xFFFFFFFF, v61;
	v16 =	vsel vm9, v53, v16  }
0xd9: {  	v63 =	vld [tilespmem:$0x1FA60];
	vm0 =	vmor vm0, vm3;
	vm9 =	veq.s32 v5, v22;
	vm3 =	veq.s32 v5, v19  }
0xda: {  	v60 =	vld [tilespmem:$0x1FA70];
	[tilespmem:$0x1FAD0] =	vst v59;
	v59 =	vsel vm11, $0xFFFFFFFF, v62;
	v16 =	vsel vm11, v52, v16;
	vm0 =	vmor vm0, vm2  }
0xdb: {  	v61 =	vld [tilespmem:$0x1FA80];
	vm2 =	veq.s32 v5, v18;
	v16 =	vsel vm13, v51, v16;
	vm12 =	vmor vm0, vm5  }
0xdc: {  	v62 =	vld [tilespmem:$0x1FA90];
	vm5 =	veq.s32 v5, v21;
	v16 =	vsel vm15, v50, v16;
	vm6 =	vmor vm12, vm6  }
0xdd: {  	vm0 =	veq.s32 v5, v45;
	v16 =	vsel vm9, v48, v16;
	vm11 =	vmor vm6, vm8  }
0xde: {  	vm6 =	veq.s32 v5, v23;
	v16 =	vsel vm7, v43, v16;
	vm12 =	vmor vm11, vm10  }
0xdf: {  	vm11 =	vnez.u8 v63;
	vm10 =	veq.s32 v5, v24;
	v16 =	vsel vm4, v38, v16  }
0xe0: {  	v63 =	vld [tilespmem:$0x1FAA0];
	vm14 =	vmor vm12, vm14;
	vm12 =	vnez.u8 v60;
	v16 =	vsel vm3, v39, v16  }
0xe1: {  	v60 =	vld [tilespmem:$0x1FAB0];
	vm8 =	vmor vm14, vm11;
	vm14 =	vnez.u8 v61;
	vm11 =	vnez.u8 v62  }
0xe2: {  	v61 =	vimm.s32 $0x0;
	v62 =	vimm.s32 $0x0;
	v16 =	vsel vm2, v37, v16  }
0xe3: {  	vm8 =	vmor vm8, vm12;
	vm12 =	veq.s32 v5, v29;
	v16 =	vsel vm5, v35, v16  }
0xe4: {  	vm8 =	vmor vm8, vm14;
	vm14 =	veq.s32 v5, v36;
	v16 =	vsel vm6, v34, v16  }
0xe5: {  	vm8 =	vmor vm8, vm11;
	vm11 =	vnez.u8 v63;
	v63 =	vimm.s32 $0x0  }
0xe6: {  	v16 =	vsel vm10, v32, v16;
	vm8 =	vmor vm8, vm11;
	vm11 =	vnez.u8 v60  }
0xe7: {  	v60 =	vimm.s32 $0x0;
	v16 =	vsel vm12, v31, v16;
	vm8 =	vmor vm8, vm11  }
0xe8: {  	[tilespmem:$0x1FAC0] =	vst v59;
	vm11 =	veq.s32 v6, v46;
	v16 =	vsel vm14, v30, v16;
	v59 =	vsel vm8, $0xFFFFFFFF, v61  }
0xe9: {  	vm8 =	veq.s32 v5, v47;
	v61 =	vimm.s32 $0x0;
	v16 =	vsel vm1, v28, v16  }
0xea: {  	[tilespmem:$0x1FDC0] =	vst v59;
	v59 =	vsel vm11, $0xFFFFFFFF, v62;
	v16 =	vsel vm0, v26, v16;
	vm0 =	vmor vm8, vm0  }
0xeb: {  	v16 =	vsel vm8, v27, v16;
	vm8 =	veq.s32 v6, v49;
	vm0 =	vmor vm0, vm1  }
0xec: {  	[tilespmem:$0x1FE70] =	vst v16;
	v16 =	vimm.s32 $0x0;
	vm0 =	vmor vm0, vm14;
	vm14 =	veq.s32 v6, v44  }
0xed: {  	[tilespmem:$0x1FB40] =	vst v59;
	vm1 =	veq.s32 v6, v47;
	v16 =	vsel vm8, $0xFFFFFFFF, v16;
	v59 =	vsel vm14, $0xFFFFFFFF, v63  }
0xee: {  	vm0 =	vmor vm0, vm12;
	vm12 =	veq.s32 v6, v33;
	[tilespmem:$0x1FB50] =	vst v16;
	v16 =	vnsel vm8, $0x0, v56  }
0xef: {  	vm8 =	veq.s32 v6, v41;
	vm0 =	vmor vm0, vm10;
	vm10 =	veq.s32 v6, v40  }
0xf0: {  	[tilespmem:$0x1FB30] =	vst v59;
	v16 =	vsel vm11, v55, v16;
	v59 =	vsel vm8, $0xFFFFFFFF, v60;
	vm0 =	vmor vm0, vm6  }
0xf1: {  	vm6 =	veq.s32 v6, v0;
	v16 =	vsel vm14, v54, v16;
	[tilespmem:$0x1FB20] =	vst v59;
	v59 =	vsel vm10, $0xFFFFFFFF, v61  }
0xf2: {  	vm0 =	vmor vm0, vm5;
	vm14 =	veq.s32 v6, v25;
	vm5 =	veq.s32 v6, v19  }
0xf3: {  	v62 =	vld [tilespmem:$0x1FAC0];
	v16 =	vsel vm8, v53, v16;
	vm0 =	vmor vm0, vm2;
	vm8 =	veq.s32 v6, v17  }
0xf4: {  	v63 =	vld [tilespmem:$0x1FAD0];
	vm2 =	veq.s32 v6, v18;
	v16 =	vsel vm10, v52, v16;
	vm0 =	vmor vm0, vm3  }
0xf5: {  	v60 =	vld [tilespmem:$0x1FAE0];
	vm10 =	veq.s32 v6, v22;
	v16 =	vsel vm12, v51, v16;
	vm0 =	vmor vm0, vm4  }
0xf6: {  	vm3 =	veq.s32 v6, v21;
	v16 =	vsel vm14, v50, v16;
	vm11 =	vmor vm0, vm7  }
0xf7: {  	vm4 =	veq.s32 v6, v23;
	v16 =	vsel vm10, v48, v16;
	vm9 =	vmor vm11, vm9  }
0xf8: {  	v61 =	vld [tilespmem:$0x1FAF0];
	v16 =	vsel vm8, v43, v16;
	vm11 =	vmor vm9, vm15;
	vm15 =	vnez.u8 v62  }
0xf9: {  	vm9 =	vnez.u8 v63;
	v63 =	vimm.s32 $0x0;
	v16 =	vsel vm6, v38, v16  }
0xfa: {  	vm13 =	vmor vm11, vm13;
	vm11 =	vnez.u8 v60;
	v60 =	vimm.s32 $0x0  }
0xfb: {  	v62 =	vld [tilespmem:$0x1FB00];
	v16 =	vsel vm5, v39, v16;
	vm7 =	vmor vm13, vm15;
	vm15 =	veq.s32 v6, v24  }
0xfc: {  	vm13 =	veq.s32 v6, v29;
	v16 =	vsel vm2, v37, v16;
	vm7 =	vmor vm7, vm9  }
0xfd: {  	vm9 =	vnez.u8 v61;
	v61 =	vimm.s32 $0x0;
	v16 =	vsel vm3, v35, v16  }
0xfe: {  	vm7 =	vmor vm7, vm11;
	vm11 =	veq.s32 v6, v36;
	v16 =	vsel vm4, v34, v16  }
0xff: {  	vm7 =	vmor vm7, vm9;
	vm9 =	veq.s32 v6, v42;
	v16 =	vsel vm15, v32, v16  }
0x100: {  	vm0 =	vnez.u8 v62;
	v62 =	vimm.s32 $0x0;
	v16 =	vsel vm13, v31, v16  }
0x101: {  	vm0 =	vmor vm7, vm0;
	vm7 =	veq.s32 v6, v45;
	v16 =	vsel vm11, v30, v16  }
0x102: {  	[tilespmem:$0x1FB10] =	vst v59;
	v59 =	vsel vm0, $0xFFFFFFFF, v63;
	vm0 =	veq.s32 v7, v49;
	v16 =	vsel vm9, v28, v16  }
0x103: {  	v63 =	vimm.s32 $0x0;
	[tilespmem:$0x1FDD0] =	vst v59;
	v59 =	vsel vm0, $0xFFFFFFFF, v60;
	v16 =	vsel vm7, v26, v16  }
0x104: {  	v60 =	vimm.s32 $0x0;
	v16 =	vsel vm1, v27, v16;
	vm1 =	vmor vm1, vm7  }
0x105: {  	vm7 =	veq.s32 v7, v44;
	[tilespmem:$0x1FE80] =	vst v16;
	v16 =	vnsel vm0, $0x0, v56;
	vm0 =	veq.s32 v7, v46  }
0x106: {  	[tilespmem:$0x1FBB0] =	vst v59;
	vm9 =	vmor vm1, vm9;
	v59 =	vsel vm0, $0xFFFFFFFF, v61;
	v16 =	vsel vm0, v55, v16  }
0x107: {  	vm0 =	vmor vm9, vm11;
	vm9 =	veq.s32 v7, v40;
	vm11 =	veq.s32 v7, v33  }
0x108: {  	[tilespmem:$0x1FBA0] =	vst v59;
	v59 =	vsel vm7, $0xFFFFFFFF, v62;
	v16 =	vsel vm7, v54, v16;
	vm7 =	veq.s32 v7, v41  }
0x109: {  	v61 =	vimm.s32 $0x0;
	vm0 =	vmor vm0, vm13;
	[tilespmem:$0x1FB90] =	vst v59;
	v59 =	vsel vm7, $0xFFFFFFFF, v63  }
0x10a: {  	v16 =	vsel vm7, v53, v16;
	vm0 =	vmor vm0, vm15;
	vm15 =	veq.s32 v7, v25  }
0x10b: {  	vm7 =	veq.s32 v7, v0;
	[tilespmem:$0x1FB80] =	vst v59;
	v59 =	vsel vm9, $0xFFFFFFFF, v60;
	v16 =	vsel vm9, v52, v16  }
0x10c: {  	v62 =	vld [tilespmem:$0x1FB10];
	vm0 =	vmor vm0, vm4;
	vm9 =	veq.s32 v7, v17;
	vm4 =	veq.s32 v7, v23  }
0x10d: {  	v63 =	vld [tilespmem:$0x1FB20];
	[tilespmem:$0x1FB70] =	vst v59;
	v59 =	vsel vm11, $0xFFFFFFFF, v61;
	v16 =	vsel vm11, v51, v16;
	vm0 =	vmor vm0, vm3  }
0x10e: {  	v60 =	vld [tilespmem:$0x1FB30];
	vm11 =	veq.s32 v7, v22;
	v16 =	vsel vm15, v50, v16;
	vm0 =	vmor vm0, vm2  }
0x10f: {  	vm3 =	veq.s32 v7, v19;
	v16 =	vsel vm11, v48, v16;
	vm2 =	vmor vm0, vm5  }
0x110: {  	vm5 =	veq.s32 v7, v18;
	v16 =	vsel vm9, v43, v16;
	vm2 =	vmor vm2, vm6  }
0x111: {  	vm0 =	veq.s32 v7, v47;
	v16 =	vsel vm7, v38, v16;
	vm13 =	vmor vm2, vm8  }
0x112: {  	vm2 =	veq.s32 v7, v21;
	vm8 =	vnez.u8 v62;
	v16 =	vsel vm3, v39, v16  }
0x113: {  	vm1 =	vmor vm13, vm10;
	vm10 =	vnez.u8 v63;
	vm13 =	vnez.u8 v60  }
0x114: {  	v61 =	vld [tilespmem:$0x1FB40];
	v63 =	vimm.s32 $0x0;
	v60 =	vimm.s32 $0x0;
	v16 =	vsel vm5, v37, v16  }
0x115: {  	vm6 =	vmor vm1, vm14;
	vm14 =	veq.s32 v7, v24;
	vm1 =	veq.s32 v7, v45  }
0x116: {  	v62 =	vld [tilespmem:$0x1FB50];
	v16 =	vsel vm2, v35, v16;
	vm6 =	vmor vm6, vm12;
	vm12 =	veq.s32 v7, v29  }
0x117: {  	v16 =	vsel vm4, v34, v16;
	vm6 =	vmor vm6, vm8;
	vm8 =	veq.s32 v7, v36  }
0x118: {  	v16 =	vsel vm14, v32, v16;
	vm6 =	vmor vm6, vm10;
	vm10 =	veq.s32 v7, v42  }
0x119: {  	v16 =	vsel vm12, v31, v16;
	vm6 =	vmor vm6, vm13;
	vm13 =	vnez.u8 v61  }
0x11a: {  	v61 =	vimm.s32 $0x0;
	v16 =	vsel vm8, v30, v16;
	vm6 =	vmor vm6, vm13  }
0x11b: {  	vm13 =	vnez.u8 v62;
	v62 =	vimm.s32 $0x0;
	v16 =	vsel vm10, v28, v16  }
0x11c: {  	vm6 =	vmor vm6, vm13;
	vm13 =	veq.s32 v8, v49;
	v16 =	vsel vm1, v26, v16  }
0x11d: {  	[tilespmem:$0x1FB60] =	vst v59;
	v59 =	vsel vm6, $0xFFFFFFFF, v63;
	vm6 =	veq.s32 v8, v46;
	v63 =	vimm.s32 $0x0  }
0x11e: {  	[tilespmem:$0x1FDE0] =	vst v59;
	v16 =	vsel vm0, v27, v16;
	vm0 =	vmor vm0, vm1;
	v59 =	vsel vm6, $0xFFFFFFFF, v60  }
0x11f: {  	vm1 =	veq.s32 v8, v42;
	[tilespmem:$0x1FE90] =	vst v16;
	v16 =	vimm.s32 $0x0;
	vm0 =	vmor vm0, vm10  }
0x120: {  	v16 =	vsel vm13, $0xFFFFFFFF, v16;
	vm0 =	vmor vm0, vm8;
	vm8 =	veq.s32 v8, v40  }
0x121: {  	[tilespmem:$0x1FC00] =	vst v16;
	v16 =	vnsel vm13, $0x0, v56;
	vm13 =	veq.s32 v8, v44;
	vm0 =	vmor vm0, vm12  }
0x122: {  	[tilespmem:$0x1FBF0] =	vst v59;
	vm12 =	veq.s32 v8, v33;
	v16 =	vsel vm6, v55, v16;
	v59 =	vsel vm13, $0xFFFFFFFF, v61  }
0x123: {  	vm6 =	veq.s32 v8, v41;
	vm0 =	vmor vm0, vm14;
	vm14 =	veq.s32 v8, v25  }
0x124: {  	[tilespmem:$0x1FBE0] =	vst v59;
	v16 =	vsel vm13, v54, v16;
	v59 =	vsel vm6, $0xFFFFFFFF, v62;
	vm0 =	vmor vm0, vm4  }
0x125: {  	v60 =	vld [tilespmem:$0x1FB60];
	vm4 =	veq.s32 v8, v0;
	[tilespmem:$0x1FBD0] =	vst v59;
	v16 =	vsel vm6, v53, v16;
	v59 =	vsel vm8, $0xFFFFFFFF, v63  }
0x126: {  	v61 =	vld [tilespmem:$0x1FB70];
	vm0 =	vmor vm0, vm2;
	vm6 =	veq.s32 v8, v17;
	vm2 =	veq.s32 v8, v19  }
0x127: {  	v62 =	vld [tilespmem:$0x1FB80];
	v16 =	vsel vm8, v52, v16;
	vm8 =	veq.s32 v8, v22;
	vm0 =	vmor vm0, vm5  }
0x128: {  	vm5 =	veq.s32 v8, v21;
	v16 =	vsel vm12, v51, v16;
	vm10 =	vmor vm0, vm3  }
0x129: {  	vm0 =	veq.s32 v8, v45;
	v16 =	vsel vm14, v50, v16;
	vm3 =	vmor vm10, vm7  }
0x12a: {  	v63 =	vld [tilespmem:$0x1FB90];
	vm10 =	vnez.u8 v60;
	v16 =	vsel vm8, v48, v16;
	vm13 =	vmor vm3, vm9  }
0x12b: {  	vm3 =	veq.s32 v8, v18;
	v16 =	vsel vm6, v43, v16;
	vm9 =	vmor vm13, vm11  }
0x12c: {  	vm11 =	vnez.u8 v61;
	vm13 =	vnez.u8 v62;
	v62 =	vimm.s32 $0x0  }
0x12d: {  	v60 =	vld [tilespmem:$0x1FBA0];
	v16 =	vsel vm4, v38, v16;
	vm7 =	vmor vm9, vm15;
	vm15 =	veq.s32 v8, v23  }
0x12e: {  	v61 =	vld [tilespmem:$0x1FBB0];
	vm9 =	veq.s32 v8, v24;
	v16 =	vsel vm2, v39, v16;
	vm7 =	vmor vm7, vm10  }
0x12f: {  	vm10 =	vnez.u8 v63;
	v63 =	vimm.s32 $0x0;
	v16 =	vsel vm3, v37, v16  }
0x130: {  	vm7 =	vmor vm7, vm11;
	vm11 =	veq.s32 v8, v29;
	v16 =	vsel vm5, v35, v16  }
0x131: {  	vm7 =	vmor vm7, vm13;
	vm13 =	veq.s32 v8, v36;
	v16 =	vsel vm15, v34, v16  }
0x132: {  	vm7 =	vmor vm7, vm10;
	vm10 =	vnez.u8 v60;
	v60 =	vimm.s32 $0x0  }
0x133: {  	v16 =	vsel vm9, v32, v16;
	vm7 =	vmor vm7, vm10;
	vm10 =	vnez.u8 v61  }
0x134: {  	v61 =	vimm.s32 $0x0;
	v16 =	vsel vm11, v31, v16;
	vm7 =	vmor vm7, vm10  }
0x135: {  	[tilespmem:$0x1FBC0] =	vst v59;
	vm10 =	veq.s32 v8, v47;
	v16 =	vsel vm13, v30, v16;
	v59 =	vsel vm7, $0xFFFFFFFF, v62  }
0x136: {  	vm7 =	veq.s32 v9, v46;
	v62 =	vimm.s32 $0x0;
	v16 =	vsel vm1, v28, v16  }
0x137: {  	[tilespmem:$0x1FE00] =	vst v59;
	v59 =	vsel vm7, $0xFFFFFFFF, v63;
	v16 =	vsel vm0, v26, v16;
	vm0 =	vmor vm10, vm0  }
0x138: {  	v16 =	vsel vm10, v27, v16;
	vm10 =	veq.s32 v9, v49;
	vm0 =	vmor vm0, vm1  }
0x139: {  	vm1 =	veq.s32 v9, v47;
	[tilespmem:$0x1FEA0] =	vst v16;
	v16 =	vimm.s32 $0x0;
	vm0 =	vmor vm0, vm13  }
0x13a: {  	vm13 =	veq.s32 v9, v40;
	v16 =	vsel vm10, $0xFFFFFFFF, v16;
	vm0 =	vmor vm0, vm11  }
0x13b: {  	vm11 =	veq.s32 v9, v41;
	[tilespmem:$0x1FC50] =	vst v16;
	v16 =	vnsel vm10, $0x0, v56;
	vm10 =	veq.s32 v9, v44  }
0x13c: {  	vm0 =	vmor vm0, vm9;
	vm9 =	veq.s32 v9, v17;
	v16 =	vsel vm7, v55, v16  }
0x13d: {  	[tilespmem:$0x1FC40] =	vst v59;
	v59 =	vsel vm10, $0xFFFFFFFF, v60;
	vm0 =	vmor vm0, vm15;
	vm15 =	veq.s32 v9, v22  }
0x13e: {  	vm7 =	veq.s32 v9, v0;
	[tilespmem:$0x1FC30] =	vst v59;
	v16 =	vsel vm10, v54, v16;
	v59 =	vsel vm11, $0xFFFFFFFF, v61  }
0x13f: {  	vm0 =	vmor vm0, vm5;
	vm5 =	veq.s32 v9, v19;
	v16 =	vsel vm11, v53, v16  }
0x140: {  	v60 =	vld [tilespmem:$0x1FBD0];
	[tilespmem:$0x1FC20] =	vst v59;
	v59 =	vsel vm13, $0xFFFFFFFF, v62;
	vm11 =	veq.s32 v9, v33;
	vm0 =	vmor vm0, vm3  }
0x141: {  	vm3 =	veq.s32 v9, v18;
	v16 =	vsel vm13, v52, v16;
	vm0 =	vmor vm0, vm2  }
0x142: {  	v63 =	vld [tilespmem:$0x1FBC0];
	vm13 =	veq.s32 v9, v25;
	v16 =	vsel vm11, v51, v16;
	vm0 =	vmor vm0, vm4  }
0x143: {  	v61 =	vld [tilespmem:$0x1FBE0];
	vm2 =	veq.s32 v9, v21;
	v16 =	vsel vm13, v50, v16;
	vm0 =	vmor vm0, vm6  }
0x144: {  	vm4 =	veq.s32 v9, v23;
	v16 =	vsel vm15, v48, v16;
	vm6 =	vmor vm0, vm8  }
0x145: {  	v62 =	vld [tilespmem:$0x1FBF0];
	v16 =	vsel vm9, v43, v16;
	vm8 =	vmor vm6, vm14;
	vm14 =	vnez.u8 v60  }
0x146: {  	v60 =	vimm.s32 $0x0;
	v16 =	vsel vm7, v38, v16;
	vm10 =	vmor vm8, vm12  }
0x147: {  	vm12 =	vnez.u8 v63;
	vm8 =	veq.s32 v9, v24;
	v16 =	vsel vm5, v39, v16  }
0x148: {  	v63 =	vld [tilespmem:$0x1FC00];
	vm6 =	vmor vm10, vm12;
	vm12 =	veq.s32 v9, v29;
	vm10 =	vnez.u8 v61  }
0x149: {  	v61 =	vimm.s32 $0x0;
	v16 =	vsel vm3, v37, v16;
	vm6 =	vmor vm6, vm14  }
0x14a: {  	vm14 =	vnez.u8 v62;
	v62 =	vimm.s32 $0x0;
	v16 =	vsel vm2, v35, v16  }
0x14b: {  	vm6 =	vmor vm6, vm10;
	vm10 =	veq.s32 v9, v36;
	v16 =	vsel vm4, v34, v16  }
0x14c: {  	vm6 =	vmor vm6, vm14;
	vm14 =	veq.s32 v9, v42;
	v16 =	vsel vm8, v32, v16  }
0x14d: {  	vm0 =	vnez.u8 v63;
	v63 =	vimm.s32 $0x0;
	v16 =	vsel vm12, v31, v16  }
0x14e: {  	vm0 =	vmor vm6, vm0;
	vm6 =	veq.s32 v9, v45;
	v16 =	vsel vm10, v30, v16  }
0x14f: {  	[tilespmem:$0x1FC10] =	vst v59;
	v59 =	vsel vm0, $0xFFFFFFFF, v60;
	vm0 =	veq.s32 v11, v49;
	v16 =	vsel vm14, v28, v16  }
0x150: {  	v60 =	vimm.s32 $0x0;
	[tilespmem:$0x1FE10] =	vst v59;
	v59 =	vsel vm0, $0xFFFFFFFF, v61;
	v16 =	vsel vm6, v26, v16  }
0x151: {  	v61 =	vimm.s32 $0x0;
	v16 =	vsel vm1, v27, v16;
	vm1 =	vmor vm1, vm6  }
0x152: {  	vm6 =	veq.s32 v11, v44;
	[tilespmem:$0x1FED0] =	vst v16;
	v16 =	vnsel vm0, $0x0, v56;
	vm0 =	veq.s32 v11, v46  }
0x153: {  	[tilespmem:$0x1FCB0] =	vst v59;
	vm14 =	vmor vm1, vm14;
	vm1 =	veq.s32 v11, v19;
	v59 =	vsel vm0, $0xFFFFFFFF, v62  }
0x154: {  	v16 =	vsel vm0, v55, v16;
	vm0 =	vmor vm14, vm10;
	vm10 =	veq.s32 v11, v40  }
0x155: {  	vm14 =	veq.s32 v11, v33;
	v62 =	vimm.s32 $0x0;
	[tilespmem:$0x1FCA0] =	vst v59;
	v59 =	vsel vm6, $0xFFFFFFFF, v63  }
0x156: {  	v16 =	vsel vm6, v54, v16;
	vm6 =	veq.s32 v11, v41;
	vm0 =	vmor vm0, vm12  }
0x157: {  	[tilespmem:$0x1FC90] =	vst v59;
	v59 =	vsel vm6, $0xFFFFFFFF, v60;
	v16 =	vsel vm6, v53, v16;
	vm0 =	vmor vm0, vm8  }
0x158: {  	vm6 =	veq.s32 v11, v17;
	[tilespmem:$0x1FC80] =	vst v59;
	v59 =	vsel vm10, $0xFFFFFFFF, v61;
	v16 =	vsel vm10, v52, v16  }
0x159: {  	vm0 =	vmor vm0, vm4;
	vm10 =	veq.s32 v11, v22;
	[tilespmem:$0x1FC70] =	vst v59;
	v59 =	vsel vm14, $0xFFFFFFFF, v62  }
0x15a: {  	v63 =	vld [tilespmem:$0x1FC10];
	v16 =	vsel vm14, v51, v16;
	vm14 =	veq.s32 v11, v25;
	vm0 =	vmor vm0, vm2  }
0x15b: {  	v60 =	vld [tilespmem:$0x1FC20];
	vm4 =	veq.s32 v11, v0;
	v16 =	vsel vm14, v50, v16;
	vm0 =	vmor vm0, vm3  }
0x15c: {  	vm2 =	veq.s32 v11, v18;
	v16 =	vsel vm10, v48, v16;
	vm5 =	vmor vm0, vm5  }
0x15d: {  	v61 =	vld [tilespmem:$0x1FC30];
	vm3 =	veq.s32 v11, v21;
	v16 =	vsel vm6, v43, v16;
	vm8 =	vmor vm5, vm7  }
0x15e: {  	vm5 =	veq.s32 v11, v23;
	v16 =	vsel vm4, v38, v16;
	vm12 =	vmor vm8, vm9  }
0x15f: {  	vm9 =	vnez.u8 v63;
	vm8 =	veq.s32 v11, v36;
	v16 =	vsel vm1, v39, v16  }
0x160: {  	v62 =	vld [tilespmem:$0x1FC40];
	vm0 =	vmor vm12, vm15;
	vm15 =	veq.s32 v11, v24;
	vm12 =	vnez.u8 v60  }
0x161: {  	v60 =	vimm.s32 $0x0;
	v16 =	vsel vm2, v37, v16;
	vm7 =	vmor vm0, vm13  }
0x162: {  	vm13 =	vnez.u8 v61;
	vm0 =	veq.s32 v11, v47;
	v61 =	vimm.s32 $0x0  }
0x163: {  	v63 =	vld [tilespmem:$0x1FC50];
	v16 =	vsel vm3, v35, v16;
	vm7 =	vmor vm7, vm11;
	vm11 =	veq.s32 v11, v29  }
0x164: {  	v16 =	vsel vm5, v34, v16;
	vm7 =	vmor vm7, vm9;
	vm9 =	veq.s32 v11, v42  }
0x165: {  	v16 =	vsel vm15, v32, v16;
	vm7 =	vmor vm7, vm12;
	vm12 =	vnez.u8 v62  }
0x166: {  	v62 =	vimm.s32 $0x0;
	v16 =	vsel vm11, v31, v16;
	vm7 =	vmor vm7, vm13  }
0x167: {  	vm13 =	veq.s32 v11, v45;
	v16 =	vsel vm8, v30, v16;
	vm7 =	vmor vm7, vm12  }
0x168: {  	vm12 =	vnez.u8 v63;
	v63 =	vimm.s32 $0x0;
	v16 =	vsel vm9, v28, v16  }
0x169: {  	vm7 =	vmor vm7, vm12;
	vm12 =	veq.s32 v12, v49;
	v16 =	vsel vm13, v26, v16  }
0x16a: {  	[tilespmem:$0x1FC60] =	vst v59;
	v59 =	vsel vm7, $0xFFFFFFFF, v60;
	v60 =	vimm.s32 $0x0;
	v16 =	vsel vm0, v27, v16  }
0x16b: {  	vm0 =	vmor vm0, vm13;
	vm13 =	veq.s32 v12, v44;
	[tilespmem:$0x1FF00] =	vst v16;
	v16 =	vimm.s32 $0x0  }
0x16c: {  	vm0 =	vmor vm0, vm9;
	vm9 =	veq.s32 v12, v41;
	v16 =	vsel vm12, $0xFFFFFFFF, v16  }
0x16d: {  	vm0 =	vmor vm0, vm8;
	vm8 =	veq.s32 v12, v17;
	[tilespmem:$0x1FD00] =	vst v16;
	v16 =	vnsel vm12, $0x0, v56  }
0x16e: {  	vm12 =	veq.s32 v12, v46;
	vm0 =	vmor vm0, vm11;
	vm11 =	veq.s32 v12, v33  }
0x16f: {  	[tilespmem:$0x1FE30] =	vst v59;
	v59 =	vsel vm12, $0xFFFFFFFF, v61;
	v16 =	vsel vm12, v55, v16;
	vm12 =	veq.s32 v12, v40  }
0x170: {  	vm0 =	vmor vm0, vm15;
	vm15 =	veq.s32 v12, v25;
	[tilespmem:$0x1FCF0] =	vst v59;
	v59 =	vsel vm13, $0xFFFFFFFF, v62  }
0x171: {  	v16 =	vsel vm13, v54, v16;
	vm0 =	vmor vm0, vm5;
	vm5 =	veq.s32 v12, v0  }
0x172: {  	[tilespmem:$0x1FCE0] =	vst v59;
	v59 =	vsel vm9, $0xFFFFFFFF, v63;
	v16 =	vsel vm9, v53, v16;
	vm0 =	vmor vm0, vm3  }
0x173: {  	v62 =	vld [tilespmem:$0x1FC70];
	vm9 =	veq.s32 v12, v22;
	vm3 =	veq.s32 v12, v18;
	v16 =	vsel vm12, v52, v16  }
0x174: {  	v61 =	vld [tilespmem:$0x1FC60];
	[tilespmem:$0x1FCD0] =	vst v59;
	v59 =	vsel vm12, $0xFFFFFFFF, v60;
	vm0 =	vmor vm0, vm2;
	v16 =	vsel vm11, v51, v16  }
0x175: {  	v63 =	vld [tilespmem:$0x1FC80];
	vm2 =	veq.s32 v12, v19;
	vm1 =	vmor vm0, vm1;
	v16 =	vsel vm15, v50, v16  }
0x176: {  	vm0 =	veq.s32 v12, v45;
	vm13 =	vmor vm1, vm4;
	v16 =	vsel vm9, v48, v16  }
0x177: {  	vm1 =	veq.s32 v12, v24;
	vm4 =	vmor vm13, vm6;
	v16 =	vsel vm8, v43, v16  }
0x178: {  	v60 =	vld [tilespmem:$0x1FC90];
	vm12 =	vnez.u8 v62;
	vm6 =	vmor vm4, vm10;
	v16 =	vsel vm5, v38, v16  }
0x179: {  	vm4 =	veq.s32 v12, v21;
	vm10 =	vnez.u8 v61;
	v16 =	vsel vm2, v39, v16  }
0x17a: {  	vm13 =	vnez.u8 v63;
	v61 =	vld [tilespmem:$0x1FCA0];
	vm14 =	vmor vm6, vm14;
	v16 =	vsel vm3, v37, v16  }
0x17b: {  	v62 =	vld [tilespmem:$0x1FCB0];
	vm6 =	veq.s32 v12, v23;
	vm7 =	vmor vm14, vm10;
	v16 =	vsel vm4, v35, v16  }
0x17c: {  	vm10 =	veq.s32 v12, v29;
	vm7 =	vmor vm7, vm12;
	v16 =	vsel vm6, v34, v16  }
0x17d: {  	vm14 =	vnez.u8 v60;
	vm7 =	vmor vm7, vm13;
	v16 =	vsel vm1, v32, v16  }
0x17e: {  	vm12 =	veq.s32 v12, v36;
	vm7 =	vmor vm7, vm14;
	v16 =	vsel vm10, v31, v16  }
0x17f: {  	vm14 =	veq.s32 v12, v42;
	vm13 =	vnez.u8 v61;
	v16 =	vsel vm12, v30, v16  }
0x180: {  	vm7 =	vmor vm7, vm13;
	vm13 =	vnez.u8 v62;
	v16 =	vsel vm14, v28, v16  }
0x181: {  	vm7 =	vmor vm7, vm13;
	vm13 =	veq.s32 v12, v47;
	v16 =	vsel vm0, v26, v16  }
0x182: {  	v16 =	vsel vm13, v27, v16  }
0x183: {  	vm0 =	vmor vm13, vm0;
	vm13 =	veq.s32 v13, v49;
	[tilespmem:$0x1FF30] =	vst v16;
	v16 =	vimm.s32 $0x0  }
0x184: {  	v16 =	vsel vm13, $0xFFFFFFFF, v16  }
0x185: {  	vm0 =	vmor vm0, vm14;
	vm14 =	veq.s32 v13, v46;
	[tilespmem:$0x1FD70] =	vst v16;
	v16 =	vimm.s32 $0x0  }
0x186: {  	v16 =	vsel vm14, $0xFFFFFFFF, v16  }
0x187: {  	v62 =	vnsel vm13, $0x0, v56;
	vm13 =	veq.s32 v13, v44;
	[tilespmem:$0x1FD50] =	vst v16;
	v16 =	vimm.s32 $0x0  }
0x188: {  	v63 =	vimm.s32 $0x0;
	vm0 =	vmor vm0, vm12;
	v16 =	vsel vm13, $0xFFFFFFFF, v16  }
0x189: {  	v62 =	vsel vm14, v55, v62;
	vm14 =	veq.s32 v13, v41;
	[tilespmem:$0x1FD40] =	vst v16;
	v16 =	vimm.s32 $0x0  }
0x18a: {  	[tilespmem:$0x1FCC0] =	vst v59;
	v59 =	vsel vm7, $0xFFFFFFFF, v63;
	vm0 =	vmor vm0, vm10;
	v16 =	vsel vm14, $0xFFFFFFFF, v16  }
0x18b: {  	vm7 =	veq.s32 v13, v40;
	vm0 =	vmor vm0, vm1;
	[tilespmem:$0x1FD30] =	vst v16;
	v16 =	vimm.s32 $0x0  }
0x18c: {  	vm0 =	vmor vm0, vm6;
	v16 =	vsel vm7, $0xFFFFFFFF, v16  }
0x18d: {  	vm10 =	veq.s32 v13, v33;
	vm0 =	vmor vm0, vm4;
	[tilespmem:$0x1FD20] =	vst v16;
	v16 =	vimm.s32 $0x0  }
0x18e: {  	vm0 =	vmor vm0, vm3;
	v16 =	vsel vm10, $0xFFFFFFFF, v16  }
0x18f: {  	v62 =	vsel vm13, v54, v62;
	vm0 =	vmor vm0, vm2;
	[tilespmem:$0x1FD10] =	vst v16;
	v16 =	vld [tilespmem:$0x1FCC0]  }
0x190: {  	v62 =	vsel vm14, v53, v62;
	vm2 =	vmor vm0, vm5  }
0x191: {  	v62 =	vsel vm7, v52, v62;
	vm5 =	vmor vm2, vm8  }
0x192: {  	vm12 =	veq.s32 v13, v25;
	v62 =	vsel vm10, v51, v62;
	vm8 =	vmor vm5, vm9  }
0x193: {  	v62 =	vsel vm12, v50, v62;
	vm8 =	vmor vm8, vm15  }
0x194: {  	vm10 =	veq.s32 v13, v22;
	vm8 =	vmor vm8, vm11;
	vm11 =	vnez.u8 v16;
	v16 =	vld [tilespmem:$0x1FCD0]  }
0x195: {  	vm7 =	veq.s32 v13, v17;
	v62 =	vsel vm10, v48, v62  }
0x196: {  	vm6 =	veq.s32 v13, v0;
	v62 =	vsel vm7, v43, v62  }
0x197: {  	vm4 =	veq.s32 v13, v19;
	v62 =	vsel vm6, v38, v62  }
0x198: {  	vm5 =	veq.s32 v13, v18;
	v62 =	vsel vm4, v39, v62  }
0x199: {  	vm15 =	veq.s32 v13, v21;
	v62 =	vsel vm5, v37, v62;
	vm13 =	vnez.u8 v16;
	v16 =	vld [tilespmem:$0x1FCE0]  }
0x19a: {  	vm9 =	veq.s32 v13, v23;
	v62 =	vsel vm15, v35, v62  }
0x19b: {  	vm8 =	vmor vm8, vm11;
	v62 =	vsel vm9, v34, v62;
	vm11 =	veq.s32 v13, v24  }
0x19c: {  	v62 =	vsel vm11, v32, v62;
	vm8 =	vmor vm8, vm13;
	vm13 =	veq.s32 v13, v29  }
0x19d: {  	vm3 =	veq.s32 v13, v36;
	v62 =	vsel vm13, v31, v62  }
0x19e: {  	vm2 =	veq.s32 v13, v42;
	v62 =	vsel vm3, v30, v62;
	vm14 =	vnez.u8 v16;
	v16 =	vld [tilespmem:$0x1FCF0]  }
0x19f: {  	vm1 =	veq.s32 v13, v47;
	vm0 =	veq.s32 v13, v45;
	v62 =	vsel vm2, v28, v62  }
0x1a0: {  	v62 =	vsel vm0, v26, v62;
	vm0 =	vmor vm1, vm0  }
0x1a1: {  	vm0 =	vmor vm0, vm2  }
0x1a2: {  	vm0 =	vmor vm0, vm3  }
0x1a3: {  	vm8 =	vmor vm8, vm14;
	vm0 =	vmor vm0, vm13;
	vm14 =	vnez.u8 v16;
	v16 =	vld [tilespmem:$0x1FD00]  }
0x1a4: {  	vm0 =	vmor vm0, vm11  }
0x1a5: {  	vm0 =	vmor vm0, vm9  }
0x1a6: {  	vm0 =	vmor vm0, vm15  }
0x1a7: {  	vm8 =	vmor vm8, vm14;
	vm0 =	vmor vm0, vm5  }
0x1a8: {  	vm0 =	vmor vm0, vm4;
	vm14 =	vnez.u8 v16;
	v16 =	vsel vm1, v27, v62  }
0x1a9: {  	vm14 =	vmor vm8, vm14;
	[tilespmem:$0x1FF80] =	vst v16;
	vm8 =	veq.s32 v14, v49;
	v16 =	vimm.s32 $0x0  }
0x1aa: {  	vm0 =	vmor vm0, vm6;
	v16 =	vsel vm8, $0xFFFFFFFF, v16  }
0x1ab: {  	v63 =	vnsel vm8, $0x0, v56;
	vm8 =	veq.s32 v14, v46;
	[tilespmem:$0x1FF90] =	vst v16;
	v16 =	vimm.s32 $0x0  }
0x1ac: {  	[tilespmem:$0x1FEB0] =	vst v0;
	vm9 =	vmor vm0, vm7;
	vm0 =	veq.s32 v14, v0;
	v0 =	vld [tilespmem:$0x1FD10];
	v16 =	vsel vm8, $0xFFFFFFFF, v16  }
0x1ad: {  	v63 =	vsel vm8, v55, v63;
	vm8 =	veq.s32 v14, v44;
	[tilespmem:$0x1FF60] =	vst v16;
	v16 =	vimm.s32 $0x0  }
0x1ae: {  	v16 =	vsel vm8, $0xFFFFFFFF, v16  }
0x1af: {  	vm11 =	veq.s32 v14, v41;
	v63 =	vsel vm8, v54, v63;
	[tilespmem:$0x1FF40] =	vst v16;
	v16 =	vimm.s32 $0x0  }
0x1b0: {  	v63 =	vsel vm11, v53, v63;
	v16 =	vsel vm11, $0xFFFFFFFF, v16;
	vm11 =	vmor vm9, vm10  }
0x1b1: {  	vm2 =	vmor vm11, vm12;
	vm12 =	vnez.u8 v0;
	v0 =	vld [tilespmem:$0x1FD20]  }
0x1b2: {  	vm3 =	veq.s32 v14, v18;
	vm13 =	veq.s32 v14, v40  }
0x1b3: {  	vm15 =	veq.s32 v14, v33;
	vm5 =	veq.s32 v14, v25;
	vm4 =	veq.s32 v14, v21  }
0x1b4: {  	vm6 =	veq.s32 v14, v47;
	vm1 =	veq.s32 v14, v19;
	[tilespmem:$0x1FF20] =	vst v16;
	v16 =	vimm.s32 $0x0  }
0x1b5: {  	vm7 =	veq.s32 v14, v23;
	v63 =	vsel vm13, v52, v63;
	v16 =	vsel vm13, $0xFFFFFFFF, v16  }
0x1b6: {  	v63 =	vsel vm15, v51, v63;
	[tilespmem:$0x1FF10] =	vst v16;
	v16 =	vimm.s32 $0x0;
	vm11 =	vnez.u8 v0;
	v0 =	vld [tilespmem:$0x1FD30]  }
0x1b7: {  	vm8 =	veq.s32 v14, v22;
	v63 =	vsel vm5, v50, v63;
	v16 =	vsel vm15, $0xFFFFFFFF, v16  }
0x1b8: {  	v63 =	vsel vm8, v48, v63;
	vm15 =	veq.s32 v14, v17;
	[tilespmem:$0x1FEF0] =	vst v16;
	v16 =	vimm.s32 $0x0  }
0x1b9: {  	vm2 =	vmor vm2, vm12;
	v63 =	vsel vm15, v43, v63;
	v16 =	vsel vm5, $0xFFFFFFFF, v16  }
0x1ba: {  	v63 =	vsel vm0, v38, v63;
	vm5 =	veq.s32 v14, v45;
	[tilespmem:$0x1FEE0] =	vst v16;
	v16 =	vimm.s32 $0x0  }
0x1bb: {  	v63 =	vsel vm1, v39, v63;
	vm2 =	vmor vm2, vm11;
	vm11 =	vnez.u8 v0;
	v0 =	vld [tilespmem:$0x1FD40]  }
0x1bc: {  	vm13 =	vmor vm6, vm5;
	v16 =	vsel vm8, $0xFFFFFFFF, v16;
	vm8 =	veq.s32 v14, v42  }
0x1bd: {  	vm10 =	veq.s32 v14, v36;
	v63 =	vsel vm3, v37, v63;
	vm9 =	vmor vm13, vm8  }
0x1be: {  	v63 =	vsel vm4, v35, v63;
	vm13 =	veq.s32 v14, v29;
	vm9 =	vmor vm9, vm10  }
0x1bf: {  	vm12 =	veq.s32 v14, v24;
	v63 =	vsel vm7, v34, v63;
	vm9 =	vmor vm9, vm13  }
0x1c0: {  	v63 =	vsel vm12, v32, v63;
	vm9 =	vmor vm9, vm12;
	vm12 =	vnez.u8 v0;
	v0 =	vld [tilespmem:$0x1FD50];
	_ =	sdelay $0x3  }
0x1c1: {  	[tilespmem:$0x1FEC0] =	vst v16;
	v16 =	vld [tilespmem:$0x1FDF0]  }
0x1c2: {  	v63 =	vsel vm13, v31, v63;
	vm13 =	vnez.u8 v0;
	v0 =	vld [tilespmem:$0x1FD60];
	_ =	sdelay $0x3  }
0x1c3: {  	vm2 =	vmor vm2, vm11;
	vm11 =	veq.s32 v15, v49;
	[tilespmem:$0x120] =	vst v16;
	v16 =	vimm.s32 $0x0  }
0x1c4: {  	v16 =	vsel vm11, $0xFFFFFFFF, v16;
	vm2 =	vmor vm2, vm12;
	vm12 =	vnez.u8 v0;
	v0 =	vld [tilespmem:$0x1FD70]  }
0x1c5: {  	[tilespmem:$0x1FFE0] =	vst v16;
	v16 =	vld [tilespmem:$0x1FE00];
	_ =	sdelay $0x3  }
0x1c6: {  	v62 =	vmovc v19;
	v19 =	vimm.f32 $0.0e+00;
	vm2 =	vmor vm2, vm13;
	vm13 =	vnez.u8 v0;
	v0 =	vld [tilespmem:$0x1FD80]  }
0x1c7: {  	v61 =	vsel vm12, $0x42000000, v19;
	vm12 =	vnez.u8 v16  }
0x1c8: {  	v16 =	vimm.s32 $0x0;
	vm2 =	vmor vm2, vm13;
	vm13 =	veq.s32 v15, v46  }
0x1c9: {  	vm7 =	vmor vm9, vm7;
	v16 =	vsel vm13, $0xFFFFFFFF, v16  }
0x1ca: {  	vm4 =	vmor vm7, vm4;
	[tilespmem:$0x1FFC0] =	vst v16;
	v16 =	vld [tilespmem:$0x1FE10]  }
0x1cb: {  	vm3 =	vmor vm4, vm3;
	vm4 =	vnez.u8 v0;
	v0 =	vld [tilespmem:$0x1FD90];
	_ =	sdelay $0x2  }
0x1cc: {  	v63 =	vsel vm10, v30, v63  }
0x1cd: {  	v63 =	vsel vm8, v28, v63;
	[tilespmem:$0x200] =	vst v61;
	v61 =	vsel vm4, $0x42000000, v19;
	vm4 =	vnez.u8 v16;
	v16 =	vld [tilespmem:$0x1FE20]  }
0x1ce: {  	v63 =	vsel vm5, v26, v63;
	vm5 =	vnez.u8 v0;
	v0 =	vld [tilespmem:$0x1FDA0];
	_ =	sdelay $0x3  }
0x1cf: {  	v60 =	vsel vm5, $0x42000000, v19;
	vm5 =	veq.s32 v15, v44;
	[tilespmem:$0x130] =	vst v16;
	v16 =	vimm.s32 $0x0  }
0x1d0: {  	v63 =	vsel vm6, v27, v63;
	v16 =	vsel vm5, $0xFFFFFFFF, v16;
	vm6 =	vnez.u8 v0;
	v0 =	vld [tilespmem:$0x1FDB0]  }
0x1d1: {  	[tilespmem:$0x1FFA0] =	vst v16;
	v16 =	vld [tilespmem:$0x1FE30];
	_ =	sdelay $0x4  }
0x1d2: {  	[tilespmem:$0x1FE40] =	vst v59;
	v59 =	vsel vm6, $0x42000000, v19;
	vm7 =	vnez.u8 v0;
	vm6 =	vnez.u8 v16  }
0x1d3: {  	[tilespmem:$0x110] =	vst v58;
	v16 =	vimm.s32 $0x0;
	v58 =	vsel vm7, $0x42000000, v19;
	vm7 =	veq.s32 v15, v41  }
0x1d4: {  	v0 =	vld [tilespmem:$0x1FDC0];
	v16 =	vsel vm7, $0xFFFFFFFF, v16  }
0x1d5: {  	[tilespmem:$0x1FF70] =	vst v16;
	v16 =	vld [tilespmem:$0x1FE40];
	_ =	sdelay $0x3  }
0x1d6: {  	vm8 =	vnez.u8 v0;
	v0 =	vld [tilespmem:$0x1FDD0]  }
0x1d7: {  	[tilespmem:$0x100] =	vst v57;
	v57 =	vsel vm8, $0x42000000, v19;
	vm8 =	vnez.u8 v16;
	v16 =	vld [tilespmem:$0x1FE50];
	_ =	sdelay $0x3  }
0x1d8: {  	[tilespmem:$0x210] =	vst v61;
	vm9 =	vnez.u8 v0  }
0x1d9: {  	v61 =	vsel vm9, $0x42000000, v19;
	vm9 =	veq.s32 v15, v40;
	[tilespmem:$0x140] =	vst v16;
	v16 =	vimm.s32 $0x0  }
0x1da: {  	v0 =	vld [tilespmem:$0x1FDE0];
	v16 =	vsel vm9, $0xFFFFFFFF, v16  }
0x1db: {  	[tilespmem:$0x1FF50] =	vst v16;
	v16 =	vld [tilespmem:$0x1FE60];
	_ =	sdelay $0x3  }
0x1dc: {  	vm10 =	vnez.u8 v0  }
0x1dd: {  	v0 =	vsel vm10, $0x42000000, v19;
	vm10 =	veq.s32 v15, v45;
	[tilespmem:$0x150] =	vst v16;
	v16 =	vimm.s32 $0x0  }
0x1de: {  	v16 =	vsel vm10, $0xFFFFFFFF, v16  }
0x1df: {  	v56 =	vnsel vm11, $0x0, v56;
	vm11 =	veq.s32 v15, v47;
	[tilespmem:$0x1FFB0] =	vst v16;
	v16 =	vimm.s32 $0x0  }
0x1e0: {  	v16 =	vsel vm11, $0xFFFFFFFF, v16  }
0x1e1: {  	[tilespmem:$0x1FFD0] =	vst v16;
	v16 =	vld [tilespmem:$0x1FE70];
	_ =	sdelay $0x4  }
0x1e2: {  	[tilespmem:$0x160] =	vst v16;
	v16 =	vld [tilespmem:$0x1FE80];
	_ =	sdelay $0x4  }
0x1e3: {  	[tilespmem:$0x170] =	vst v16;
	v16 =	vld [tilespmem:$0x1FE90];
	_ =	sdelay $0x4  }
0x1e4: {  	[tilespmem:$0x180] =	vst v16;
	v16 =	vld [tilespmem:$0x1FEA0];
	_ =	sdelay $0x4  }
0x1e5: {  	[tilespmem:$0x190] =	vst v16;
	v16 =	vld [tilespmem:$0x1FEB0];
	_ =	sdelay $0x3  }
0x1e6: {  	vm1 =	vmor vm3, vm1  }
0x1e7: {  	vm3 =	vmor vm1, vm0;
	vm1 =	veq.s32 v15, v16;
	v16 =	vld [tilespmem:$0x1FEC0];
	_ =	sdelay $0x4  }
0x1e8: {  	vm3 =	vmor vm3, vm15;
	v55 =	vsel vm13, v55, v56;
	vm15 =	vnez.u8 v16;
	v16 =	vld [tilespmem:$0x1FED0]  }
0x1e9: {  	vm13 =	veq.s32 v15, v42;
	v54 =	vsel vm5, v54, v55;
	vm0 =	vmor vm11, vm10  }
0x1ea: {  	[tilespmem:$0x230] =	vst v59;
	v59 =	vsel vm14, $0x42000000, v19;
	vm14 =	veq.s32 v15, v36;
	vm0 =	vmor vm0, vm13  }
0x1eb: {  	v53 =	vsel vm7, v53, v54;
	vm0 =	vmor vm0, vm14;
	vm11 =	veq.s32 v15, v29  }
0x1ec: {  	v52 =	vsel vm9, v52, v53;
	vm9 =	veq.s32 v15, v24;
	vm0 =	vmor vm0, vm11  }
0x1ed: {  	v49 =	vsel vm12, $0x42000000, v19;
	vm7 =	veq.s32 v15, v23;
	vm0 =	vmor vm0, vm9;
	[tilespmem:$0x1A0] =	vst v16;
	v16 =	vld [tilespmem:$0x1FEE0]  }
0x1ee: {  	v44 =	vsel vm6, $0x42000000, v19;
	vm6 =	veq.s32 v15, v21;
	vm0 =	vmor vm0, vm7  }
0x1ef: {  	[tilespmem:$0x220] =	vst v60;
	v60 =	vsel vm2, $0x42000000, v19;
	vm2 =	veq.s32 v15, v18;
	vm0 =	vmor vm0, vm6  }
0x1f0: {  	vm12 =	veq.s32 v15, v33;
	vm5 =	vmor vm0, vm2;
	vm0 =	veq.s32 v15, v62  }
0x1f1: {  	v33 =	vsel vm12, v51, v52;
	vm10 =	veq.s32 v15, v25;
	vm5 =	vmor vm5, vm0  }
0x1f2: {  	vm3 =	vmor vm3, vm15;
	vm15 =	vmor vm5, vm1;
	vm5 =	vnez.u8 v16;
	v16 =	vld [tilespmem:$0x1FEF0]  }
0x1f3: {  	v56 =	vsel vm8, $0x42000000, v19;
	vm8 =	veq.s32 v15, v22;
	v25 =	vsel vm10, v50, v33  }
0x1f4: {  	v46 =	vsel vm4, $0x42000000, v19;
	vm4 =	veq.s32 v15, v17;
	[tilespmem:$0x270] =	vst v0;
	v0 =	vsel vm8, v48, v25  }
0x1f5: {  	v0 =	vsel vm4, v43, v0  }
0x1f6: {  	v0 =	vsel vm1, v38, v0  }
0x1f7: {  	v0 =	vsel vm0, v39, v0;
	vm0 =	vmor vm15, vm4;
	vm15 =	vnez.u8 v16;
	v16 =	vld [tilespmem:$0x1FF00];
	_ =	sdelay $0x4  }
0x1f8: {  	[tilespmem:$0x1B0] =	vst v16;
	v16 =	vld [tilespmem:$0x1FF10];
	_ =	sdelay $0x4  }
0x1f9: {  	vm4 =	vnez.u8 v16;
	v16 =	vld [tilespmem:$0x1FF20];
	_ =	sdelay $0x4  }
0x1fa: {  	vm1 =	vmor vm3, vm5;
	vm5 =	vnez.u8 v16;
	v16 =	vld [tilespmem:$0x1FF30];
	_ =	sdelay $0x4  }
0x1fb: {  	[tilespmem:$0x1C0] =	vst v16;
	v16 =	vld [tilespmem:$0x1FF40];
	_ =	sdelay $0x3  }
0x1fc: {  	v0 =	vsel vm2, v37, v0  }
0x1fd: {  	v0 =	vsel vm6, v35, v0;
	vm6 =	vnez.u8 v16;
	v16 =	vld [tilespmem:$0x1FF50];
	_ =	sdelay $0x4  }
0x1fe: {  	v0 =	vsel vm7, v34, v0;
	vm7 =	vnez.u8 v16;
	v16 =	vld [tilespmem:$0x1FF60];
	_ =	sdelay $0x4  }
0x1ff: {  	vm0 =	vmor vm0, vm8;
	vm8 =	vnez.u8 v16;
	v16 =	vld [tilespmem:$0x1FF70];
	_ =	sdelay $0x1  }
0x200: {  	v17 =	vld [tilespmem:$0x1FFB0];
	_ =	sdelay $0x2  }
0x201: {  	v0 =	vsel vm9, v32, v0;
	vm9 =	vnez.u8 v16;
	v16 =	vld [tilespmem:$0x1FF80]  }
0x202: {  	vm0 =	vmor vm0, vm10  }
0x203: {  	vm0 =	vmor vm0, vm12;
	vm12 =	vnez.u8 v17;
	v17 =	vld [tilespmem:$0x1FFC0];
	_ =	sdelay $0x2  }
0x204: {  	v0 =	vsel vm11, v31, v0;
	[tilespmem:$0x1D0] =	vst v16;
	v16 =	vld [tilespmem:$0x1FF90]  }
0x205: {  	v0 =	vsel vm14, v30, v0  }
0x206: {  	v0 =	vsel vm13, v28, v0;
	vm13 =	vnez.u8 v17;
	v17 =	vld [tilespmem:$0x1FFD0]  }
0x207: {  	[tilespmem:$0x1E0] =	vst v63  }
0x208: {  	[tilespmem:$0x280] =	vst v49  }
0x209: {  	[tilespmem:$0x290] =	vst v46;
	vm10 =	vnez.u8 v16;
	v16 =	vld [tilespmem:$0x1FFA0]  }
0x20a: {  	[tilespmem:$0x2D0] =	vst v60  }
0x20b: {  	[tilespmem:$0x2C0] =	vst v59;
	vm14 =	vnez.u8 v17;
	v17 =	vld [tilespmem:$0x1FFE0];
	vm1 =	vmor vm1, vm15  }
0x20c: {  	[tilespmem:$0x240] =	vst v58;
	vm1 =	vmor vm1, vm4  }
0x20d: {  	[tilespmem:$0x2A0] =	vst v44;
	v0 =	vsel vm12, v26, v0;
	vm1 =	vmor vm1, vm5;
	vm0 =	vmor vm0, vm7  }
0x20e: {  	[tilespmem:$0x250] =	vst v57;
	vm1 =	vmor vm1, vm6;
	vm0 =	vmor vm0, vm9;
	vm11 =	vnez.u8 v16  }
0x20f: {  	[tilespmem:$0x2B0] =	vst v56;
	v0 =	vsel vm14, v27, v0;
	vm1 =	vmor vm1, vm8;
	vm0 =	vmor vm0, vm11  }
0x210: {  	[tilespmem:$0x260] =	vst v61;
	vm15 =	vnez.u8 v17;
	vm1 =	vmor vm1, vm10;
	vm0 =	vmor vm0, vm13  }
0x211: {  	[tilespmem:$0x1F0] =	vst v0;
	v16 =	vsel vm1, $0x42000000, v19;
	vm0 =	vmor vm0, vm15  }
0x212: {  	[tilespmem:$0x2E0] =	vst v16;
	v16 =	vsel vm0, $0x42000000, v19  }
0x213: {  	[tilespmem:$0x2F0] =	vst v16  }
0x214: {  	[hbm4b:s5+s1] =	stream.linear.scatter [tilespmem:s10], [sflag:$0x1], $0x100, $0x38;
	[tilespmem:$0x300] =	vst v63  }
0x215: {  	_ =	swait.ge [sflag:s8], $0x100  }
0x216: {  	p0 =	sne.s32 s7, $0x1;
	[sflag:s8] =	ssyncset.done $0x0  }
.Ltmp0:
0x217: {  	[sflag:s8] =	ssyncadd.s32 $0xFFFFFF00;
	(pc) =	sbr.rel @p0 .LBB2_1-.Ltmp0, $4  }
0x218: {  	[hbm4b:s6+s1] =	stream.linear.scatter [tilespmem:s11], [sflag:$0x1], $0x100, $0x38;
	[tilespmem:$0x300] =	vst v63  }
0x219: {  	_ =	swait.ge [sflag:s8], $0x100  }
0x21a: {  	[sflag:s8] =	ssyncset.done $0x0  }
0x21b: {  	s7 =	sadd.s32 $0xFFFFFFFF, s7;
	[sflag:s8] =	ssyncadd.s32 $0xFFFFFF00  }
0x21c: {  	_ =	sfence.sel $0x180000  }
0x21d: {  	[bflag:$0x0] =	sbarrier.arrive $0xFFFF  }
0x21e: {  	p0 =	sne.s32 s2, $0x0;
	_ =	strace $0x90000047  }
0x21f: {  	s0 =	sadd.s32 @!p0 $0x100000, s0;
	[bflag:$0x2] =	sbarrier.arrive $0xFFFF  }
0x220: {  	[sflag:s0] =	ssyncadd.tile.s32 @!p0 $0x1;
	_ =	shalt  }
.Lfunc_end2:
_tile_overlayer_lowered:
.L_overlay_start_2:
0x221: {  	(tag) =	ssettag $0x2  }
0x222: {  	s0 =	rddreg [dreg:$0x0];
	s2 =	stileid.u32  }
0x223: {  	s1 =	rddreg [dreg:$0x1];
	p0 =	sne.s32 s2, $0x0  }
0x224: {  	s3 =	rddreg [dreg:$0x2];
	[bflag:$0x3] =	sbarrier.arrive $0xFFFF;
	s2 =	simm.s32 @!p0 $0x1C01  }
0x225: {  	[timem:s3], [sflag:s2] =	dma.local @!p0 [hbm:s0], s1  }
0x226: {  	s0 =	simm.s32 @!p0 $0x1  }
0x227: {  	_ =	swait.ge @!p0 [sflag:s0], s1  }
0x228: {  	s1 =	ssub.s32 @!p0 $0x0, s1;
	[sflag:s0] =	ssyncset.done @!p0 $0x0  }
0x229: {  	[sflag:s0] =	ssyncadd.s32 @!p0 s1  }
0x22a: {  	[bflag:$0x3] =	sbarrier.arrive $0xFFFF  }
0x22b: {  	_ =	shalt  }

</sc_bundles>
